<compile_context>
chip_gen: v7x
topology: tpu7x:2x2x1
jax: 0.10.2.dev20260603
libtpu: 0.0.44.dev20260713+nightly
codegen_flags: <defaults>
</compile_context>

<pallas_src>
import functools

import jax
import jax.numpy as jnp
from jax import lax
from jax.experimental import pallas as pl
from jax.experimental.pallas import tpu as pltpu
from jax.experimental.pallas import tpu_sc as plsc

N = 10000
E = 320000
D = 128
LAYERS = 3
G = 64
FIXED = 128

NC = 2
NS = 16
K = 128
NCHUNK = 80
E_PAD = K * NCHUNK * NC * NS
N_PAD = 10112
ROWS_PT = N_PAD // NS

KG = 80
NCHUNK_G = 4
N_G = KG * NCHUNK_G * NC * NS


def _bdot(a, b):
  return jnp.dot(a.astype(jnp.bfloat16), b.astype(jnp.bfloat16),
                 preferred_element_type=jnp.float32)


def _edge_pass(h, src_t, dst_t, zeros):
  mesh = plsc.VectorSubcoreMesh(core_axis_name="c", subcore_axis_name="s")

  @functools.partial(
      pl.kernel,
      out_type=jax.ShapeDtypeStruct((NC, N_PAD, D), jnp.float32),
      mesh=mesh,
      scratch_types=[
          pltpu.VMEM((K,), jnp.int32),
          pltpu.VMEM((K,), jnp.int32),
          pltpu.VMEM((K,), jnp.int32),
          pltpu.VMEM((K,), jnp.int32),
          pltpu.VMEM((K, D), jnp.float32),
          pltpu.VMEM((K, D), jnp.float32),
          pltpu.SemaphoreType.DMA,
          pltpu.SemaphoreType.DMA,
          pltpu.SemaphoreType.DMA,
          pltpu.SemaphoreType.DMA,
          pltpu.SemaphoreType.DMA,
          pltpu.SemaphoreType.DMA,
          pltpu.VMEM_SHARED((N_PAD, D), jnp.float32),
      ],
  )
  def body(h_hbm, src_hbm, dst_hbm, z_hbm, out_hbm, src_a, src_b, dst_a,
           dst_b, rows_a, rows_b, sg_a, sg_b, si_a, si_b, ss_a, ss_b,
           agg_sh):
    c = lax.axis_index("c")
    s = lax.axis_index("s")
    pltpu.sync_copy(z_hbm.at[pl.ds(s * ROWS_PT, ROWS_PT)],
                    agg_sh.at[pl.ds(s * ROWS_PT, ROWS_PT)])
    plsc.subcore_barrier()

    pltpu.sync_copy(src_hbm.at[c, s, 0], src_a)
    pltpu.sync_copy(dst_hbm.at[c, s, 0], dst_a)
    pltpu.async_copy(h_hbm.at[src_a], rows_a, sg_a)
    pltpu.async_copy(src_hbm.at[c, s, 1], src_b, si_b)
    pltpu.async_copy(dst_hbm.at[c, s, 1], dst_b, si_b)

    def step(j, src_c, src_n, dst_c, dst_n, rows_c, rows_n, sg_c, sg_n,
             si_c, si_n, ss_c, ss_n):
      @pl.when(j + 1 < NCHUNK)
      def _():
        pltpu.make_async_copy(src_hbm.at[c, s, 0], src_n, si_n).wait()
        pltpu.make_async_copy(dst_hbm.at[c, s, 0], dst_n, si_n).wait()

        @pl.when(j >= 1)
        def _():
          pltpu.make_async_copy(h_hbm.at[pl.ds(0, K)], rows_n, ss_n).wait()

        pltpu.async_copy(h_hbm.at[src_n], rows_n, sg_n)
      pltpu.make_async_copy(h_hbm.at[pl.ds(0, K)], rows_c, sg_c).wait()
      pltpu.async_copy(rows_c, agg_sh.at[dst_c], ss_c, add=True)
      @pl.when(j + 2 < NCHUNK)
      def _():
        pltpu.async_copy(src_hbm.at[c, s, j + 2], src_c, si_c)
        pltpu.async_copy(dst_hbm.at[c, s, j + 2], dst_c, si_c)

    def chunk2(jj, carry):
      j0 = 2 * jj
      step(j0, src_a, src_b, dst_a, dst_b, rows_a, rows_b, sg_a, sg_b,
           si_a, si_b, ss_a, ss_b)
      step(j0 + 1, src_b, src_a, dst_b, dst_a, rows_b, rows_a, sg_b, sg_a,
           si_b, si_a, ss_b, ss_a)
      return carry

    lax.fori_loop(0, NCHUNK // 2, chunk2, 0)
    pltpu.make_async_copy(h_hbm.at[pl.ds(0, K)], rows_a, ss_a).wait()
    pltpu.make_async_copy(h_hbm.at[pl.ds(0, K)], rows_b, ss_b).wait()
    plsc.subcore_barrier()
    pltpu.sync_copy(agg_sh.at[pl.ds(s * ROWS_PT, ROWS_PT)],
                    out_hbm.at[c, pl.ds(s * ROWS_PT, ROWS_PT)])

  return body(h, src_t, dst_t, zeros)


def _row_gather(table, idx_t):
  mesh = plsc.VectorSubcoreMesh(core_axis_name="c", subcore_axis_name="s")

  @functools.partial(
      pl.kernel,
      out_type=jax.ShapeDtypeStruct((NC, NS, NCHUNK_G * KG, D), jnp.float32),
      mesh=mesh,
      scratch_types=[
          pltpu.VMEM((NCHUNK_G, KG), jnp.int32),
          pltpu.VMEM((KG, D), jnp.float32),
          pltpu.SemaphoreType.DMA,
      ],
  )
  def body(tab_hbm, idx_hbm, out_hbm, idx_v, rows_v, sem):
    c = lax.axis_index("c")
    s = lax.axis_index("s")
    pltpu.sync_copy(idx_hbm.at[c, s], idx_v)

    def chunk(j, carry):
      pltpu.async_copy(tab_hbm.at[idx_v.at[j]], rows_v, sem).wait()
      pltpu.sync_copy(rows_v, out_hbm.at[c, s, pl.ds(j * KG, KG)])
      return carry

    lax.fori_loop(0, NCHUNK_G, chunk, 0)

  return body(table, idx_t)


def _encoder(feat2, rwse, W_vp, W_rwse, degrow_full, bias):
  def body(fid_ref, rwse_ref, wvp_ref, wrwse_ref, degrow_ref, bias_ref,
           out_ref):
    iota = lax.broadcasted_iota(jnp.int32, (N, FIXED), 1)
    hid = lax.rem(fid_ref[...], FIXED)
    oh = jnp.where(hid == iota, 1.0, 0.0)
    acc = _bdot(oh, wvp_ref[...])
    acc = acc + _bdot(rwse_ref[...], wrwse_ref[...])
    out_ref[...] = acc + degrow_ref[:N, :] + bias_ref[...]

  return pl.pallas_call(
      body, out_shape=jax.ShapeDtypeStruct((N, D), jnp.float32),
  )(feat2, rwse, W_vp, W_rwse, degrow_full, bias)


def _mlp(agg, h, w1, b1, w2, b2, ga, be, ep, bi2, last):
  def body(agg_ref, h_ref, w1_ref, b1_ref, w2_ref, b2_ref, ga_ref, be_ref,
           ep_ref, *rest):
    if last:
      bi_ref, hout_ref, gf_ref = rest
    else:
      (hout_ref,) = rest
    a = agg_ref[0, :N, :] + agg_ref[1, :N, :]
    x = a + (1.0 + ep_ref[0, 0]) * h_ref[...]
    m = jnp.maximum(_bdot(x, w1_ref[...]) + b1_ref[...], 0.0)
    m = _bdot(m, w2_ref[...]) + b2_ref[...]
    mu = jnp.mean(m, axis=0, keepdims=True)
    ctr = m - mu
    var = jnp.mean(ctr * ctr, axis=0, keepdims=True)
    y = ctr / jnp.sqrt(var + 1e-5) * ga_ref[...] + be_ref[...]
    hn = jnp.maximum(y, 0.0)
    hout_ref[...] = hn
    if last:
      giota = lax.broadcasted_iota(jnp.int32, (G, N), 0)
      ogt = jnp.where(bi_ref[...] == giota, 1.0, 0.0)
      sums = jnp.dot(ogt, hn, preferred_element_type=jnp.float32,
                     precision=lax.Precision.HIGHEST)
      counts = jnp.dot(ogt, jnp.ones((N, D), jnp.float32),
                       preferred_element_type=jnp.float32,
                       precision=lax.Precision.HIGHEST)
      gf_ref[...] = sums / jnp.maximum(counts, 1.0)

  if last:
    out_shape = (jax.ShapeDtypeStruct((N, D), jnp.float32),
                 jax.ShapeDtypeStruct((G, D), jnp.float32))
    return pl.pallas_call(body, out_shape=out_shape)(
        agg, h, w1, b1, w2, b2, ga, be, ep, bi2)
  out_shape = jax.ShapeDtypeStruct((N, D), jnp.float32)
  return pl.pallas_call(body, out_shape=out_shape)(
      agg, h, w1, b1, w2, b2, ga, be, ep)


def kernel(feat_id, edge_index, batch_idx, rwse, in_degrees, W_vp, b_vp,
           W_rwse, b_rwse, deg_emb, eps, W1, b1, W2, b2, gamma, beta):
  feat2 = feat_id.astype(jnp.int32).reshape(N, 1)
  bias = (b_vp + b_rwse).reshape(1, D)
  bi2 = batch_idx.astype(jnp.int32).reshape(1, N)

  deg = jnp.clip(in_degrees.astype(jnp.int32), 0, 1000)
  pad_g = (jnp.arange(N_G - N, dtype=jnp.int32) * 37) % 1001
  deg_t = jnp.concatenate([deg, pad_g]).reshape(NC, NS, NCHUNK_G, KG)
  degrow = _row_gather(deg_emb, deg_t).reshape(N_G, D)

  pad_n = E_PAD - E
  pad_src = (jnp.arange(pad_n, dtype=jnp.int32) * 97) % N
  pad_dst = N + (jnp.arange(pad_n, dtype=jnp.int32) % (N_PAD - N))
  src_t = jnp.concatenate([edge_index[0].astype(jnp.int32), pad_src])
  dst_t = jnp.concatenate([edge_index[1].astype(jnp.int32), pad_dst])
  src_t = src_t.reshape(NC, NS, NCHUNK, K)
  dst_t = dst_t.reshape(NC, NS, NCHUNK, K)
  zeros = jnp.zeros((N_PAD, D), jnp.float32)

  h = _encoder(feat2, rwse, W_vp, W_rwse, degrow, bias)
  gf = None
  for l in range(LAYERS):
    agg = _edge_pass(h, src_t, dst_t, zeros)
    last = l == LAYERS - 1
    ep = eps[l].reshape(1, 1)
    res = _mlp(agg, h, W1[l], b1[l].reshape(1, D), W2[l], b2[l].reshape(1, D),
               gamma[l].reshape(1, D), beta[l].reshape(1, D), ep, bi2, last)
    if last:
      h, gf = res
    else:
      h = res
  return (gf, h)

# --- scband reference (transcript-rebuilt; emitter-appended) ---
"""Pipeline reference for scband-export-module-66340064854635 (READ-ONLY COPY).

The authoritative reference and input builder live on the scoring server;
editing this copy changes nothing except your own understanding.
"""

import jax, jax.numpy as jnp
import numpy as np

N = 10000
E = 320000
D = 128
RWSE = 16
L = 3
G = 64
FIXED = 128


def setup_inputs(seed: int = 0) -> dict:
    key = jax.random.key(seed)
    ks = jax.random.split(key, 16)
    feat_id = jax.random.randint(ks[0], (N,), 0, 100000)
    edge_index = jax.random.randint(ks[1], (2, E), 0, N)
    batch_idx = jnp.sort(jax.random.randint(ks[2], (N,), 0, G))
    batch_idx = batch_idx.at[-1].set(G - 1)
    rwse = jax.random.uniform(ks[3], (N, RWSE), dtype=jnp.float32)
    in_degrees = jax.random.randint(ks[4], (N,), 0, 1001)
    s = 0.05
    W_vp = jax.random.normal(ks[5], (FIXED, D), jnp.float32) * s
    b_vp = jnp.zeros((D,), jnp.float32)
    W_rwse = jax.random.normal(ks[6], (RWSE, D), jnp.float32) * s
    b_rwse = jnp.zeros((D,), jnp.float32)
    deg_emb = jax.random.normal(ks[7], (1001, D), jnp.float32) * s
    eps = jnp.zeros((L,), jnp.float32)
    W1 = jax.random.normal(ks[8], (L, D, D), jnp.float32) * s
    b1 = jnp.zeros((L, D), jnp.float32)
    W2 = jax.random.normal(ks[9], (L, D, D), jnp.float32) * s
    b2 = jnp.zeros((L, D), jnp.float32)
    gamma = jnp.ones((L, D), jnp.float32)
    beta = jnp.zeros((L, D), jnp.float32)
    return {
        'feat_id': feat_id, 'edge_index': edge_index, 'batch_idx': batch_idx,
        'rwse': rwse, 'in_degrees': in_degrees,
        'W_vp': W_vp, 'b_vp': b_vp, 'W_rwse': W_rwse, 'b_rwse': b_rwse,
        'deg_emb': deg_emb, 'eps': eps, 'W1': W1, 'b1': b1, 'W2': W2, 'b2': b2,
        'gamma': gamma, 'beta': beta,
    }


def reference(feat_id, edge_index, batch_idx, rwse, in_degrees,
              W_vp, b_vp, W_rwse, b_rwse, deg_emb, eps, W1, b1, W2, b2, gamma, beta):
    # PatchedEncoder.forward
    h_id = jnp.remainder(feat_id, FIXED)
    h_one_hot = jax.nn.one_hot(h_id, FIXED, dtype=jnp.float32)
    h_attr = h_one_hot @ W_vp + b_vp
    h_attr = h_attr + rwse @ W_rwse + b_rwse
    deg = jnp.clip(in_degrees, 0, 1000)
    h = h_attr + jnp.take(deg_emb, deg, axis=0)
    src = edge_index[0]
    dst = edge_index[1]
    for l in range(L):
        # PatchedGINConv: scatter-add of gathered neighbor features
        agg = jnp.zeros_like(h).at[dst].add(jnp.take(h, src, axis=0))
        out = agg + (1.0 + eps[l]) * h
        # GIN mlp: Linear -> ReLU -> Linear
        m = jax.nn.relu(out @ W1[l] + b1[l]) @ W2[l] + b2[l]
        # BatchNorm1d (batch statistics) + ReLU
        mu = jnp.mean(m, axis=0)
        var = jnp.var(m, axis=0)
        m = (m - mu) / jnp.sqrt(var + 1e-5) * gamma[l] + beta[l]
        h = jax.nn.relu(m)
    # mean pooling by graph via scatter-add
    num_graphs = G
    sums = jnp.zeros((num_graphs, D), h.dtype).at[batch_idx].add(h)
    ones = jnp.ones((h.shape[0], 1), h.dtype)
    counts = jnp.zeros((num_graphs, 1), h.dtype).at[batch_idx].add(ones)
    graph_feature = sums / jnp.clip(counts, 1.0, None)
    return (graph_feature, h)

if __name__ == "__main__":
    import jax
    _d = setup_inputs()
    print(jax.jit(kernel)(*tuple(_d.values())))

</pallas_src>

<mosaic_0001>
#map = affine_map<(d0, d1) -> (0, 0)>
#map1 = affine_map<(d0, d1) -> (0, 0, 0, 0)>
#map2 = affine_map<(d0, d1) -> (0, 0, 0)>
module attributes {stable_mosaic.version = 14 : i64} {
  func.func @body(%arg0: i32, %arg1: i32, %arg2: memref<10000x128xf32, #tpu.memory_space<hbm>>, %arg3: memref<2x16x80x128xi32, #tpu.memory_space<hbm>>, %arg4: memref<2x16x80x128xi32, #tpu.memory_space<hbm>>, %arg5: memref<10112x128xf32, #tpu.memory_space<hbm>>, %arg6: memref<2x10112x128xf32, #tpu.memory_space<hbm>>, %arg7: memref<128xi32, #tpu.memory_space<vmem>>, %arg8: memref<128xi32, #tpu.memory_space<vmem>>, %arg9: memref<128xi32, #tpu.memory_space<vmem>>, %arg10: memref<128xi32, #tpu.memory_space<vmem>>, %arg11: memref<128x128xf32, #tpu.memory_space<vmem>>, %arg12: memref<128x128xf32, #tpu.memory_space<vmem>>, %arg13: memref<!tpu.dma_semaphore, #tpu.memory_space<semaphore_mem>>, %arg14: memref<!tpu.dma_semaphore, #tpu.memory_space<semaphore_mem>>, %arg15: memref<!tpu.dma_semaphore, #tpu.memory_space<semaphore_mem>>, %arg16: memref<!tpu.dma_semaphore, #tpu.memory_space<semaphore_mem>>, %arg17: memref<!tpu.dma_semaphore, #tpu.memory_space<semaphore_mem>>, %arg18: memref<!tpu.dma_semaphore, #tpu.memory_space<semaphore_mem>>, %arg19: memref<10112x128xf32, #tpu.memory_space<vmem_shared>>) attributes {dimension_semantics = [#tpu.dimension_semantics<core_parallel>, #tpu.dimension_semantics<subcore_parallel>], iteration_bounds = array<i64: 2, 16>, scalar_prefetch = 0 : i64, scratch_operands = 13 : i64, tpu.core_type = #tpu.core_type<sc_vector_subcore>, window_params = [{transform_indices = #map}, {transform_indices = #map1}, {transform_indices = #map1}, {transform_indices = #map}, {transform_indices = #map2}]} {
    %mul3A = arith.constant 632 : i32
    %mul3A_0 = arith.muli %arg1, %mul3A : i32
    %mul3A_1 = arith.constant 632 : i32
    %mul3A_2 = arith.muli %arg1, %mul3A_1 : i32
    "tpu.region"() ({
      %run_scoped3A_41 = tpu.sem_alloc : memref<!tpu.dma_semaphore, #tpu.memory_space<semaphore_mem>>
      %dma_start3A_42 = arith.constant 0 : i32
      %dma_start3A_43 = tpu.memref_slice %arg19[%mul3A_2, %dma_start3A_42] : memref<10112x128xf32, #tpu.memory_space<vmem_shared>> -> memref<632x128xf32, #tpu.memory_space<vmem_shared>>
      %dma_start3A_44 = arith.constant 0 : i32
      %dma_start3A_45 = tpu.memref_slice %arg5[%mul3A_0, %dma_start3A_44] : memref<10112x128xf32, #tpu.memory_space<hbm>> -> memref<632x128xf32, #tpu.memory_space<hbm>>
      tpu.enqueue_dma source(%dma_start3A_45 : memref<632x128xf32, #tpu.memory_space<hbm>>) target(%dma_start3A_43 : memref<632x128xf32, #tpu.memory_space<vmem_shared>>) target_semaphore(%run_scoped3A_41 : memref<!tpu.dma_semaphore, #tpu.memory_space<semaphore_mem>>)
      %dma_wait3A_46 = arith.constant 0 : i32
      %dma_wait3A_47 = tpu.memref_slice %arg19[%mul3A_2, %dma_wait3A_46] : memref<10112x128xf32, #tpu.memory_space<vmem_shared>> -> memref<632x128xf32, #tpu.memory_space<vmem_shared>>
      %dma_wait3A_48 = arith.constant 0 : i32
      %dma_wait3A_49 = tpu.memref_slice %arg5[%mul3A_0, %dma_wait3A_48] : memref<10112x128xf32, #tpu.memory_space<hbm>> -> memref<632x128xf32, #tpu.memory_space<hbm>>
      tpu.wait_dma2 semaphore(%run_scoped3A_41 : memref<!tpu.dma_semaphore, #tpu.memory_space<semaphore_mem>>) src(%dma_wait3A_49 : memref<632x128xf32, #tpu.memory_space<hbm>>) dst(%dma_wait3A_47 : memref<632x128xf32, #tpu.memory_space<vmem_shared>>)
      tpu.yield
    }) : () -> ()
    %barrier3A = arith.constant 0 : index
    tpu.barrier barrier_id(%barrier3A)
    %run_scoped3A = arith.constant 0 : i32
    "tpu.region"() ({
      %run_scoped3A_41 = tpu.sem_alloc : memref<!tpu.dma_semaphore, #tpu.memory_space<semaphore_mem>>
      %dma_start3A_42 = arith.constant 0 : i32
      %dma_start3A_43 = tpu.memref_slice %arg3[%arg0, %arg1, %run_scoped3A, %dma_start3A_42] : memref<2x16x80x128xi32, #tpu.memory_space<hbm>> -> memref<1x1x1x128xi32, #tpu.memory_space<hbm>>
      %dma_start3A_44 = tpu.memref_squeeze %dma_start3A_43 : memref<1x1x1x128xi32, #tpu.memory_space<hbm>> -> memref<128xi32, #tpu.memory_space<hbm>>
      %dma_start3A_45 = arith.constant 0 : i32
      %dma_start3A_46 = tpu.memref_slice %arg3[%arg0, %arg1, %run_scoped3A, %dma_start3A_45] : memref<2x16x80x128xi32, #tpu.memory_space<hbm>> -> memref<1x1x1x128xi32, #tpu.memory_space<hbm>>
      %dma_start3A_47 = tpu.memref_squeeze %dma_start3A_46 : memref<1x1x1x128xi32, #tpu.memory_space<hbm>> -> memref<128xi32, #tpu.memory_space<hbm>>
      tpu.enqueue_dma source(%dma_start3A_47 : memref<128xi32, #tpu.memory_space<hbm>>) target(%arg7 : memref<128xi32, #tpu.memory_space<vmem>>) target_semaphore(%run_scoped3A_41 : memref<!tpu.dma_semaphore, #tpu.memory_space<semaphore_mem>>)
      %dma_wait3A_48 = arith.constant 0 : i32
      %dma_wait3A_49 = tpu.memref_slice %arg3[%arg0, %arg1, %run_scoped3A, %dma_wait3A_48] : memref<2x16x80x128xi32, #tpu.memory_space<hbm>> -> memref<1x1x1x128xi32, #tpu.memory_space<hbm>>
      %dma_wait3A_50 = tpu.memref_squeeze %dma_wait3A_49 : memref<1x1x1x128xi32, #tpu.memory_space<hbm>> -> memref<128xi32, #tpu.memory_space<hbm>>
      %dma_wait3A_51 = arith.constant 0 : i32
      %dma_wait3A_52 = tpu.memref_slice %arg3[%arg0, %arg1, %run_scoped3A, %dma_wait3A_51] : memref<2x16x80x128xi32, #tpu.memory_space<hbm>> -> memref<1x1x1x128xi32, #tpu.memory_space<hbm>>
      %dma_wait3A_53 = tpu.memref_squeeze %dma_wait3A_52 : memref<1x1x1x128xi32, #tpu.memory_space<hbm>> -> memref<128xi32, #tpu.memory_space<hbm>>
      tpu.wait_dma2 semaphore(%run_scoped3A_41 : memref<!tpu.dma_semaphore, #tpu.memory_space<semaphore_mem>>) src(%dma_wait3A_53 : memref<128xi32, #tpu.memory_space<hbm>>) dst(%arg7 : memref<128xi32, #tpu.memory_space<vmem>>)
      tpu.yield
    }) : () -> ()
    %run_scoped3A_3 = arith.constant 0 : i32
    "tpu.region"() ({
      %run_scoped3A_41 = tpu.sem_alloc : memref<!tpu.dma_semaphore, #tpu.memory_space<semaphore_mem>>
      %dma_start3A_42 = arith.constant 0 : i32
      %dma_start3A_43 = tpu.memref_slice %arg4[%arg0, %arg1, %run_scoped3A_3, %dma_start3A_42] : memref<2x16x80x128xi32, #tpu.memory_space<hbm>> -> memref<1x1x1x128xi32, #tpu.memory_space<hbm>>
      %dma_start3A_44 = tpu.memref_squeeze %dma_start3A_43 : memref<1x1x1x128xi32, #tpu.memory_space<hbm>> -> memref<128xi32, #tpu.memory_space<hbm>>
      %dma_start3A_45 = arith.constant 0 : i32
      %dma_start3A_46 = tpu.memref_slice %arg4[%arg0, %arg1, %run_scoped3A_3, %dma_start3A_45] : memref<2x16x80x128xi32, #tpu.memory_space<hbm>> -> memref<1x1x1x128xi32, #tpu.memory_space<hbm>>
      %dma_start3A_47 = tpu.memref_squeeze %dma_start3A_46 : memref<1x1x1x128xi32, #tpu.memory_space<hbm>> -> memref<128xi32, #tpu.memory_space<hbm>>
      tpu.enqueue_dma source(%dma_start3A_47 : memref<128xi32, #tpu.memory_space<hbm>>) target(%arg9 : memref<128xi32, #tpu.memory_space<vmem>>) target_semaphore(%run_scoped3A_41 : memref<!tpu.dma_semaphore, #tpu.memory_space<semaphore_mem>>)
      %dma_wait3A_48 = arith.constant 0 : i32
      %dma_wait3A_49 = tpu.memref_slice %arg4[%arg0, %arg1, %run_scoped3A_3, %dma_wait3A_48] : memref<2x16x80x128xi32, #tpu.memory_space<hbm>> -> memref<1x1x1x128xi32, #tpu.memory_space<hbm>>
      %dma_wait3A_50 = tpu.memref_squeeze %dma_wait3A_49 : memref<1x1x1x128xi32, #tpu.memory_space<hbm>> -> memref<128xi32, #tpu.memory_space<hbm>>
      %dma_wait3A_51 = arith.constant 0 : i32
      %dma_wait3A_52 = tpu.memref_slice %arg4[%arg0, %arg1, %run_scoped3A_3, %dma_wait3A_51] : memref<2x16x80x128xi32, #tpu.memory_space<hbm>> -> memref<1x1x1x128xi32, #tpu.memory_space<hbm>>
      %dma_wait3A_53 = tpu.memref_squeeze %dma_wait3A_52 : memref<1x1x1x128xi32, #tpu.memory_space<hbm>> -> memref<128xi32, #tpu.memory_space<hbm>>
      tpu.wait_dma2 semaphore(%run_scoped3A_41 : memref<!tpu.dma_semaphore, #tpu.memory_space<semaphore_mem>>) src(%dma_wait3A_53 : memref<128xi32, #tpu.memory_space<hbm>>) dst(%arg9 : memref<128xi32, #tpu.memory_space<vmem>>)
      tpu.yield
    }) : () -> ()
    %dma_start3A = arith.constant 0 : i32
    %dma_start3A_4 = arith.constant 0 : i32
    %dma_start3A_5 = tpu.memref_slice %arg2[%dma_start3A, %dma_start3A_4] : memref<10000x128xf32, #tpu.memory_space<hbm>> -> memref<10000x128xf32, #tpu.memory_space<hbm>>
    tpu.enqueue_indirect_dma source(%dma_start3A_5 : memref<10000x128xf32, #tpu.memory_space<hbm>>) target(%arg11 : memref<128x128xf32, #tpu.memory_space<vmem>>) offsets(%arg7 : memref<128xi32, #tpu.memory_space<vmem>>) semaphore(%arg13 : memref<!tpu.dma_semaphore, #tpu.memory_space<semaphore_mem>>)
    %dma_start3A_6 = arith.constant 1 : i32
    %dma_start3A_7 = arith.constant 0 : i32
    %dma_start3A_8 = tpu.memref_slice %arg3[%arg0, %arg1, %dma_start3A_6, %dma_start3A_7] : memref<2x16x80x128xi32, #tpu.memory_space<hbm>> -> memref<1x1x1x128xi32, #tpu.memory_space<hbm>>
    %dma_start3A_9 = tpu.memref_squeeze %dma_start3A_8 : memref<1x1x1x128xi32, #tpu.memory_space<hbm>> -> memref<128xi32, #tpu.memory_space<hbm>>
    %dma_start3A_10 = arith.constant 0 : i32
    %dma_start3A_11 = tpu.memref_slice %arg3[%arg0, %arg1, %dma_start3A_6, %dma_start3A_10] : memref<2x16x80x128xi32, #tpu.memory_space<hbm>> -> memref<1x1x1x128xi32, #tpu.memory_space<hbm>>
    %dma_start3A_12 = tpu.memref_squeeze %dma_start3A_11 : memref<1x1x1x128xi32, #tpu.memory_space<hbm>> -> memref<128xi32, #tpu.memory_space<hbm>>
    tpu.enqueue_dma source(%dma_start3A_12 : memref<128xi32, #tpu.memory_space<hbm>>) target(%arg8 : memref<128xi32, #tpu.memory_space<vmem>>) target_semaphore(%arg16 : memref<!tpu.dma_semaphore, #tpu.memory_space<semaphore_mem>>)
    %dma_start3A_13 = arith.constant 1 : i32
    %dma_start3A_14 = arith.constant 0 : i32
    %dma_start3A_15 = tpu.memref_slice %arg4[%arg0, %arg1, %dma_start3A_13, %dma_start3A_14] : memref<2x16x80x128xi32, #tpu.memory_space<hbm>> -> memref<1x1x1x128xi32, #tpu.memory_space<hbm>>
    %dma_start3A_16 = tpu.memref_squeeze %dma_start3A_15 : memref<1x1x1x128xi32, #tpu.memory_space<hbm>> -> memref<128xi32, #tpu.memory_space<hbm>>
    %dma_start3A_17 = arith.constant 0 : i32
    %dma_start3A_18 = tpu.memref_slice %arg4[%arg0, %arg1, %dma_start3A_13, %dma_start3A_17] : memref<2x16x80x128xi32, #tpu.memory_space<hbm>> -> memref<1x1x1x128xi32, #tpu.memory_space<hbm>>
    %dma_start3A_19 = tpu.memref_squeeze %dma_start3A_18 : memref<1x1x1x128xi32, #tpu.memory_space<hbm>> -> memref<128xi32, #tpu.memory_space<hbm>>
    tpu.enqueue_dma source(%dma_start3A_19 : memref<128xi32, #tpu.memory_space<hbm>>) target(%arg10 : memref<128xi32, #tpu.memory_space<vmem>>) target_semaphore(%arg16 : memref<!tpu.dma_semaphore, #tpu.memory_space<semaphore_mem>>)
    %scan3A = arith.constant 0 : i32
    %scan3A_20 = arith.constant 0 : i32
    %scan3A_21 = arith.constant 40 : i32
    %scan3A_22 = arith.addi %scan3A_20, %scan3A_21 : i32
    %scan3A_23 = arith.constant 1 : i32
    scf.for %scan3A_41 = %scan3A_20 to %scan3A_22 step %scan3A_23  : i32 {
      %mul3A_42 = arith.constant 2 : i32
      %mul3A_43 = arith.muli %mul3A_42, %scan3A_41 : i32
      %add3A = arith.constant 1 : i32
      %add3A_44 = arith.addi %mul3A_43, %add3A : i32
      %lt3A = arith.constant 80 : i32
      %lt3A_45 = arith.cmpi slt, %add3A_44, %lt3A : i32
      %convert_element_type3A = arith.extui %lt3A_45 : i1 to i32
      %cond3A = arith.constant 0 : i32
      %cond3A_46 = arith.cmpi ne, %convert_element_type3A, %cond3A : i32
      scf.if %cond3A_46 {
        %dma_wait3A_88 = arith.constant 0 : i32
        %dma_wait3A_89 = arith.constant 0 : i32
        %dma_wait3A_90 = tpu.memref_slice %arg3[%arg0, %arg1, %dma_wait3A_88, %dma_wait3A_89] : memref<2x16x80x128xi32, #tpu.memory_space<hbm>> -> memref<1x1x1x128xi32, #tpu.memory_space<hbm>>
        %dma_wait3A_91 = tpu.memref_squeeze %dma_wait3A_90 : memref<1x1x1x128xi32, #tpu.memory_space<hbm>> -> memref<128xi32, #tpu.memory_space<hbm>>
        %dma_wait3A_92 = arith.constant 0 : i32
        %dma_wait3A_93 = tpu.memref_slice %arg3[%arg0, %arg1, %dma_wait3A_88, %dma_wait3A_92] : memref<2x16x80x128xi32, #tpu.memory_space<hbm>> -> memref<1x1x1x128xi32, #tpu.memory_space<hbm>>
        %dma_wait3A_94 = tpu.memref_squeeze %dma_wait3A_93 : memref<1x1x1x128xi32, #tpu.memory_space<hbm>> -> memref<128xi32, #tpu.memory_space<hbm>>
        tpu.wait_dma2 semaphore(%arg16 : memref<!tpu.dma_semaphore, #tpu.memory_space<semaphore_mem>>) src(%dma_wait3A_94 : memref<128xi32, #tpu.memory_space<hbm>>) dst(%arg8 : memref<128xi32, #tpu.memory_space<vmem>>)
        %dma_wait3A_95 = arith.constant 0 : i32
        %dma_wait3A_96 = arith.constant 0 : i32
        %dma_wait3A_97 = tpu.memref_slice %arg4[%arg0, %arg1, %dma_wait3A_95, %dma_wait3A_96] : memref<2x16x80x128xi32, #tpu.memory_space<hbm>> -> memref<1x1x1x128xi32, #tpu.memory_space<hbm>>
        %dma_wait3A_98 = tpu.memref_squeeze %dma_wait3A_97 : memref<1x1x1x128xi32, #tpu.memory_space<hbm>> -> memref<128xi32, #tpu.memory_space<hbm>>
        %dma_wait3A_99 = arith.constant 0 : i32
        %dma_wait3A_100 = tpu.memref_slice %arg4[%arg0, %arg1, %dma_wait3A_95, %dma_wait3A_99] : memref<2x16x80x128xi32, #tpu.memory_space<hbm>> -> memref<1x1x1x128xi32, #tpu.memory_space<hbm>>
        %dma_wait3A_101 = tpu.memref_squeeze %dma_wait3A_100 : memref<1x1x1x128xi32, #tpu.memory_space<hbm>> -> memref<128xi32, #tpu.memory_space<hbm>>
        tpu.wait_dma2 semaphore(%arg16 : memref<!tpu.dma_semaphore, #tpu.memory_space<semaphore_mem>>) src(%dma_wait3A_101 : memref<128xi32, #tpu.memory_space<hbm>>) dst(%arg10 : memref<128xi32, #tpu.memory_space<vmem>>)
        %ge3A = arith.constant 1 : i32
        %ge3A_102 = arith.cmpi sge, %mul3A_43, %ge3A : i32
        %convert_element_type3A_103 = arith.extui %ge3A_102 : i1 to i32
        %cond3A_104 = arith.constant 0 : i32
        %cond3A_105 = arith.cmpi ne, %convert_element_type3A_103, %cond3A_104 : i32
        scf.if %cond3A_105 {
          %dma_wait3A_109 = arith.constant 0 : i32
          %dma_wait3A_110 = arith.constant 0 : i32
          %dma_wait3A_111 = tpu.memref_slice %arg2[%dma_wait3A_109, %dma_wait3A_110] : memref<10000x128xf32, #tpu.memory_space<hbm>> -> memref<128x128xf32, #tpu.memory_space<hbm>>
          %dma_wait3A_112 = arith.constant 0 : i32
          %dma_wait3A_113 = arith.constant 0 : i32
          %dma_wait3A_114 = tpu.memref_slice %arg2[%dma_wait3A_112, %dma_wait3A_113] : memref<10000x128xf32, #tpu.memory_space<hbm>> -> memref<128x128xf32, #tpu.memory_space<hbm>>
          tpu.wait_dma2 semaphore(%arg18 : memref<!tpu.dma_semaphore, #tpu.memory_space<semaphore_mem>>) src(%dma_wait3A_114 : memref<128x128xf32, #tpu.memory_space<hbm>>) dst(%arg12 : memref<128x128xf32, #tpu.memory_space<vmem>>)
        } else {
        }
        %dma_start3A_106 = arith.constant 0 : i32
        %dma_start3A_107 = arith.constant 0 : i32
        %dma_start3A_108 = tpu.memref_slice %arg2[%dma_start3A_106, %dma_start3A_107] : memref<10000x128xf32, #tpu.memory_space<hbm>> -> memref<10000x128xf32, #tpu.memory_space<hbm>>
        tpu.enqueue_indirect_dma source(%dma_start3A_108 : memref<10000x128xf32, #tpu.memory_space<hbm>>) target(%arg12 : memref<128x128xf32, #tpu.memory_space<vmem>>) offsets(%arg8 : memref<128xi32, #tpu.memory_space<vmem>>) semaphore(%arg14 : memref<!tpu.dma_semaphore, #tpu.memory_space<semaphore_mem>>)
      } else {
      }
      %dma_wait3A_47 = arith.constant 0 : i32
      %dma_wait3A_48 = arith.constant 0 : i32
      %dma_wait3A_49 = tpu.memref_slice %arg2[%dma_wait3A_47, %dma_wait3A_48] : memref<10000x128xf32, #tpu.memory_space<hbm>> -> memref<128x128xf32, #tpu.memory_space<hbm>>
      %dma_wait3A_50 = arith.constant 0 : i32
      %dma_wait3A_51 = arith.constant 0 : i32
      %dma_wait3A_52 = tpu.memref_slice %arg2[%dma_wait3A_50, %dma_wait3A_51] : memref<10000x128xf32, #tpu.memory_space<hbm>> -> memref<128x128xf32, #tpu.memory_space<hbm>>
      tpu.wait_dma2 semaphore(%arg13 : memref<!tpu.dma_semaphore, #tpu.memory_space<semaphore_mem>>) src(%dma_wait3A_52 : memref<128x128xf32, #tpu.memory_space<hbm>>) dst(%arg11 : memref<128x128xf32, #tpu.memory_space<vmem>>)
      %dma_start3A_53 = arith.constant 0 : i32
      %dma_start3A_54 = arith.constant 0 : i32
      %dma_start3A_55 = tpu.memref_slice %arg19[%dma_start3A_53, %dma_start3A_54] : memref<10112x128xf32, #tpu.memory_space<vmem_shared>> -> memref<10112x128xf32, #tpu.memory_space<vmem_shared>>
      tpu.enqueue_indirect_dma source(%arg11 : memref<128x128xf32, #tpu.memory_space<vmem>>) target(%dma_start3A_55 : memref<10112x128xf32, #tpu.memory_space<vmem_shared>>) offsets(%arg9 : memref<128xi32, #tpu.memory_space<vmem>>) semaphore(%arg17 : memref<!tpu.dma_semaphore, #tpu.memory_space<semaphore_mem>>) {add = true}
      %add3A_56 = arith.constant 2 : i32
      %add3A_57 = arith.addi %mul3A_43, %add3A_56 : i32
      %lt3A_58 = arith.constant 80 : i32
      %lt3A_59 = arith.cmpi slt, %add3A_57, %lt3A_58 : i32
      %convert_element_type3A_60 = arith.extui %lt3A_59 : i1 to i32
      %cond3A_61 = arith.constant 0 : i32
      %cond3A_62 = arith.cmpi ne, %convert_element_type3A_60, %cond3A_61 : i32
      scf.if %cond3A_62 {
        %add3A_88 = arith.constant 2 : i32
        %add3A_89 = arith.addi %mul3A_43, %add3A_88 : i32
        %dma_start3A_90 = arith.constant 0 : i32
        %dma_start3A_91 = tpu.memref_slice %arg3[%arg0, %arg1, %add3A_89, %dma_start3A_90] : memref<2x16x80x128xi32, #tpu.memory_space<hbm>> -> memref<1x1x1x128xi32, #tpu.memory_space<hbm>>
        %dma_start3A_92 = tpu.memref_squeeze %dma_start3A_91 : memref<1x1x1x128xi32, #tpu.memory_space<hbm>> -> memref<128xi32, #tpu.memory_space<hbm>>
        %dma_start3A_93 = arith.constant 0 : i32
        %dma_start3A_94 = tpu.memref_slice %arg3[%arg0, %arg1, %add3A_89, %dma_start3A_93] : memref<2x16x80x128xi32, #tpu.memory_space<hbm>> -> memref<1x1x1x128xi32, #tpu.memory_space<hbm>>
        %dma_start3A_95 = tpu.memref_squeeze %dma_start3A_94 : memref<1x1x1x128xi32, #tpu.memory_space<hbm>> -> memref<128xi32, #tpu.memory_space<hbm>>
        tpu.enqueue_dma source(%dma_start3A_95 : memref<128xi32, #tpu.memory_space<hbm>>) target(%arg7 : memref<128xi32, #tpu.memory_space<vmem>>) target_semaphore(%arg15 : memref<!tpu.dma_semaphore, #tpu.memory_space<semaphore_mem>>)
        %add3A_96 = arith.constant 2 : i32
        %add3A_97 = arith.addi %mul3A_43, %add3A_96 : i32
        %dma_start3A_98 = arith.constant 0 : i32
        %dma_start3A_99 = tpu.memref_slice %arg4[%arg0, %arg1, %add3A_97, %dma_start3A_98] : memref<2x16x80x128xi32, #tpu.memory_space<hbm>> -> memref<1x1x1x128xi32, #tpu.memory_space<hbm>>
        %dma_start3A_100 = tpu.memref_squeeze %dma_start3A_99 : memref<1x1x1x128xi32, #tpu.memory_space<hbm>> -> memref<128xi32, #tpu.memory_space<hbm>>
        %dma_start3A_101 = arith.constant 0 : i32
        %dma_start3A_102 = tpu.memref_slice %arg4[%arg0, %arg1, %add3A_97, %dma_start3A_101] : memref<2x16x80x128xi32, #tpu.memory_space<hbm>> -> memref<1x1x1x128xi32, #tpu.memory_space<hbm>>
        %dma_start3A_103 = tpu.memref_squeeze %dma_start3A_102 : memref<1x1x1x128xi32, #tpu.memory_space<hbm>> -> memref<128xi32, #tpu.memory_space<hbm>>
        tpu.enqueue_dma source(%dma_start3A_103 : memref<128xi32, #tpu.memory_space<hbm>>) target(%arg9 : memref<128xi32, #tpu.memory_space<vmem>>) target_semaphore(%arg15 : memref<!tpu.dma_semaphore, #tpu.memory_space<semaphore_mem>>)
      } else {
      }
      %add3A_63 = arith.constant 1 : i32
      %add3A_64 = arith.addi %mul3A_43, %add3A_63 : i32
      %add3A_65 = arith.constant 1 : i32
      %add3A_66 = arith.addi %add3A_64, %add3A_65 : i32
      %lt3A_67 = arith.constant 80 : i32
      %lt3A_68 = arith.cmpi slt, %add3A_66, %lt3A_67 : i32
      %convert_element_type3A_69 = arith.extui %lt3A_68 : i1 to i32
      %cond3A_70 = arith.constant 0 : i32
      %cond3A_71 = arith.cmpi ne, %convert_element_type3A_69, %cond3A_70 : i32
      scf.if %cond3A_71 {
        %dma_wait3A_88 = arith.constant 0 : i32
        %dma_wait3A_89 = arith.constant 0 : i32
        %dma_wait3A_90 = tpu.memref_slice %arg3[%arg0, %arg1, %dma_wait3A_88, %dma_wait3A_89] : memref<2x16x80x128xi32, #tpu.memory_space<hbm>> -> memref<1x1x1x128xi32, #tpu.memory_space<hbm>>
        %dma_wait3A_91 = tpu.memref_squeeze %dma_wait3A_90 : memref<1x1x1x128xi32, #tpu.memory_space<hbm>> -> memref<128xi32, #tpu.memory_space<hbm>>
        %dma_wait3A_92 = arith.constant 0 : i32
        %dma_wait3A_93 = tpu.memref_slice %arg3[%arg0, %arg1, %dma_wait3A_88, %dma_wait3A_92] : memref<2x16x80x128xi32, #tpu.memory_space<hbm>> -> memref<1x1x1x128xi32, #tpu.memory_space<hbm>>
        %dma_wait3A_94 = tpu.memref_squeeze %dma_wait3A_93 : memref<1x1x1x128xi32, #tpu.memory_space<hbm>> -> memref<128xi32, #tpu.memory_space<hbm>>
        tpu.wait_dma2 semaphore(%arg15 : memref<!tpu.dma_semaphore, #tpu.memory_space<semaphore_mem>>) src(%dma_wait3A_94 : memref<128xi32, #tpu.memory_space<hbm>>) dst(%arg7 : memref<128xi32, #tpu.memory_space<vmem>>)
        %dma_wait3A_95 = arith.constant 0 : i32
        %dma_wait3A_96 = arith.constant 0 : i32
        %dma_wait3A_97 = tpu.memref_slice %arg4[%arg0, %arg1, %dma_wait3A_95, %dma_wait3A_96] : memref<2x16x80x128xi32, #tpu.memory_space<hbm>> -> memref<1x1x1x128xi32, #tpu.memory_space<hbm>>
        %dma_wait3A_98 = tpu.memref_squeeze %dma_wait3A_97 : memref<1x1x1x128xi32, #tpu.memory_space<hbm>> -> memref<128xi32, #tpu.memory_space<hbm>>
        %dma_wait3A_99 = arith.constant 0 : i32
        %dma_wait3A_100 = tpu.memref_slice %arg4[%arg0, %arg1, %dma_wait3A_95, %dma_wait3A_99] : memref<2x16x80x128xi32, #tpu.memory_space<hbm>> -> memref<1x1x1x128xi32, #tpu.memory_space<hbm>>
        %dma_wait3A_101 = tpu.memref_squeeze %dma_wait3A_100 : memref<1x1x1x128xi32, #tpu.memory_space<hbm>> -> memref<128xi32, #tpu.memory_space<hbm>>
        tpu.wait_dma2 semaphore(%arg15 : memref<!tpu.dma_semaphore, #tpu.memory_space<semaphore_mem>>) src(%dma_wait3A_101 : memref<128xi32, #tpu.memory_space<hbm>>) dst(%arg9 : memref<128xi32, #tpu.memory_space<vmem>>)
        %ge3A = arith.constant 1 : i32
        %ge3A_102 = arith.cmpi sge, %add3A_64, %ge3A : i32
        %convert_element_type3A_103 = arith.extui %ge3A_102 : i1 to i32
        %cond3A_104 = arith.constant 0 : i32
        %cond3A_105 = arith.cmpi ne, %convert_element_type3A_103, %cond3A_104 : i32
        scf.if %cond3A_105 {
          %dma_wait3A_109 = arith.constant 0 : i32
          %dma_wait3A_110 = arith.constant 0 : i32
          %dma_wait3A_111 = tpu.memref_slice %arg2[%dma_wait3A_109, %dma_wait3A_110] : memref<10000x128xf32, #tpu.memory_space<hbm>> -> memref<128x128xf32, #tpu.memory_space<hbm>>
          %dma_wait3A_112 = arith.constant 0 : i32
          %dma_wait3A_113 = arith.constant 0 : i32
          %dma_wait3A_114 = tpu.memref_slice %arg2[%dma_wait3A_112, %dma_wait3A_113] : memref<10000x128xf32, #tpu.memory_space<hbm>> -> memref<128x128xf32, #tpu.memory_space<hbm>>
          tpu.wait_dma2 semaphore(%arg17 : memref<!tpu.dma_semaphore, #tpu.memory_space<semaphore_mem>>) src(%dma_wait3A_114 : memref<128x128xf32, #tpu.memory_space<hbm>>) dst(%arg11 : memref<128x128xf32, #tpu.memory_space<vmem>>)
        } else {
        }
        %dma_start3A_106 = arith.constant 0 : i32
        %dma_start3A_107 = arith.constant 0 : i32
        %dma_start3A_108 = tpu.memref_slice %arg2[%dma_start3A_106, %dma_start3A_107] : memref<10000x128xf32, #tpu.memory_space<hbm>> -> memref<10000x128xf32, #tpu.memory_space<hbm>>
        tpu.enqueue_indirect_dma source(%dma_start3A_108 : memref<10000x128xf32, #tpu.memory_space<hbm>>) target(%arg11 : memref<128x128xf32, #tpu.memory_space<vmem>>) offsets(%arg7 : memref<128xi32, #tpu.memory_space<vmem>>) semaphore(%arg13 : memref<!tpu.dma_semaphore, #tpu.memory_space<semaphore_mem>>)
      } else {
      }
      %dma_wait3A_72 = arith.constant 0 : i32
      %dma_wait3A_73 = arith.constant 0 : i32
      %dma_wait3A_74 = tpu.memref_slice %arg2[%dma_wait3A_72, %dma_wait3A_73] : memref<10000x128xf32, #tpu.memory_space<hbm>> -> memref<128x128xf32, #tpu.memory_space<hbm>>
      %dma_wait3A_75 = arith.constant 0 : i32
      %dma_wait3A_76 = arith.constant 0 : i32
      %dma_wait3A_77 = tpu.memref_slice %arg2[%dma_wait3A_75, %dma_wait3A_76] : memref<10000x128xf32, #tpu.memory_space<hbm>> -> memref<128x128xf32, #tpu.memory_space<hbm>>
      tpu.wait_dma2 semaphore(%arg14 : memref<!tpu.dma_semaphore, #tpu.memory_space<semaphore_mem>>) src(%dma_wait3A_77 : memref<128x128xf32, #tpu.memory_space<hbm>>) dst(%arg12 : memref<128x128xf32, #tpu.memory_space<vmem>>)
      %dma_start3A_78 = arith.constant 0 : i32
      %dma_start3A_79 = arith.constant 0 : i32
      %dma_start3A_80 = tpu.memref_slice %arg19[%dma_start3A_78, %dma_start3A_79] : memref<10112x128xf32, #tpu.memory_space<vmem_shared>> -> memref<10112x128xf32, #tpu.memory_space<vmem_shared>>
      tpu.enqueue_indirect_dma source(%arg12 : memref<128x128xf32, #tpu.memory_space<vmem>>) target(%dma_start3A_80 : memref<10112x128xf32, #tpu.memory_space<vmem_shared>>) offsets(%arg10 : memref<128xi32, #tpu.memory_space<vmem>>) semaphore(%arg18 : memref<!tpu.dma_semaphore, #tpu.memory_space<semaphore_mem>>) {add = true}
      %add3A_81 = arith.constant 2 : i32
      %add3A_82 = arith.addi %add3A_64, %add3A_81 : i32
      %lt3A_83 = arith.constant 80 : i32
      %lt3A_84 = arith.cmpi slt, %add3A_82, %lt3A_83 : i32
      %convert_element_type3A_85 = arith.extui %lt3A_84 : i1 to i32
      %cond3A_86 = arith.constant 0 : i32
      %cond3A_87 = arith.cmpi ne, %convert_element_type3A_85, %cond3A_86 : i32
      scf.if %cond3A_87 {
        %add3A_88 = arith.constant 2 : i32
        %add3A_89 = arith.addi %add3A_64, %add3A_88 : i32
        %dma_start3A_90 = arith.constant 0 : i32
        %dma_start3A_91 = tpu.memref_slice %arg3[%arg0, %arg1, %add3A_89, %dma_start3A_90] : memref<2x16x80x128xi32, #tpu.memory_space<hbm>> -> memref<1x1x1x128xi32, #tpu.memory_space<hbm>>
        %dma_start3A_92 = tpu.memref_squeeze %dma_start3A_91 : memref<1x1x1x128xi32, #tpu.memory_space<hbm>> -> memref<128xi32, #tpu.memory_space<hbm>>
        %dma_start3A_93 = arith.constant 0 : i32
        %dma_start3A_94 = tpu.memref_slice %arg3[%arg0, %arg1, %add3A_89, %dma_start3A_93] : memref<2x16x80x128xi32, #tpu.memory_space<hbm>> -> memref<1x1x1x128xi32, #tpu.memory_space<hbm>>
        %dma_start3A_95 = tpu.memref_squeeze %dma_start3A_94 : memref<1x1x1x128xi32, #tpu.memory_space<hbm>> -> memref<128xi32, #tpu.memory_space<hbm>>
        tpu.enqueue_dma source(%dma_start3A_95 : memref<128xi32, #tpu.memory_space<hbm>>) target(%arg8 : memref<128xi32, #tpu.memory_space<vmem>>) target_semaphore(%arg16 : memref<!tpu.dma_semaphore, #tpu.memory_space<semaphore_mem>>)
        %add3A_96 = arith.constant 2 : i32
        %add3A_97 = arith.addi %add3A_64, %add3A_96 : i32
        %dma_start3A_98 = arith.constant 0 : i32
        %dma_start3A_99 = tpu.memref_slice %arg4[%arg0, %arg1, %add3A_97, %dma_start3A_98] : memref<2x16x80x128xi32, #tpu.memory_space<hbm>> -> memref<1x1x1x128xi32, #tpu.memory_space<hbm>>
        %dma_start3A_100 = tpu.memref_squeeze %dma_start3A_99 : memref<1x1x1x128xi32, #tpu.memory_space<hbm>> -> memref<128xi32, #tpu.memory_space<hbm>>
        %dma_start3A_101 = arith.constant 0 : i32
        %dma_start3A_102 = tpu.memref_slice %arg4[%arg0, %arg1, %add3A_97, %dma_start3A_101] : memref<2x16x80x128xi32, #tpu.memory_space<hbm>> -> memref<1x1x1x128xi32, #tpu.memory_space<hbm>>
        %dma_start3A_103 = tpu.memref_squeeze %dma_start3A_102 : memref<1x1x1x128xi32, #tpu.memory_space<hbm>> -> memref<128xi32, #tpu.memory_space<hbm>>
        tpu.enqueue_dma source(%dma_start3A_103 : memref<128xi32, #tpu.memory_space<hbm>>) target(%arg10 : memref<128xi32, #tpu.memory_space<vmem>>) target_semaphore(%arg16 : memref<!tpu.dma_semaphore, #tpu.memory_space<semaphore_mem>>)
      } else {
      }
    }
    %scan3A_24 = arith.constant 40 : i32
    %dma_wait3A = arith.constant 0 : i32
    %dma_wait3A_25 = arith.constant 0 : i32
    %dma_wait3A_26 = tpu.memref_slice %arg2[%dma_wait3A, %dma_wait3A_25] : memref<10000x128xf32, #tpu.memory_space<hbm>> -> memref<128x128xf32, #tpu.memory_space<hbm>>
    %dma_wait3A_27 = arith.constant 0 : i32
    %dma_wait3A_28 = arith.constant 0 : i32
    %dma_wait3A_29 = tpu.memref_slice %arg2[%dma_wait3A_27, %dma_wait3A_28] : memref<10000x128xf32, #tpu.memory_space<hbm>> -> memref<128x128xf32, #tpu.memory_space<hbm>>
    tpu.wait_dma2 semaphore(%arg17 : memref<!tpu.dma_semaphore, #tpu.memory_space<semaphore_mem>>) src(%dma_wait3A_29 : memref<128x128xf32, #tpu.memory_space<hbm>>) dst(%arg11 : memref<128x128xf32, #tpu.memory_space<vmem>>)
    %dma_wait3A_30 = arith.constant 0 : i32
    %dma_wait3A_31 = arith.constant 0 : i32
    %dma_wait3A_32 = tpu.memref_slice %arg2[%dma_wait3A_30, %dma_wait3A_31] : memref<10000x128xf32, #tpu.memory_space<hbm>> -> memref<128x128xf32, #tpu.memory_space<hbm>>
    %dma_wait3A_33 = arith.constant 0 : i32
    %dma_wait3A_34 = arith.constant 0 : i32
    %dma_wait3A_35 = tpu.memref_slice %arg2[%dma_wait3A_33, %dma_wait3A_34] : memref<10000x128xf32, #tpu.memory_space<hbm>> -> memref<128x128xf32, #tpu.memory_space<hbm>>
    tpu.wait_dma2 semaphore(%arg18 : memref<!tpu.dma_semaphore, #tpu.memory_space<semaphore_mem>>) src(%dma_wait3A_35 : memref<128x128xf32, #tpu.memory_space<hbm>>) dst(%arg12 : memref<128x128xf32, #tpu.memory_space<vmem>>)
    %barrier3A_36 = arith.constant 0 : index
    tpu.barrier barrier_id(%barrier3A_36)
    %mul3A_37 = arith.constant 632 : i32
    %mul3A_38 = arith.muli %arg1, %mul3A_37 : i32
    %mul3A_39 = arith.constant 632 : i32
    %mul3A_40 = arith.muli %arg1, %mul3A_39 : i32
    "tpu.region"() ({
      %run_scoped3A_41 = tpu.sem_alloc : memref<!tpu.dma_semaphore, #tpu.memory_space<semaphore_mem>>
      %dma_start3A_42 = arith.constant 0 : i32
      %dma_start3A_43 = tpu.memref_slice %arg6[%arg0, %mul3A_40, %dma_start3A_42] : memref<2x10112x128xf32, #tpu.memory_space<hbm>> -> memref<1x632x128xf32, #tpu.memory_space<hbm>>
      %dma_start3A_44 = tpu.memref_squeeze %dma_start3A_43 : memref<1x632x128xf32, #tpu.memory_space<hbm>> -> memref<632x128xf32, #tpu.memory_space<hbm>>
      %dma_start3A_45 = arith.constant 0 : i32
      %dma_start3A_46 = tpu.memref_slice %arg19[%mul3A_38, %dma_start3A_45] : memref<10112x128xf32, #tpu.memory_space<vmem_shared>> -> memref<632x128xf32, #tpu.memory_space<vmem_shared>>
      tpu.enqueue_dma source(%dma_start3A_46 : memref<632x128xf32, #tpu.memory_space<vmem_shared>>) target(%dma_start3A_44 : memref<632x128xf32, #tpu.memory_space<hbm>>) target_semaphore(%run_scoped3A_41 : memref<!tpu.dma_semaphore, #tpu.memory_space<semaphore_mem>>)
      %dma_wait3A_47 = arith.constant 0 : i32
      %dma_wait3A_48 = tpu.memref_slice %arg6[%arg0, %mul3A_40, %dma_wait3A_47] : memref<2x10112x128xf32, #tpu.memory_space<hbm>> -> memref<1x632x128xf32, #tpu.memory_space<hbm>>
      %dma_wait3A_49 = tpu.memref_squeeze %dma_wait3A_48 : memref<1x632x128xf32, #tpu.memory_space<hbm>> -> memref<632x128xf32, #tpu.memory_space<hbm>>
      %dma_wait3A_50 = arith.constant 0 : i32
      %dma_wait3A_51 = tpu.memref_slice %arg19[%mul3A_38, %dma_wait3A_50] : memref<10112x128xf32, #tpu.memory_space<vmem_shared>> -> memref<632x128xf32, #tpu.memory_space<vmem_shared>>
      tpu.wait_dma2 semaphore(%run_scoped3A_41 : memref<!tpu.dma_semaphore, #tpu.memory_space<semaphore_mem>>) src(%dma_wait3A_51 : memref<632x128xf32, #tpu.memory_space<vmem_shared>>) dst(%dma_wait3A_49 : memref<632x128xf32, #tpu.memory_space<hbm>>)
      tpu.yield
    }) : () -> ()
    return
  }
}

#map = affine_map<(d0, d1) -> (0, 0)>
#map1 = affine_map<(d0, d1) -> (0, 0, 0, 0)>
#map2 = affine_map<(d0, d1) -> (0, 0, 0)>
module attributes {stable_mosaic.version = 14 : i64} {
  func.func @body(%arg0: i32, %arg1: i32, %arg2: memref<10000x128xf32, #tpu.memory_space<hbm>>, %arg3: memref<2x16x80x128xi32, #tpu.memory_space<hbm>>, %arg4: memref<2x16x80x128xi32, #tpu.memory_space<hbm>>, %arg5: memref<10112x128xf32, #tpu.memory_space<hbm>>, %arg6: memref<2x10112x128xf32, #tpu.memory_space<hbm>>, %arg7: memref<128xi32, #tpu.memory_space<vmem>>, %arg8: memref<128xi32, #tpu.memory_space<vmem>>, %arg9: memref<128xi32, #tpu.memory_space<vmem>>, %arg10: memref<128xi32, #tpu.memory_space<vmem>>, %arg11: memref<128x128xf32, #tpu.memory_space<vmem>>, %arg12: memref<128x128xf32, #tpu.memory_space<vmem>>, %arg13: memref<!tpu.dma_semaphore, #tpu.memory_space<semaphore_mem>>, %arg14: memref<!tpu.dma_semaphore, #tpu.memory_space<semaphore_mem>>, %arg15: memref<!tpu.dma_semaphore, #tpu.memory_space<semaphore_mem>>, %arg16: memref<!tpu.dma_semaphore, #tpu.memory_space<semaphore_mem>>, %arg17: memref<!tpu.dma_semaphore, #tpu.memory_space<semaphore_mem>>, %arg18: memref<!tpu.dma_semaphore, #tpu.memory_space<semaphore_mem>>, %arg19: memref<10112x128xf32, #tpu.memory_space<vmem_shared>>) attributes {dimension_semantics = [#tpu.dimension_semantics<core_parallel>, #tpu.dimension_semantics<subcore_parallel>], iteration_bounds = array<i64: 2, 16>, scalar_prefetch = 0 : i64, scratch_operands = 13 : i64, tpu.core_type = #tpu.core_type<sc_vector_subcore>, window_params = [{transform_indices = #map}, {transform_indices = #map1}, {transform_indices = #map1}, {transform_indices = #map}, {transform_indices = #map2}]} {
    %mul3A = arith.constant 632 : i32
    %mul3A_0 = arith.muli %arg1, %mul3A : i32
    %mul3A_1 = arith.constant 632 : i32
    %mul3A_2 = arith.muli %arg1, %mul3A_1 : i32
    "tpu.region"() ({
      %run_scoped3A_41 = tpu.sem_alloc : memref<!tpu.dma_semaphore, #tpu.memory_space<semaphore_mem>>
      %dma_start3A_42 = arith.constant 0 : i32
      %dma_start3A_43 = tpu.memref_slice %arg19[%mul3A_2, %dma_start3A_42] : memref<10112x128xf32, #tpu.memory_space<vmem_shared>> -> memref<632x128xf32, #tpu.memory_space<vmem_shared>>
      %dma_start3A_44 = arith.constant 0 : i32
      %dma_start3A_45 = tpu.memref_slice %arg5[%mul3A_0, %dma_start3A_44] : memref<10112x128xf32, #tpu.memory_space<hbm>> -> memref<632x128xf32, #tpu.memory_space<hbm>>
      tpu.enqueue_dma source(%dma_start3A_45 : memref<632x128xf32, #tpu.memory_space<hbm>>) target(%dma_start3A_43 : memref<632x128xf32, #tpu.memory_space<vmem_shared>>) target_semaphore(%run_scoped3A_41 : memref<!tpu.dma_semaphore, #tpu.memory_space<semaphore_mem>>)
      %dma_wait3A_46 = arith.constant 0 : i32
      %dma_wait3A_47 = tpu.memref_slice %arg19[%mul3A_2, %dma_wait3A_46] : memref<10112x128xf32, #tpu.memory_space<vmem_shared>> -> memref<632x128xf32, #tpu.memory_space<vmem_shared>>
      %dma_wait3A_48 = arith.constant 0 : i32
      %dma_wait3A_49 = tpu.memref_slice %arg5[%mul3A_0, %dma_wait3A_48] : memref<10112x128xf32, #tpu.memory_space<hbm>> -> memref<632x128xf32, #tpu.memory_space<hbm>>
      tpu.wait_dma2 semaphore(%run_scoped3A_41 : memref<!tpu.dma_semaphore, #tpu.memory_space<semaphore_mem>>) src(%dma_wait3A_49 : memref<632x128xf32, #tpu.memory_space<hbm>>) dst(%dma_wait3A_47 : memref<632x128xf32, #tpu.memory_space<vmem_shared>>)
      tpu.yield
    }) : () -> ()
    %barrier3A = arith.constant 0 : index
    tpu.barrier barrier_id(%barrier3A)
    %run_scoped3A = arith.constant 0 : i32
    "tpu.region"() ({
      %run_scoped3A_41 = tpu.sem_alloc : memref<!tpu.dma_semaphore, #tpu.memory_space<semaphore_mem>>
      %dma_start3A_42 = arith.constant 0 : i32
      %dma_start3A_43 = tpu.memref_slice %arg3[%arg0, %arg1, %run_scoped3A, %dma_start3A_42] : memref<2x16x80x128xi32, #tpu.memory_space<hbm>> -> memref<1x1x1x128xi32, #tpu.memory_space<hbm>>
      %dma_start3A_44 = tpu.memref_squeeze %dma_start3A_43 : memref<1x1x1x128xi32, #tpu.memory_space<hbm>> -> memref<128xi32, #tpu.memory_space<hbm>>
      %dma_start3A_45 = arith.constant 0 : i32
      %dma_start3A_46 = tpu.memref_slice %arg3[%arg0, %arg1, %run_scoped3A, %dma_start3A_45] : memref<2x16x80x128xi32, #tpu.memory_space<hbm>> -> memref<1x1x1x128xi32, #tpu.memory_space<hbm>>
      %dma_start3A_47 = tpu.memref_squeeze %dma_start3A_46 : memref<1x1x1x128xi32, #tpu.memory_space<hbm>> -> memref<128xi32, #tpu.memory_space<hbm>>
      tpu.enqueue_dma source(%dma_start3A_47 : memref<128xi32, #tpu.memory_space<hbm>>) target(%arg7 : memref<128xi32, #tpu.memory_space<vmem>>) target_semaphore(%run_scoped3A_41 : memref<!tpu.dma_semaphore, #tpu.memory_space<semaphore_mem>>)
      %dma_wait3A_48 = arith.constant 0 : i32
      %dma_wait3A_49 = tpu.memref_slice %arg3[%arg0, %arg1, %run_scoped3A, %dma_wait3A_48] : memref<2x16x80x128xi32, #tpu.memory_space<hbm>> -> memref<1x1x1x128xi32, #tpu.memory_space<hbm>>
      %dma_wait3A_50 = tpu.memref_squeeze %dma_wait3A_49 : memref<1x1x1x128xi32, #tpu.memory_space<hbm>> -> memref<128xi32, #tpu.memory_space<hbm>>
      %dma_wait3A_51 = arith.constant 0 : i32
      %dma_wait3A_52 = tpu.memref_slice %arg3[%arg0, %arg1, %run_scoped3A, %dma_wait3A_51] : memref<2x16x80x128xi32, #tpu.memory_space<hbm>> -> memref<1x1x1x128xi32, #tpu.memory_space<hbm>>
      %dma_wait3A_53 = tpu.memref_squeeze %dma_wait3A_52 : memref<1x1x1x128xi32, #tpu.memory_space<hbm>> -> memref<128xi32, #tpu.memory_space<hbm>>
      tpu.wait_dma2 semaphore(%run_scoped3A_41 : memref<!tpu.dma_semaphore, #tpu.memory_space<semaphore_mem>>) src(%dma_wait3A_53 : memref<128xi32, #tpu.memory_space<hbm>>) dst(%arg7 : memref<128xi32, #tpu.memory_space<vmem>>)
      tpu.yield
    }) : () -> ()
    %run_scoped3A_3 = arith.constant 0 : i32
    "tpu.region"() ({
      %run_scoped3A_41 = tpu.sem_alloc : memref<!tpu.dma_semaphore, #tpu.memory_space<semaphore_mem>>
      %dma_start3A_42 = arith.constant 0 : i32
      %dma_start3A_43 = tpu.memref_slice %arg4[%arg0, %arg1, %run_scoped3A_3, %dma_start3A_42] : memref<2x16x80x128xi32, #tpu.memory_space<hbm>> -> memref<1x1x1x128xi32, #tpu.memory_space<hbm>>
      %dma_start3A_44 = tpu.memref_squeeze %dma_start3A_43 : memref<1x1x1x128xi32, #tpu.memory_space<hbm>> -> memref<128xi32, #tpu.memory_space<hbm>>
      %dma_start3A_45 = arith.constant 0 : i32
      %dma_start3A_46 = tpu.memref_slice %arg4[%arg0, %arg1, %run_scoped3A_3, %dma_start3A_45] : memref<2x16x80x128xi32, #tpu.memory_space<hbm>> -> memref<1x1x1x128xi32, #tpu.memory_space<hbm>>
      %dma_start3A_47 = tpu.memref_squeeze %dma_start3A_46 : memref<1x1x1x128xi32, #tpu.memory_space<hbm>> -> memref<128xi32, #tpu.memory_space<hbm>>
      tpu.enqueue_dma source(%dma_start3A_47 : memref<128xi32, #tpu.memory_space<hbm>>) target(%arg9 : memref<128xi32, #tpu.memory_space<vmem>>) target_semaphore(%run_scoped3A_41 : memref<!tpu.dma_semaphore, #tpu.memory_space<semaphore_mem>>)
      %dma_wait3A_48 = arith.constant 0 : i32
      %dma_wait3A_49 = tpu.memref_slice %arg4[%arg0, %arg1, %run_scoped3A_3, %dma_wait3A_48] : memref<2x16x80x128xi32, #tpu.memory_space<hbm>> -> memref<1x1x1x128xi32, #tpu.memory_space<hbm>>
      %dma_wait3A_50 = tpu.memref_squeeze %dma_wait3A_49 : memref<1x1x1x128xi32, #tpu.memory_space<hbm>> -> memref<128xi32, #tpu.memory_space<hbm>>
      %dma_wait3A_51 = arith.constant 0 : i32
      %dma_wait3A_52 = tpu.memref_slice %arg4[%arg0, %arg1, %run_scoped3A_3, %dma_wait3A_51] : memref<2x16x80x128xi32, #tpu.memory_space<hbm>> -> memref<1x1x1x128xi32, #tpu.memory_space<hbm>>
      %dma_wait3A_53 = tpu.memref_squeeze %dma_wait3A_52 : memref<1x1x1x128xi32, #tpu.memory_space<hbm>> -> memref<128xi32, #tpu.memory_space<hbm>>
      tpu.wait_dma2 semaphore(%run_scoped3A_41 : memref<!tpu.dma_semaphore, #tpu.memory_space<semaphore_mem>>) src(%dma_wait3A_53 : memref<128xi32, #tpu.memory_space<hbm>>) dst(%arg9 : memref<128xi32, #tpu.memory_space<vmem>>)
      tpu.yield
    }) : () -> ()
    %dma_start3A = arith.constant 0 : i32
    %dma_start3A_4 = arith.constant 0 : i32
    %dma_start3A_5 = tpu.memref_slice %arg2[%dma_start3A, %dma_start3A_4] : memref<10000x128xf32, #tpu.memory_space<hbm>> -> memref<10000x128xf32, #tpu.memory_space<hbm>>
    tpu.enqueue_indirect_dma source(%dma_start3A_5 : memref<10000x128xf32, #tpu.memory_space<hbm>>) target(%arg11 : memref<128x128xf32, #tpu.memory_space<vmem>>) offsets(%arg7 : memref<128xi32, #tpu.memory_space<vmem>>) semaphore(%arg13 : memref<!tpu.dma_semaphore, #tpu.memory_space<semaphore_mem>>)
    %dma_start3A_6 = arith.constant 1 : i32
    %dma_start3A_7 = arith.constant 0 : i32
    %dma_start3A_8 = tpu.memref_slice %arg3[%arg0, %arg1, %dma_start3A_6, %dma_start3A_7] : memref<2x16x80x128xi32, #tpu.memory_space<hbm>> -> memref<1x1x1x128xi32, #tpu.memory_space<hbm>>
    %dma_start3A_9 = tpu.memref_squeeze %dma_start3A_8 : memref<1x1x1x128xi32, #tpu.memory_space<hbm>> -> memref<128xi32, #tpu.memory_space<hbm>>
    %dma_start3A_10 = arith.constant 0 : i32
    %dma_start3A_11 = tpu.memref_slice %arg3[%arg0, %arg1, %dma_start3A_6, %dma_start3A_10] : memref<2x16x80x128xi32, #tpu.memory_space<hbm>> -> memref<1x1x1x128xi32, #tpu.memory_space<hbm>>
    %dma_start3A_12 = tpu.memref_squeeze %dma_start3A_11 : memref<1x1x1x128xi32, #tpu.memory_space<hbm>> -> memref<128xi32, #tpu.memory_space<hbm>>
    tpu.enqueue_dma source(%dma_start3A_12 : memref<128xi32, #tpu.memory_space<hbm>>) target(%arg8 : memref<128xi32, #tpu.memory_space<vmem>>) target_semaphore(%arg16 : memref<!tpu.dma_semaphore, #tpu.memory_space<semaphore_mem>>)
    %dma_start3A_13 = arith.constant 1 : i32
    %dma_start3A_14 = arith.constant 0 : i32
    %dma_start3A_15 = tpu.memref_slice %arg4[%arg0, %arg1, %dma_start3A_13, %dma_start3A_14] : memref<2x16x80x128xi32, #tpu.memory_space<hbm>> -> memref<1x1x1x128xi32, #tpu.memory_space<hbm>>
    %dma_start3A_16 = tpu.memref_squeeze %dma_start3A_15 : memref<1x1x1x128xi32, #tpu.memory_space<hbm>> -> memref<128xi32, #tpu.memory_space<hbm>>
    %dma_start3A_17 = arith.constant 0 : i32
    %dma_start3A_18 = tpu.memref_slice %arg4[%arg0, %arg1, %dma_start3A_13, %dma_start3A_17] : memref<2x16x80x128xi32, #tpu.memory_space<hbm>> -> memref<1x1x1x128xi32, #tpu.memory_space<hbm>>
    %dma_start3A_19 = tpu.memref_squeeze %dma_start3A_18 : memref<1x1x1x128xi32, #tpu.memory_space<hbm>> -> memref<128xi32, #tpu.memory_space<hbm>>
    tpu.enqueue_dma source(%dma_start3A_19 : memref<128xi32, #tpu.memory_space<hbm>>) target(%arg10 : memref<128xi32, #tpu.memory_space<vmem>>) target_semaphore(%arg16 : memref<!tpu.dma_semaphore, #tpu.memory_space<semaphore_mem>>)
    %scan3A = arith.constant 0 : i32
    %scan3A_20 = arith.constant 0 : i32
    %scan3A_21 = arith.constant 40 : i32
    %scan3A_22 = arith.addi %scan3A_20, %scan3A_21 : i32
    %scan3A_23 = arith.constant 1 : i32
    scf.for %scan3A_41 = %scan3A_20 to %scan3A_22 step %scan3A_23  : i32 {
      %mul3A_42 = arith.constant 2 : i32
      %mul3A_43 = arith.muli %mul3A_42, %scan3A_41 : i32
      %add3A = arith.constant 1 : i32
      %add3A_44 = arith.addi %mul3A_43, %add3A : i32
      %lt3A = arith.constant 80 : i32
      %lt3A_45 = arith.cmpi slt, %add3A_44, %lt3A : i32
      %convert_element_type3A = arith.extui %lt3A_45 : i1 to i32
      %cond3A = arith.constant 0 : i32
      %cond3A_46 = arith.cmpi ne, %convert_element_type3A, %cond3A : i32
      scf.if %cond3A_46 {
        %dma_wait3A_88 = arith.constant 0 : i32
        %dma_wait3A_89 = arith.constant 0 : i32
        %dma_wait3A_90 = tpu.memref_slice %arg3[%arg0, %arg1, %dma_wait3A_88, %dma_wait3A_89] : memref<2x16x80x128xi32, #tpu.memory_space<hbm>> -> memref<1x1x1x128xi32, #tpu.memory_space<hbm>>
        %dma_wait3A_91 = tpu.memref_squeeze %dma_wait3A_90 : memref<1x1x1x128xi32, #tpu.memory_space<hbm>> -> memref<128xi32, #tpu.memory_space<hbm>>
        %dma_wait3A_92 = arith.constant 0 : i32
        %dma_wait3A_93 = tpu.memref_slice %arg3[%arg0, %arg1, %dma_wait3A_88, %dma_wait3A_92] : memref<2x16x80x128xi32, #tpu.memory_space<hbm>> -> memref<1x1x1x128xi32, #tpu.memory_space<hbm>>
        %dma_wait3A_94 = tpu.memref_squeeze %dma_wait3A_93 : memref<1x1x1x128xi32, #tpu.memory_space<hbm>> -> memref<128xi32, #tpu.memory_space<hbm>>
        tpu.wait_dma2 semaphore(%arg16 : memref<!tpu.dma_semaphore, #tpu.memory_space<semaphore_mem>>) src(%dma_wait3A_94 : memref<128xi32, #tpu.memory_space<hbm>>) dst(%arg8 : memref<128xi32, #tpu.memory_space<vmem>>)
        %dma_wait3A_95 = arith.constant 0 : i32
        %dma_wait3A_96 = arith.constant 0 : i32
        %dma_wait3A_97 = tpu.memref_slice %arg4[%arg0, %arg1, %dma_wait3A_95, %dma_wait3A_96] : memref<2x16x80x128xi32, #tpu.memory_space<hbm>> -> memref<1x1x1x128xi32, #tpu.memory_space<hbm>>
        %dma_wait3A_98 = tpu.memref_squeeze %dma_wait3A_97 : memref<1x1x1x128xi32, #tpu.memory_space<hbm>> -> memref<128xi32, #tpu.memory_space<hbm>>
        %dma_wait3A_99 = arith.constant 0 : i32
        %dma_wait3A_100 = tpu.memref_slice %arg4[%arg0, %arg1, %dma_wait3A_95, %dma_wait3A_99] : memref<2x16x80x128xi32, #tpu.memory_space<hbm>> -> memref<1x1x1x128xi32, #tpu.memory_space<hbm>>
        %dma_wait3A_101 = tpu.memref_squeeze %dma_wait3A_100 : memref<1x1x1x128xi32, #tpu.memory_space<hbm>> -> memref<128xi32, #tpu.memory_space<hbm>>
        tpu.wait_dma2 semaphore(%arg16 : memref<!tpu.dma_semaphore, #tpu.memory_space<semaphore_mem>>) src(%dma_wait3A_101 : memref<128xi32, #tpu.memory_space<hbm>>) dst(%arg10 : memref<128xi32, #tpu.memory_space<vmem>>)
        %ge3A = arith.constant 1 : i32
        %ge3A_102 = arith.cmpi sge, %mul3A_43, %ge3A : i32
        %convert_element_type3A_103 = arith.extui %ge3A_102 : i1 to i32
        %cond3A_104 = arith.constant 0 : i32
        %cond3A_105 = arith.cmpi ne, %convert_element_type3A_103, %cond3A_104 : i32
        scf.if %cond3A_105 {
          %dma_wait3A_109 = arith.constant 0 : i32
          %dma_wait3A_110 = arith.constant 0 : i32
          %dma_wait3A_111 = tpu.memref_slice %arg2[%dma_wait3A_109, %dma_wait3A_110] : memref<10000x128xf32, #tpu.memory_space<hbm>> -> memref<128x128xf32, #tpu.memory_space<hbm>>
          %dma_wait3A_112 = arith.constant 0 : i32
          %dma_wait3A_113 = arith.constant 0 : i32
          %dma_wait3A_114 = tpu.memref_slice %arg2[%dma_wait3A_112, %dma_wait3A_113] : memref<10000x128xf32, #tpu.memory_space<hbm>> -> memref<128x128xf32, #tpu.memory_space<hbm>>
          tpu.wait_dma2 semaphore(%arg18 : memref<!tpu.dma_semaphore, #tpu.memory_space<semaphore_mem>>) src(%dma_wait3A_114 : memref<128x128xf32, #tpu.memory_space<hbm>>) dst(%arg12 : memref<128x128xf32, #tpu.memory_space<vmem>>)
        } else {
        }
        %dma_start3A_106 = arith.constant 0 : i32
        %dma_start3A_107 = arith.constant 0 : i32
        %dma_start3A_108 = tpu.memref_slice %arg2[%dma_start3A_106, %dma_start3A_107] : memref<10000x128xf32, #tpu.memory_space<hbm>> -> memref<10000x128xf32, #tpu.memory_space<hbm>>
        tpu.enqueue_indirect_dma source(%dma_start3A_108 : memref<10000x128xf32, #tpu.memory_space<hbm>>) target(%arg12 : memref<128x128xf32, #tpu.memory_space<vmem>>) offsets(%arg8 : memref<128xi32, #tpu.memory_space<vmem>>) semaphore(%arg14 : memref<!tpu.dma_semaphore, #tpu.memory_space<semaphore_mem>>)
      } else {
      }
      %dma_wait3A_47 = arith.constant 0 : i32
      %dma_wait3A_48 = arith.constant 0 : i32
      %dma_wait3A_49 = tpu.memref_slice %arg2[%dma_wait3A_47, %dma_wait3A_48] : memref<10000x128xf32, #tpu.memory_space<hbm>> -> memref<128x128xf32, #tpu.memory_space<hbm>>
      %dma_wait3A_50 = arith.constant 0 : i32
      %dma_wait3A_51 = arith.constant 0 : i32
      %dma_wait3A_52 = tpu.memref_slice %arg2[%dma_wait3A_50, %dma_wait3A_51] : memref<10000x128xf32, #tpu.memory_space<hbm>> -> memref<128x128xf32, #tpu.memory_space<hbm>>
      tpu.wait_dma2 semaphore(%arg13 : memref<!tpu.dma_semaphore, #tpu.memory_space<semaphore_mem>>) src(%dma_wait3A_52 : memref<128x128xf32, #tpu.memory_space<hbm>>) dst(%arg11 : memref<128x128xf32, #tpu.memory_space<vmem>>)
      %dma_start3A_53 = arith.constant 0 : i32
      %dma_start3A_54 = arith.constant 0 : i32
      %dma_start3A_55 = tpu.memref_slice %arg19[%dma_start3A_53, %dma_start3A_54] : memref<10112x128xf32, #tpu.memory_space<vmem_shared>> -> memref<10112x128xf32, #tpu.memory_space<vmem_shared>>
      tpu.enqueue_indirect_dma source(%arg11 : memref<128x128xf32, #tpu.memory_space<vmem>>) target(%dma_start3A_55 : memref<10112x128xf32, #tpu.memory_space<vmem_shared>>) offsets(%arg9 : memref<128xi32, #tpu.memory_space<vmem>>) semaphore(%arg17 : memref<!tpu.dma_semaphore, #tpu.memory_space<semaphore_mem>>) {add = true}
      %add3A_56 = arith.constant 2 : i32
      %add3A_57 = arith.addi %mul3A_43, %add3A_56 : i32
      %lt3A_58 = arith.constant 80 : i32
      %lt3A_59 = arith.cmpi slt, %add3A_57, %lt3A_58 : i32
      %convert_element_type3A_60 = arith.extui %lt3A_59 : i1 to i32
      %cond3A_61 = arith.constant 0 : i32
      %cond3A_62 = arith.cmpi ne, %convert_element_type3A_60, %cond3A_61 : i32
      scf.if %cond3A_62 {
        %add3A_88 = arith.constant 2 : i32
        %add3A_89 = arith.addi %mul3A_43, %add3A_88 : i32
        %dma_start3A_90 = arith.constant 0 : i32
        %dma_start3A_91 = tpu.memref_slice %arg3[%arg0, %arg1, %add3A_89, %dma_start3A_90] : memref<2x16x80x128xi32, #tpu.memory_space<hbm>> -> memref<1x1x1x128xi32, #tpu.memory_space<hbm>>
        %dma_start3A_92 = tpu.memref_squeeze %dma_start3A_91 : memref<1x1x1x128xi32, #tpu.memory_space<hbm>> -> memref<128xi32, #tpu.memory_space<hbm>>
        %dma_start3A_93 = arith.constant 0 : i32
        %dma_start3A_94 = tpu.memref_slice %arg3[%arg0, %arg1, %add3A_89, %dma_start3A_93] : memref<2x16x80x128xi32, #tpu.memory_space<hbm>> -> memref<1x1x1x128xi32, #tpu.memory_space<hbm>>
        %dma_start3A_95 = tpu.memref_squeeze %dma_start3A_94 : memref<1x1x1x128xi32, #tpu.memory_space<hbm>> -> memref<128xi32, #tpu.memory_space<hbm>>
        tpu.enqueue_dma source(%dma_start3A_95 : memref<128xi32, #tpu.memory_space<hbm>>) target(%arg7 : memref<128xi32, #tpu.memory_space<vmem>>) target_semaphore(%arg15 : memref<!tpu.dma_semaphore, #tpu.memory_space<semaphore_mem>>)
        %add3A_96 = arith.constant 2 : i32
        %add3A_97 = arith.addi %mul3A_43, %add3A_96 : i32
        %dma_start3A_98 = arith.constant 0 : i32
        %dma_start3A_99 = tpu.memref_slice %arg4[%arg0, %arg1, %add3A_97, %dma_start3A_98] : memref<2x16x80x128xi32, #tpu.memory_space<hbm>> -> memref<1x1x1x128xi32, #tpu.memory_space<hbm>>
        %dma_start3A_100 = tpu.memref_squeeze %dma_start3A_99 : memref<1x1x1x128xi32, #tpu.memory_space<hbm>> -> memref<128xi32, #tpu.memory_space<hbm>>
        %dma_start3A_101 = arith.constant 0 : i32
        %dma_start3A_102 = tpu.memref_slice %arg4[%arg0, %arg1, %add3A_97, %dma_start3A_101] : memref<2x16x80x128xi32, #tpu.memory_space<hbm>> -> memref<1x1x1x128xi32, #tpu.memory_space<hbm>>
        %dma_start3A_103 = tpu.memref_squeeze %dma_start3A_102 : memref<1x1x1x128xi32, #tpu.memory_space<hbm>> -> memref<128xi32, #tpu.memory_space<hbm>>
        tpu.enqueue_dma source(%dma_start3A_103 : memref<128xi32, #tpu.memory_space<hbm>>) target(%arg9 : memref<128xi32, #tpu.memory_space<vmem>>) target_semaphore(%arg15 : memref<!tpu.dma_semaphore, #tpu.memory_space<semaphore_mem>>)
      } else {
      }
      %add3A_63 = arith.constant 1 : i32
      %add3A_64 = arith.addi %mul3A_43, %add3A_63 : i32
      %add3A_65 = arith.constant 1 : i32
      %add3A_66 = arith.addi %add3A_64, %add3A_65 : i32
      %lt3A_67 = arith.constant 80 : i32
      %lt3A_68 = arith.cmpi slt, %add3A_66, %lt3A_67 : i32
      %convert_element_type3A_69 = arith.extui %lt3A_68 : i1 to i32
      %cond3A_70 = arith.constant 0 : i32
      %cond3A_71 = arith.cmpi ne, %convert_element_type3A_69, %cond3A_70 : i32
      scf.if %cond3A_71 {
        %dma_wait3A_88 = arith.constant 0 : i32
        %dma_wait3A_89 = arith.constant 0 : i32
        %dma_wait3A_90 = tpu.memref_slice %arg3[%arg0, %arg1, %dma_wait3A_88, %dma_wait3A_89] : memref<2x16x80x128xi32, #tpu.memory_space<hbm>> -> memref<1x1x1x128xi32, #tpu.memory_space<hbm>>
        %dma_wait3A_91 = tpu.memref_squeeze %dma_wait3A_90 : memref<1x1x1x128xi32, #tpu.memory_space<hbm>> -> memref<128xi32, #tpu.memory_space<hbm>>
        %dma_wait3A_92 = arith.constant 0 : i32
        %dma_wait3A_93 = tpu.memref_slice %arg3[%arg0, %arg1, %dma_wait3A_88, %dma_wait3A_92] : memref<2x16x80x128xi32, #tpu.memory_space<hbm>> -> memref<1x1x1x128xi32, #tpu.memory_space<hbm>>
        %dma_wait3A_94 = tpu.memref_squeeze %dma_wait3A_93 : memref<1x1x1x128xi32, #tpu.memory_space<hbm>> -> memref<128xi32, #tpu.memory_space<hbm>>
        tpu.wait_dma2 semaphore(%arg15 : memref<!tpu.dma_semaphore, #tpu.memory_space<semaphore_mem>>) src(%dma_wait3A_94 : memref<128xi32, #tpu.memory_space<hbm>>) dst(%arg7 : memref<128xi32, #tpu.memory_space<vmem>>)
        %dma_wait3A_95 = arith.constant 0 : i32
        %dma_wait3A_96 = arith.constant 0 : i32
        %dma_wait3A_97 = tpu.memref_slice %arg4[%arg0, %arg1, %dma_wait3A_95, %dma_wait3A_96] : memref<2x16x80x128xi32, #tpu.memory_space<hbm>> -> memref<1x1x1x128xi32, #tpu.memory_space<hbm>>
        %dma_wait3A_98 = tpu.memref_squeeze %dma_wait3A_97 : memref<1x1x1x128xi32, #tpu.memory_space<hbm>> -> memref<128xi32, #tpu.memory_space<hbm>>
        %dma_wait3A_99 = arith.constant 0 : i32
        %dma_wait3A_100 = tpu.memref_slice %arg4[%arg0, %arg1, %dma_wait3A_95, %dma_wait3A_99] : memref<2x16x80x128xi32, #tpu.memory_space<hbm>> -> memref<1x1x1x128xi32, #tpu.memory_space<hbm>>
        %dma_wait3A_101 = tpu.memref_squeeze %dma_wait3A_100 : memref<1x1x1x128xi32, #tpu.memory_space<hbm>> -> memref<128xi32, #tpu.memory_space<hbm>>
        tpu.wait_dma2 semaphore(%arg15 : memref<!tpu.dma_semaphore, #tpu.memory_space<semaphore_mem>>) src(%dma_wait3A_101 : memref<128xi32, #tpu.memory_space<hbm>>) dst(%arg9 : memref<128xi32, #tpu.memory_space<vmem>>)
        %ge3A = arith.constant 1 : i32
        %ge3A_102 = arith.cmpi sge, %add3A_64, %ge3A : i32
        %convert_element_type3A_103 = arith.extui %ge3A_102 : i1 to i32
        %cond3A_104 = arith.constant 0 : i32
        %cond3A_105 = arith.cmpi ne, %convert_element_type3A_103, %cond3A_104 : i32
        scf.if %cond3A_105 {
          %dma_wait3A_109 = arith.constant 0 : i32
          %dma_wait3A_110 = arith.constant 0 : i32
          %dma_wait3A_111 = tpu.memref_slice %arg2[%dma_wait3A_109, %dma_wait3A_110] : memref<10000x128xf32, #tpu.memory_space<hbm>> -> memref<128x128xf32, #tpu.memory_space<hbm>>
          %dma_wait3A_112 = arith.constant 0 : i32
          %dma_wait3A_113 = arith.constant 0 : i32
          %dma_wait3A_114 = tpu.memref_slice %arg2[%dma_wait3A_112, %dma_wait3A_113] : memref<10000x128xf32, #tpu.memory_space<hbm>> -> memref<128x128xf32, #tpu.memory_space<hbm>>
          tpu.wait_dma2 semaphore(%arg17 : memref<!tpu.dma_semaphore, #tpu.memory_space<semaphore_mem>>) src(%dma_wait3A_114 : memref<128x128xf32, #tpu.memory_space<hbm>>) dst(%arg11 : memref<128x128xf32, #tpu.memory_space<vmem>>)
        } else {
        }
        %dma_start3A_106 = arith.constant 0 : i32
        %dma_start3A_107 = arith.constant 0 : i32
        %dma_start3A_108 = tpu.memref_slice %arg2[%dma_start3A_106, %dma_start3A_107] : memref<10000x128xf32, #tpu.memory_space<hbm>> -> memref<10000x128xf32, #tpu.memory_space<hbm>>
        tpu.enqueue_indirect_dma source(%dma_start3A_108 : memref<10000x128xf32, #tpu.memory_space<hbm>>) target(%arg11 : memref<128x128xf32, #tpu.memory_space<vmem>>) offsets(%arg7 : memref<128xi32, #tpu.memory_space<vmem>>) semaphore(%arg13 : memref<!tpu.dma_semaphore, #tpu.memory_space<semaphore_mem>>)
      } else {
      }
      %dma_wait3A_72 = arith.constant 0 : i32
      %dma_wait3A_73 = arith.constant 0 : i32
      %dma_wait3A_74 = tpu.memref_slice %arg2[%dma_wait3A_72, %dma_wait3A_73] : memref<10000x128xf32, #tpu.memory_space<hbm>> -> memref<128x128xf32, #tpu.memory_space<hbm>>
      %dma_wait3A_75 = arith.constant 0 : i32
      %dma_wait3A_76 = arith.constant 0 : i32
      %dma_wait3A_77 = tpu.memref_slice %arg2[%dma_wait3A_75, %dma_wait3A_76] : memref<10000x128xf32, #tpu.memory_space<hbm>> -> memref<128x128xf32, #tpu.memory_space<hbm>>
      tpu.wait_dma2 semaphore(%arg14 : memref<!tpu.dma_semaphore, #tpu.memory_space<semaphore_mem>>) src(%dma_wait3A_77 : memref<128x128xf32, #tpu.memory_space<hbm>>) dst(%arg12 : memref<128x128xf32, #tpu.memory_space<vmem>>)
      %dma_start3A_78 = arith.constant 0 : i32
      %dma_start3A_79 = arith.constant 0 : i32
      %dma_start3A_80 = tpu.memref_slice %arg19[%dma_start3A_78, %dma_start3A_79] : memref<10112x128xf32, #tpu.memory_space<vmem_shared>> -> memref<10112x128xf32, #tpu.memory_space<vmem_shared>>
      tpu.enqueue_indirect_dma source(%arg12 : memref<128x128xf32, #tpu.memory_space<vmem>>) target(%dma_start3A_80 : memref<10112x128xf32, #tpu.memory_space<vmem_shared>>) offsets(%arg10 : memref<128xi32, #tpu.memory_space<vmem>>) semaphore(%arg18 : memref<!tpu.dma_semaphore, #tpu.memory_space<semaphore_mem>>) {add = true}
      %add3A_81 = arith.constant 2 : i32
      %add3A_82 = arith.addi %add3A_64, %add3A_81 : i32
      %lt3A_83 = arith.constant 80 : i32
      %lt3A_84 = arith.cmpi slt, %add3A_82, %lt3A_83 : i32
      %convert_element_type3A_85 = arith.extui %lt3A_84 : i1 to i32
      %cond3A_86 = arith.constant 0 : i32
      %cond3A_87 = arith.cmpi ne, %convert_element_type3A_85, %cond3A_86 : i32
      scf.if %cond3A_87 {
        %add3A_88 = arith.constant 2 : i32
        %add3A_89 = arith.addi %add3A_64, %add3A_88 : i32
        %dma_start3A_90 = arith.constant 0 : i32
        %dma_start3A_91 = tpu.memref_slice %arg3[%arg0, %arg1, %add3A_89, %dma_start3A_90] : memref<2x16x80x128xi32, #tpu.memory_space<hbm>> -> memref<1x1x1x128xi32, #tpu.memory_space<hbm>>
        %dma_start3A_92 = tpu.memref_squeeze %dma_start3A_91 : memref<1x1x1x128xi32, #tpu.memory_space<hbm>> -> memref<128xi32, #tpu.memory_space<hbm>>
        %dma_start3A_93 = arith.constant 0 : i32
        %dma_start3A_94 = tpu.memref_slice %arg3[%arg0, %arg1, %add3A_89, %dma_start3A_93] : memref<2x16x80x128xi32, #tpu.memory_space<hbm>> -> memref<1x1x1x128xi32, #tpu.memory_space<hbm>>
        %dma_start3A_95 = tpu.memref_squeeze %dma_start3A_94 : memref<1x1x1x128xi32, #tpu.memory_space<hbm>> -> memref<128xi32, #tpu.memory_space<hbm>>
        tpu.enqueue_dma source(%dma_start3A_95 : memref<128xi32, #tpu.memory_space<hbm>>) target(%arg8 : memref<128xi32, #tpu.memory_space<vmem>>) target_semaphore(%arg16 : memref<!tpu.dma_semaphore, #tpu.memory_space<semaphore_mem>>)
        %add3A_96 = arith.constant 2 : i32
        %add3A_97 = arith.addi %add3A_64, %add3A_96 : i32
        %dma_start3A_98 = arith.constant 0 : i32
        %dma_start3A_99 = tpu.memref_slice %arg4[%arg0, %arg1, %add3A_97, %dma_start3A_98] : memref<2x16x80x128xi32, #tpu.memory_space<hbm>> -> memref<1x1x1x128xi32, #tpu.memory_space<hbm>>
        %dma_start3A_100 = tpu.memref_squeeze %dma_start3A_99 : memref<1x1x1x128xi32, #tpu.memory_space<hbm>> -> memref<128xi32, #tpu.memory_space<hbm>>
        %dma_start3A_101 = arith.constant 0 : i32
        %dma_start3A_102 = tpu.memref_slice %arg4[%arg0, %arg1, %add3A_97, %dma_start3A_101] : memref<2x16x80x128xi32, #tpu.memory_space<hbm>> -> memref<1x1x1x128xi32, #tpu.memory_space<hbm>>
        %dma_start3A_103 = tpu.memref_squeeze %dma_start3A_102 : memref<1x1x1x128xi32, #tpu.memory_space<hbm>> -> memref<128xi32, #tpu.memory_space<hbm>>
        tpu.enqueue_dma source(%dma_start3A_103 : memref<128xi32, #tpu.memory_space<hbm>>) target(%arg10 : memref<128xi32, #tpu.memory_space<vmem>>) target_semaphore(%arg16 : memref<!tpu.dma_semaphore, #tpu.memory_space<semaphore_mem>>)
      } else {
      }
    }
    %scan3A_24 = arith.constant 40 : i32
    %dma_wait3A = arith.constant 0 : i32
    %dma_wait3A_25 = arith.constant 0 : i32
    %dma_wait3A_26 = tpu.memref_slice %arg2[%dma_wait3A, %dma_wait3A_25] : memref<10000x128xf32, #tpu.memory_space<hbm>> -> memref<128x128xf32, #tpu.memory_space<hbm>>
    %dma_wait3A_27 = arith.constant 0 : i32
    %dma_wait3A_28 = arith.constant 0 : i32
    %dma_wait3A_29 = tpu.memref_slice %arg2[%dma_wait3A_27, %dma_wait3A_28] : memref<10000x128xf32, #tpu.memory_space<hbm>> -> memref<128x128xf32, #tpu.memory_space<hbm>>
    tpu.wait_dma2 semaphore(%arg17 : memref<!tpu.dma_semaphore, #tpu.memory_space<semaphore_mem>>) src(%dma_wait3A_29 : memref<128x128xf32, #tpu.memory_space<hbm>>) dst(%arg11 : memref<128x128xf32, #tpu.memory_space<vmem>>)
    %dma_wait3A_30 = arith.constant 0 : i32
    %dma_wait3A_31 = arith.constant 0 : i32
    %dma_wait3A_32 = tpu.memref_slice %arg2[%dma_wait3A_30, %dma_wait3A_31] : memref<10000x128xf32, #tpu.memory_space<hbm>> -> memref<128x128xf32, #tpu.memory_space<hbm>>
    %dma_wait3A_33 = arith.constant 0 : i32
    %dma_wait3A_34 = arith.constant 0 : i32
    %dma_wait3A_35 = tpu.memref_slice %arg2[%dma_wait3A_33, %dma_wait3A_34] : memref<10000x128xf32, #tpu.memory_space<hbm>> -> memref<128x128xf32, #tpu.memory_space<hbm>>
    tpu.wait_dma2 semaphore(%arg18 : memref<!tpu.dma_semaphore, #tpu.memory_space<semaphore_mem>>) src(%dma_wait3A_35 : memref<128x128xf32, #tpu.memory_space<hbm>>) dst(%arg12 : memref<128x128xf32, #tpu.memory_space<vmem>>)
    %barrier3A_36 = arith.constant 0 : index
    tpu.barrier barrier_id(%barrier3A_36)
    %mul3A_37 = arith.constant 632 : i32
    %mul3A_38 = arith.muli %arg1, %mul3A_37 : i32
    %mul3A_39 = arith.constant 632 : i32
    %mul3A_40 = arith.muli %arg1, %mul3A_39 : i32
    "tpu.region"() ({
      %run_scoped3A_41 = tpu.sem_alloc : memref<!tpu.dma_semaphore, #tpu.memory_space<semaphore_mem>>
      %dma_start3A_42 = arith.constant 0 : i32
      %dma_start3A_43 = tpu.memref_slice %arg6[%arg0, %mul3A_40, %dma_start3A_42] : memref<2x10112x128xf32, #tpu.memory_space<hbm>> -> memref<1x632x128xf32, #tpu.memory_space<hbm>>
      %dma_start3A_44 = tpu.memref_squeeze %dma_start3A_43 : memref<1x632x128xf32, #tpu.memory_space<hbm>> -> memref<632x128xf32, #tpu.memory_space<hbm>>
      %dma_start3A_45 = arith.constant 0 : i32
      %dma_start3A_46 = tpu.memref_slice %arg19[%mul3A_38, %dma_start3A_45] : memref<10112x128xf32, #tpu.memory_space<vmem_shared>> -> memref<632x128xf32, #tpu.memory_space<vmem_shared>>
      tpu.enqueue_dma source(%dma_start3A_46 : memref<632x128xf32, #tpu.memory_space<vmem_shared>>) target(%dma_start3A_44 : memref<632x128xf32, #tpu.memory_space<hbm>>) target_semaphore(%run_scoped3A_41 : memref<!tpu.dma_semaphore, #tpu.memory_space<semaphore_mem>>)
      %dma_wait3A_47 = arith.constant 0 : i32
      %dma_wait3A_48 = tpu.memref_slice %arg6[%arg0, %mul3A_40, %dma_wait3A_47] : memref<2x10112x128xf32, #tpu.memory_space<hbm>> -> memref<1x632x128xf32, #tpu.memory_space<hbm>>
      %dma_wait3A_49 = tpu.memref_squeeze %dma_wait3A_48 : memref<1x632x128xf32, #tpu.memory_space<hbm>> -> memref<632x128xf32, #tpu.memory_space<hbm>>
      %dma_wait3A_50 = arith.constant 0 : i32
      %dma_wait3A_51 = tpu.memref_slice %arg19[%mul3A_38, %dma_wait3A_50] : memref<10112x128xf32, #tpu.memory_space<vmem_shared>> -> memref<632x128xf32, #tpu.memory_space<vmem_shared>>
      tpu.wait_dma2 semaphore(%run_scoped3A_41 : memref<!tpu.dma_semaphore, #tpu.memory_space<semaphore_mem>>) src(%dma_wait3A_51 : memref<632x128xf32, #tpu.memory_space<vmem_shared>>) dst(%dma_wait3A_49 : memref<632x128xf32, #tpu.memory_space<hbm>>)
      tpu.yield
    }) : () -> ()
    return
  }
}

#map = affine_map<(d0, d1) -> (0, 0)>
#map1 = affine_map<(d0, d1) -> (0, 0, 0, 0)>
module attributes {stable_mosaic.version = 14 : i64} {
  func.func @body(%arg0: i32, %arg1: i32, %arg2: memref<1001x128xf32, #tpu.memory_space<hbm>>, %arg3: memref<2x16x4x80xi32, #tpu.memory_space<hbm>>, %arg4: memref<2x16x320x128xf32, #tpu.memory_space<hbm>>, %arg5: memref<4x80xi32, #tpu.memory_space<vmem>>, %arg6: memref<80x128xf32, #tpu.memory_space<vmem>>, %arg7: memref<!tpu.dma_semaphore, #tpu.memory_space<semaphore_mem>>) attributes {dimension_semantics = [#tpu.dimension_semantics<core_parallel>, #tpu.dimension_semantics<subcore_parallel>], iteration_bounds = array<i64: 2, 16>, scalar_prefetch = 0 : i64, scratch_operands = 3 : i64, tpu.core_type = #tpu.core_type<sc_vector_subcore>, window_params = [{transform_indices = #map}, {transform_indices = #map1}, {transform_indices = #map1}]} {
    "tpu.region"() ({
      %run_scoped3A = tpu.sem_alloc : memref<!tpu.dma_semaphore, #tpu.memory_space<semaphore_mem>>
      %dma_start3A = arith.constant 0 : i32
      %dma_start3A_5 = arith.constant 0 : i32
      %dma_start3A_6 = tpu.memref_slice %arg3[%arg0, %arg1, %dma_start3A, %dma_start3A_5] : memref<2x16x4x80xi32, #tpu.memory_space<hbm>> -> memref<1x1x4x80xi32, #tpu.memory_space<hbm>>
      %dma_start3A_7 = tpu.memref_squeeze %dma_start3A_6 : memref<1x1x4x80xi32, #tpu.memory_space<hbm>> -> memref<4x80xi32, #tpu.memory_space<hbm>>
      %dma_start3A_8 = arith.constant 0 : i32
      %dma_start3A_9 = arith.constant 0 : i32
      %dma_start3A_10 = tpu.memref_slice %arg3[%arg0, %arg1, %dma_start3A_8, %dma_start3A_9] : memref<2x16x4x80xi32, #tpu.memory_space<hbm>> -> memref<1x1x4x80xi32, #tpu.memory_space<hbm>>
      %dma_start3A_11 = tpu.memref_squeeze %dma_start3A_10 : memref<1x1x4x80xi32, #tpu.memory_space<hbm>> -> memref<4x80xi32, #tpu.memory_space<hbm>>
      tpu.enqueue_dma source(%dma_start3A_11 : memref<4x80xi32, #tpu.memory_space<hbm>>) target(%arg5 : memref<4x80xi32, #tpu.memory_space<vmem>>) target_semaphore(%run_scoped3A : memref<!tpu.dma_semaphore, #tpu.memory_space<semaphore_mem>>)
      %dma_wait3A = arith.constant 0 : i32
      %dma_wait3A_12 = arith.constant 0 : i32
      %dma_wait3A_13 = tpu.memref_slice %arg3[%arg0, %arg1, %dma_wait3A, %dma_wait3A_12] : memref<2x16x4x80xi32, #tpu.memory_space<hbm>> -> memref<1x1x4x80xi32, #tpu.memory_space<hbm>>
      %dma_wait3A_14 = tpu.memref_squeeze %dma_wait3A_13 : memref<1x1x4x80xi32, #tpu.memory_space<hbm>> -> memref<4x80xi32, #tpu.memory_space<hbm>>
      %dma_wait3A_15 = arith.constant 0 : i32
      %dma_wait3A_16 = arith.constant 0 : i32
      %dma_wait3A_17 = tpu.memref_slice %arg3[%arg0, %arg1, %dma_wait3A_15, %dma_wait3A_16] : memref<2x16x4x80xi32, #tpu.memory_space<hbm>> -> memref<1x1x4x80xi32, #tpu.memory_space<hbm>>
      %dma_wait3A_18 = tpu.memref_squeeze %dma_wait3A_17 : memref<1x1x4x80xi32, #tpu.memory_space<hbm>> -> memref<4x80xi32, #tpu.memory_space<hbm>>
      tpu.wait_dma2 semaphore(%run_scoped3A : memref<!tpu.dma_semaphore, #tpu.memory_space<semaphore_mem>>) src(%dma_wait3A_18 : memref<4x80xi32, #tpu.memory_space<hbm>>) dst(%arg5 : memref<4x80xi32, #tpu.memory_space<vmem>>)
      tpu.yield
    }) : () -> ()
    %scan3A = arith.constant 0 : i32
    %scan3A_0 = arith.constant 0 : i32
    %scan3A_1 = arith.constant 4 : i32
    %scan3A_2 = arith.addi %scan3A_0, %scan3A_1 : i32
    %scan3A_3 = arith.constant 1 : i32
    scf.for %scan3A_5 = %scan3A_0 to %scan3A_2 step %scan3A_3  : i32 {
      %dma_start3A = arith.constant 0 : i32
      %dma_start3A_6 = tpu.memref_slice %arg5[%scan3A_5, %dma_start3A] : memref<4x80xi32, #tpu.memory_space<vmem>> -> memref<1x80xi32, #tpu.memory_space<vmem>>
      %dma_start3A_7 = tpu.memref_squeeze %dma_start3A_6 : memref<1x80xi32, #tpu.memory_space<vmem>> -> memref<80xi32, #tpu.memory_space<vmem>>
      %dma_start3A_8 = arith.constant 0 : i32
      %dma_start3A_9 = arith.constant 0 : i32
      %dma_start3A_10 = tpu.memref_slice %arg2[%dma_start3A_8, %dma_start3A_9] : memref<1001x128xf32, #tpu.memory_space<hbm>> -> memref<1001x128xf32, #tpu.memory_space<hbm>>
      tpu.enqueue_indirect_dma source(%dma_start3A_10 : memref<1001x128xf32, #tpu.memory_space<hbm>>) target(%arg6 : memref<80x128xf32, #tpu.memory_space<vmem>>) offsets(%dma_start3A_7 : memref<80xi32, #tpu.memory_space<vmem>>) semaphore(%arg7 : memref<!tpu.dma_semaphore, #tpu.memory_space<semaphore_mem>>)
      %dma_wait3A = arith.constant 0 : i32
      %dma_wait3A_11 = tpu.memref_slice %arg5[%scan3A_5, %dma_wait3A] : memref<4x80xi32, #tpu.memory_space<vmem>> -> memref<1x80xi32, #tpu.memory_space<vmem>>
      %dma_wait3A_12 = tpu.memref_squeeze %dma_wait3A_11 : memref<1x80xi32, #tpu.memory_space<vmem>> -> memref<80xi32, #tpu.memory_space<vmem>>
      %dma_wait3A_13 = arith.constant 0 : i32
      %dma_wait3A_14 = arith.constant 0 : i32
      %dma_wait3A_15 = tpu.memref_slice %arg2[%dma_wait3A_13, %dma_wait3A_14] : memref<1001x128xf32, #tpu.memory_space<hbm>> -> memref<1001x128xf32, #tpu.memory_space<hbm>>
      tpu.wait_indirect_dma semaphore(%arg7 : memref<!tpu.dma_semaphore, #tpu.memory_space<semaphore_mem>>) src(%dma_wait3A_15 : memref<1001x128xf32, #tpu.memory_space<hbm>>) dst(%arg6 : memref<80x128xf32, #tpu.memory_space<vmem>>)
      %mul3A = arith.constant 80 : i32
      %mul3A_16 = arith.muli %scan3A_5, %mul3A : i32
      "tpu.region"() ({
        %run_scoped3A = tpu.sem_alloc : memref<!tpu.dma_semaphore, #tpu.memory_space<semaphore_mem>>
        %dma_start3A_17 = arith.constant 0 : i32
        %dma_start3A_18 = tpu.memref_slice %arg4[%arg0, %arg1, %mul3A_16, %dma_start3A_17] : memref<2x16x320x128xf32, #tpu.memory_space<hbm>> -> memref<1x1x80x128xf32, #tpu.memory_space<hbm>>
        %dma_start3A_19 = tpu.memref_squeeze %dma_start3A_18 : memref<1x1x80x128xf32, #tpu.memory_space<hbm>> -> memref<80x128xf32, #tpu.memory_space<hbm>>
        %dma_start3A_20 = arith.constant 0 : i32
        %dma_start3A_21 = tpu.memref_slice %arg4[%arg0, %arg1, %mul3A_16, %dma_start3A_20] : memref<2x16x320x128xf32, #tpu.memory_space<hbm>> -> memref<1x1x80x128xf32, #tpu.memory_space<hbm>>
        %dma_start3A_22 = tpu.memref_squeeze %dma_start3A_21 : memref<1x1x80x128xf32, #tpu.memory_space<hbm>> -> memref<80x128xf32, #tpu.memory_space<hbm>>
        tpu.enqueue_dma source(%arg6 : memref<80x128xf32, #tpu.memory_space<vmem>>) target(%dma_start3A_22 : memref<80x128xf32, #tpu.memory_space<hbm>>) target_semaphore(%run_scoped3A : memref<!tpu.dma_semaphore, #tpu.memory_space<semaphore_mem>>)
        %dma_wait3A_23 = arith.constant 0 : i32
        %dma_wait3A_24 = tpu.memref_slice %arg4[%arg0, %arg1, %mul3A_16, %dma_wait3A_23] : memref<2x16x320x128xf32, #tpu.memory_space<hbm>> -> memref<1x1x80x128xf32, #tpu.memory_space<hbm>>
        %dma_wait3A_25 = tpu.memref_squeeze %dma_wait3A_24 : memref<1x1x80x128xf32, #tpu.memory_space<hbm>> -> memref<80x128xf32, #tpu.memory_space<hbm>>
        %dma_wait3A_26 = arith.constant 0 : i32
        %dma_wait3A_27 = tpu.memref_slice %arg4[%arg0, %arg1, %mul3A_16, %dma_wait3A_26] : memref<2x16x320x128xf32, #tpu.memory_space<hbm>> -> memref<1x1x80x128xf32, #tpu.memory_space<hbm>>
        %dma_wait3A_28 = tpu.memref_squeeze %dma_wait3A_27 : memref<1x1x80x128xf32, #tpu.memory_space<hbm>> -> memref<80x128xf32, #tpu.memory_space<hbm>>
        tpu.wait_dma2 semaphore(%run_scoped3A : memref<!tpu.dma_semaphore, #tpu.memory_space<semaphore_mem>>) src(%arg6 : memref<80x128xf32, #tpu.memory_space<vmem>>) dst(%dma_wait3A_28 : memref<80x128xf32, #tpu.memory_space<hbm>>)
        tpu.yield
      }) : () -> ()
    }
    %scan3A_4 = arith.constant 4 : i32
    return
  }
}

#map = affine_map<(d0, d1) -> (0, 0)>
#map1 = affine_map<(d0, d1) -> (0, 0, 0, 0)>
#map2 = affine_map<(d0, d1) -> (0, 0, 0)>
module attributes {stable_mosaic.version = 14 : i64} {
  func.func @body(%arg0: i32, %arg1: i32, %arg2: memref<10000x128xf32, #tpu.memory_space<hbm>>, %arg3: memref<2x16x80x128xi32, #tpu.memory_space<hbm>>, %arg4: memref<2x16x80x128xi32, #tpu.memory_space<hbm>>, %arg5: memref<10112x128xf32, #tpu.memory_space<hbm>>, %arg6: memref<2x10112x128xf32, #tpu.memory_space<hbm>>, %arg7: memref<128xi32, #tpu.memory_space<vmem>>, %arg8: memref<128xi32, #tpu.memory_space<vmem>>, %arg9: memref<128xi32, #tpu.memory_space<vmem>>, %arg10: memref<128xi32, #tpu.memory_space<vmem>>, %arg11: memref<128x128xf32, #tpu.memory_space<vmem>>, %arg12: memref<128x128xf32, #tpu.memory_space<vmem>>, %arg13: memref<!tpu.dma_semaphore, #tpu.memory_space<semaphore_mem>>, %arg14: memref<!tpu.dma_semaphore, #tpu.memory_space<semaphore_mem>>, %arg15: memref<!tpu.dma_semaphore, #tpu.memory_space<semaphore_mem>>, %arg16: memref<!tpu.dma_semaphore, #tpu.memory_space<semaphore_mem>>, %arg17: memref<!tpu.dma_semaphore, #tpu.memory_space<semaphore_mem>>, %arg18: memref<!tpu.dma_semaphore, #tpu.memory_space<semaphore_mem>>, %arg19: memref<10112x128xf32, #tpu.memory_space<vmem_shared>>) attributes {dimension_semantics = [#tpu.dimension_semantics<core_parallel>, #tpu.dimension_semantics<subcore_parallel>], iteration_bounds = array<i64: 2, 16>, scalar_prefetch = 0 : i64, scratch_operands = 13 : i64, tpu.core_type = #tpu.core_type<sc_vector_subcore>, window_params = [{transform_indices = #map}, {transform_indices = #map1}, {transform_indices = #map1}, {transform_indices = #map}, {transform_indices = #map2}]} {
    %mul3A = arith.constant 632 : i32
    %mul3A_0 = arith.muli %arg1, %mul3A : i32
    %mul3A_1 = arith.constant 632 : i32
    %mul3A_2 = arith.muli %arg1, %mul3A_1 : i32
    "tpu.region"() ({
      %run_scoped3A_41 = tpu.sem_alloc : memref<!tpu.dma_semaphore, #tpu.memory_space<semaphore_mem>>
      %dma_start3A_42 = arith.constant 0 : i32
      %dma_start3A_43 = tpu.memref_slice %arg19[%mul3A_2, %dma_start3A_42] : memref<10112x128xf32, #tpu.memory_space<vmem_shared>> -> memref<632x128xf32, #tpu.memory_space<vmem_shared>>
      %dma_start3A_44 = arith.constant 0 : i32
      %dma_start3A_45 = tpu.memref_slice %arg5[%mul3A_0, %dma_start3A_44] : memref<10112x128xf32, #tpu.memory_space<hbm>> -> memref<632x128xf32, #tpu.memory_space<hbm>>
      tpu.enqueue_dma source(%dma_start3A_45 : memref<632x128xf32, #tpu.memory_space<hbm>>) target(%dma_start3A_43 : memref<632x128xf32, #tpu.memory_space<vmem_shared>>) target_semaphore(%run_scoped3A_41 : memref<!tpu.dma_semaphore, #tpu.memory_space<semaphore_mem>>)
      %dma_wait3A_46 = arith.constant 0 : i32
      %dma_wait3A_47 = tpu.memref_slice %arg19[%mul3A_2, %dma_wait3A_46] : memref<10112x128xf32, #tpu.memory_space<vmem_shared>> -> memref<632x128xf32, #tpu.memory_space<vmem_shared>>
      %dma_wait3A_48 = arith.constant 0 : i32
      %dma_wait3A_49 = tpu.memref_slice %arg5[%mul3A_0, %dma_wait3A_48] : memref<10112x128xf32, #tpu.memory_space<hbm>> -> memref<632x128xf32, #tpu.memory_space<hbm>>
      tpu.wait_dma2 semaphore(%run_scoped3A_41 : memref<!tpu.dma_semaphore, #tpu.memory_space<semaphore_mem>>) src(%dma_wait3A_49 : memref<632x128xf32, #tpu.memory_space<hbm>>) dst(%dma_wait3A_47 : memref<632x128xf32, #tpu.memory_space<vmem_shared>>)
      tpu.yield
    }) : () -> ()
    %barrier3A = arith.constant 0 : index
    tpu.barrier barrier_id(%barrier3A)
    %run_scoped3A = arith.constant 0 : i32
    "tpu.region"() ({
      %run_scoped3A_41 = tpu.sem_alloc : memref<!tpu.dma_semaphore, #tpu.memory_space<semaphore_mem>>
      %dma_start3A_42 = arith.constant 0 : i32
      %dma_start3A_43 = tpu.memref_slice %arg3[%arg0, %arg1, %run_scoped3A, %dma_start3A_42] : memref<2x16x80x128xi32, #tpu.memory_space<hbm>> -> memref<1x1x1x128xi32, #tpu.memory_space<hbm>>
      %dma_start3A_44 = tpu.memref_squeeze %dma_start3A_43 : memref<1x1x1x128xi32, #tpu.memory_space<hbm>> -> memref<128xi32, #tpu.memory_space<hbm>>
      %dma_start3A_45 = arith.constant 0 : i32
      %dma_start3A_46 = tpu.memref_slice %arg3[%arg0, %arg1, %run_scoped3A, %dma_start3A_45] : memref<2x16x80x128xi32, #tpu.memory_space<hbm>> -> memref<1x1x1x128xi32, #tpu.memory_space<hbm>>
      %dma_start3A_47 = tpu.memref_squeeze %dma_start3A_46 : memref<1x1x1x128xi32, #tpu.memory_space<hbm>> -> memref<128xi32, #tpu.memory_space<hbm>>
      tpu.enqueue_dma source(%dma_start3A_47 : memref<128xi32, #tpu.memory_space<hbm>>) target(%arg7 : memref<128xi32, #tpu.memory_space<vmem>>) target_semaphore(%run_scoped3A_41 : memref<!tpu.dma_semaphore, #tpu.memory_space<semaphore_mem>>)
      %dma_wait3A_48 = arith.constant 0 : i32
      %dma_wait3A_49 = tpu.memref_slice %arg3[%arg0, %arg1, %run_scoped3A, %dma_wait3A_48] : memref<2x16x80x128xi32, #tpu.memory_space<hbm>> -> memref<1x1x1x128xi32, #tpu.memory_space<hbm>>
      %dma_wait3A_50 = tpu.memref_squeeze %dma_wait3A_49 : memref<1x1x1x128xi32, #tpu.memory_space<hbm>> -> memref<128xi32, #tpu.memory_space<hbm>>
      %dma_wait3A_51 = arith.constant 0 : i32
      %dma_wait3A_52 = tpu.memref_slice %arg3[%arg0, %arg1, %run_scoped3A, %dma_wait3A_51] : memref<2x16x80x128xi32, #tpu.memory_space<hbm>> -> memref<1x1x1x128xi32, #tpu.memory_space<hbm>>
      %dma_wait3A_53 = tpu.memref_squeeze %dma_wait3A_52 : memref<1x1x1x128xi32, #tpu.memory_space<hbm>> -> memref<128xi32, #tpu.memory_space<hbm>>
      tpu.wait_dma2 semaphore(%run_scoped3A_41 : memref<!tpu.dma_semaphore, #tpu.memory_space<semaphore_mem>>) src(%dma_wait3A_53 : memref<128xi32, #tpu.memory_space<hbm>>) dst(%arg7 : memref<128xi32, #tpu.memory_space<vmem>>)
      tpu.yield
    }) : () -> ()
    %run_scoped3A_3 = arith.constant 0 : i32
    "tpu.region"() ({
      %run_scoped3A_41 = tpu.sem_alloc : memref<!tpu.dma_semaphore, #tpu.memory_space<semaphore_mem>>
      %dma_start3A_42 = arith.constant 0 : i32
      %dma_start3A_43 = tpu.memref_slice %arg4[%arg0, %arg1, %run_scoped3A_3, %dma_start3A_42] : memref<2x16x80x128xi32, #tpu.memory_space<hbm>> -> memref<1x1x1x128xi32, #tpu.memory_space<hbm>>
      %dma_start3A_44 = tpu.memref_squeeze %dma_start3A_43 : memref<1x1x1x128xi32, #tpu.memory_space<hbm>> -> memref<128xi32, #tpu.memory_space<hbm>>
      %dma_start3A_45 = arith.constant 0 : i32
      %dma_start3A_46 = tpu.memref_slice %arg4[%arg0, %arg1, %run_scoped3A_3, %dma_start3A_45] : memref<2x16x80x128xi32, #tpu.memory_space<hbm>> -> memref<1x1x1x128xi32, #tpu.memory_space<hbm>>
      %dma_start3A_47 = tpu.memref_squeeze %dma_start3A_46 : memref<1x1x1x128xi32, #tpu.memory_space<hbm>> -> memref<128xi32, #tpu.memory_space<hbm>>
      tpu.enqueue_dma source(%dma_start3A_47 : memref<128xi32, #tpu.memory_space<hbm>>) target(%arg9 : memref<128xi32, #tpu.memory_space<vmem>>) target_semaphore(%run_scoped3A_41 : memref<!tpu.dma_semaphore, #tpu.memory_space<semaphore_mem>>)
      %dma_wait3A_48 = arith.constant 0 : i32
      %dma_wait3A_49 = tpu.memref_slice %arg4[%arg0, %arg1, %run_scoped3A_3, %dma_wait3A_48] : memref<2x16x80x128xi32, #tpu.memory_space<hbm>> -> memref<1x1x1x128xi32, #tpu.memory_space<hbm>>
      %dma_wait3A_50 = tpu.memref_squeeze %dma_wait3A_49 : memref<1x1x1x128xi32, #tpu.memory_space<hbm>> -> memref<128xi32, #tpu.memory_space<hbm>>
      %dma_wait3A_51 = arith.constant 0 : i32
      %dma_wait3A_52 = tpu.memref_slice %arg4[%arg0, %arg1, %run_scoped3A_3, %dma_wait3A_51] : memref<2x16x80x128xi32, #tpu.memory_space<hbm>> -> memref<1x1x1x128xi32, #tpu.memory_space<hbm>>
      %dma_wait3A_53 = tpu.memref_squeeze %dma_wait3A_52 : memref<1x1x1x128xi32, #tpu.memory_space<hbm>> -> memref<128xi32, #tpu.memory_space<hbm>>
      tpu.wait_dma2 semaphore(%run_scoped3A_41 : memref<!tpu.dma_semaphore, #tpu.memory_space<semaphore_mem>>) src(%dma_wait3A_53 : memref<128xi32, #tpu.memory_space<hbm>>) dst(%arg9 : memref<128xi32, #tpu.memory_space<vmem>>)
      tpu.yield
    }) : () -> ()
    %dma_start3A = arith.constant 0 : i32
    %dma_start3A_4 = arith.constant 0 : i32
    %dma_start3A_5 = tpu.memref_slice %arg2[%dma_start3A, %dma_start3A_4] : memref<10000x128xf32, #tpu.memory_space<hbm>> -> memref<10000x128xf32, #tpu.memory_space<hbm>>
    tpu.enqueue_indirect_dma source(%dma_start3A_5 : memref<10000x128xf32, #tpu.memory_space<hbm>>) target(%arg11 : memref<128x128xf32, #tpu.memory_space<vmem>>) offsets(%arg7 : memref<128xi32, #tpu.memory_space<vmem>>) semaphore(%arg13 : memref<!tpu.dma_semaphore, #tpu.memory_space<semaphore_mem>>)
    %dma_start3A_6 = arith.constant 1 : i32
    %dma_start3A_7 = arith.constant 0 : i32
    %dma_start3A_8 = tpu.memref_slice %arg3[%arg0, %arg1, %dma_start3A_6, %dma_start3A_7] : memref<2x16x80x128xi32, #tpu.memory_space<hbm>> -> memref<1x1x1x128xi32, #tpu.memory_space<hbm>>
    %dma_start3A_9 = tpu.memref_squeeze %dma_start3A_8 : memref<1x1x1x128xi32, #tpu.memory_space<hbm>> -> memref<128xi32, #tpu.memory_space<hbm>>
    %dma_start3A_10 = arith.constant 0 : i32
    %dma_start3A_11 = tpu.memref_slice %arg3[%arg0, %arg1, %dma_start3A_6, %dma_start3A_10] : memref<2x16x80x128xi32, #tpu.memory_space<hbm>> -> memref<1x1x1x128xi32, #tpu.memory_space<hbm>>
    %dma_start3A_12 = tpu.memref_squeeze %dma_start3A_11 : memref<1x1x1x128xi32, #tpu.memory_space<hbm>> -> memref<128xi32, #tpu.memory_space<hbm>>
    tpu.enqueue_dma source(%dma_start3A_12 : memref<128xi32, #tpu.memory_space<hbm>>) target(%arg8 : memref<128xi32, #tpu.memory_space<vmem>>) target_semaphore(%arg16 : memref<!tpu.dma_semaphore, #tpu.memory_space<semaphore_mem>>)
    %dma_start3A_13 = arith.constant 1 : i32
    %dma_start3A_14 = arith.constant 0 : i32
    %dma_start3A_15 = tpu.memref_slice %arg4[%arg0, %arg1, %dma_start3A_13, %dma_start3A_14] : memref<2x16x80x128xi32, #tpu.memory_space<hbm>> -> memref<1x1x1x128xi32, #tpu.memory_space<hbm>>
    %dma_start3A_16 = tpu.memref_squeeze %dma_start3A_15 : memref<1x1x1x128xi32, #tpu.memory_space<hbm>> -> memref<128xi32, #tpu.memory_space<hbm>>
    %dma_start3A_17 = arith.constant 0 : i32
    %dma_start3A_18 = tpu.memref_slice %arg4[%arg0, %arg1, %dma_start3A_13, %dma_start3A_17] : memref<2x16x80x128xi32, #tpu.memory_space<hbm>> -> memref<1x1x1x128xi32, #tpu.memory_space<hbm>>
    %dma_start3A_19 = tpu.memref_squeeze %dma_start3A_18 : memref<1x1x1x128xi32, #tpu.memory_space<hbm>> -> memref<128xi32, #tpu.memory_space<hbm>>
    tpu.enqueue_dma source(%dma_start3A_19 : memref<128xi32, #tpu.memory_space<hbm>>) target(%arg10 : memref<128xi32, #tpu.memory_space<vmem>>) target_semaphore(%arg16 : memref<!tpu.dma_semaphore, #tpu.memory_space<semaphore_mem>>)
    %scan3A = arith.constant 0 : i32
    %scan3A_20 = arith.constant 0 : i32
    %scan3A_21 = arith.constant 40 : i32
    %scan3A_22 = arith.addi %scan3A_20, %scan3A_21 : i32
    %scan3A_23 = arith.constant 1 : i32
    scf.for %scan3A_41 = %scan3A_20 to %scan3A_22 step %scan3A_23  : i32 {
      %mul3A_42 = arith.constant 2 : i32
      %mul3A_43 = arith.muli %mul3A_42, %scan3A_41 : i32
      %add3A = arith.constant 1 : i32
      %add3A_44 = arith.addi %mul3A_43, %add3A : i32
      %lt3A = arith.constant 80 : i32
      %lt3A_45 = arith.cmpi slt, %add3A_44, %lt3A : i32
      %convert_element_type3A = arith.extui %lt3A_45 : i1 to i32
      %cond3A = arith.constant 0 : i32
      %cond3A_46 = arith.cmpi ne, %convert_element_type3A, %cond3A : i32
      scf.if %cond3A_46 {
        %dma_wait3A_88 = arith.constant 0 : i32
        %dma_wait3A_89 = arith.constant 0 : i32
        %dma_wait3A_90 = tpu.memref_slice %arg3[%arg0, %arg1, %dma_wait3A_88, %dma_wait3A_89] : memref<2x16x80x128xi32, #tpu.memory_space<hbm>> -> memref<1x1x1x128xi32, #tpu.memory_space<hbm>>
        %dma_wait3A_91 = tpu.memref_squeeze %dma_wait3A_90 : memref<1x1x1x128xi32, #tpu.memory_space<hbm>> -> memref<128xi32, #tpu.memory_space<hbm>>
        %dma_wait3A_92 = arith.constant 0 : i32
        %dma_wait3A_93 = tpu.memref_slice %arg3[%arg0, %arg1, %dma_wait3A_88, %dma_wait3A_92] : memref<2x16x80x128xi32, #tpu.memory_space<hbm>> -> memref<1x1x1x128xi32, #tpu.memory_space<hbm>>
        %dma_wait3A_94 = tpu.memref_squeeze %dma_wait3A_93 : memref<1x1x1x128xi32, #tpu.memory_space<hbm>> -> memref<128xi32, #tpu.memory_space<hbm>>
        tpu.wait_dma2 semaphore(%arg16 : memref<!tpu.dma_semaphore, #tpu.memory_space<semaphore_mem>>) src(%dma_wait3A_94 : memref<128xi32, #tpu.memory_space<hbm>>) dst(%arg8 : memref<128xi32, #tpu.memory_space<vmem>>)
        %dma_wait3A_95 = arith.constant 0 : i32
        %dma_wait3A_96 = arith.constant 0 : i32
        %dma_wait3A_97 = tpu.memref_slice %arg4[%arg0, %arg1, %dma_wait3A_95, %dma_wait3A_96] : memref<2x16x80x128xi32, #tpu.memory_space<hbm>> -> memref<1x1x1x128xi32, #tpu.memory_space<hbm>>
        %dma_wait3A_98 = tpu.memref_squeeze %dma_wait3A_97 : memref<1x1x1x128xi32, #tpu.memory_space<hbm>> -> memref<128xi32, #tpu.memory_space<hbm>>
        %dma_wait3A_99 = arith.constant 0 : i32
        %dma_wait3A_100 = tpu.memref_slice %arg4[%arg0, %arg1, %dma_wait3A_95, %dma_wait3A_99] : memref<2x16x80x128xi32, #tpu.memory_space<hbm>> -> memref<1x1x1x128xi32, #tpu.memory_space<hbm>>
        %dma_wait3A_101 = tpu.memref_squeeze %dma_wait3A_100 : memref<1x1x1x128xi32, #tpu.memory_space<hbm>> -> memref<128xi32, #tpu.memory_space<hbm>>
        tpu.wait_dma2 semaphore(%arg16 : memref<!tpu.dma_semaphore, #tpu.memory_space<semaphore_mem>>) src(%dma_wait3A_101 : memref<128xi32, #tpu.memory_space<hbm>>) dst(%arg10 : memref<128xi32, #tpu.memory_space<vmem>>)
        %ge3A = arith.constant 1 : i32
        %ge3A_102 = arith.cmpi sge, %mul3A_43, %ge3A : i32
        %convert_element_type3A_103 = arith.extui %ge3A_102 : i1 to i32
        %cond3A_104 = arith.constant 0 : i32
        %cond3A_105 = arith.cmpi ne, %convert_element_type3A_103, %cond3A_104 : i32
        scf.if %cond3A_105 {
          %dma_wait3A_109 = arith.constant 0 : i32
          %dma_wait3A_110 = arith.constant 0 : i32
          %dma_wait3A_111 = tpu.memref_slice %arg2[%dma_wait3A_109, %dma_wait3A_110] : memref<10000x128xf32, #tpu.memory_space<hbm>> -> memref<128x128xf32, #tpu.memory_space<hbm>>
          %dma_wait3A_112 = arith.constant 0 : i32
          %dma_wait3A_113 = arith.constant 0 : i32
          %dma_wait3A_114 = tpu.memref_slice %arg2[%dma_wait3A_112, %dma_wait3A_113] : memref<10000x128xf32, #tpu.memory_space<hbm>> -> memref<128x128xf32, #tpu.memory_space<hbm>>
          tpu.wait_dma2 semaphore(%arg18 : memref<!tpu.dma_semaphore, #tpu.memory_space<semaphore_mem>>) src(%dma_wait3A_114 : memref<128x128xf32, #tpu.memory_space<hbm>>) dst(%arg12 : memref<128x128xf32, #tpu.memory_space<vmem>>)
        } else {
        }
        %dma_start3A_106 = arith.constant 0 : i32
        %dma_start3A_107 = arith.constant 0 : i32
        %dma_start3A_108 = tpu.memref_slice %arg2[%dma_start3A_106, %dma_start3A_107] : memref<10000x128xf32, #tpu.memory_space<hbm>> -> memref<10000x128xf32, #tpu.memory_space<hbm>>
        tpu.enqueue_indirect_dma source(%dma_start3A_108 : memref<10000x128xf32, #tpu.memory_space<hbm>>) target(%arg12 : memref<128x128xf32, #tpu.memory_space<vmem>>) offsets(%arg8 : memref<128xi32, #tpu.memory_space<vmem>>) semaphore(%arg14 : memref<!tpu.dma_semaphore, #tpu.memory_space<semaphore_mem>>)
      } else {
      }
      %dma_wait3A_47 = arith.constant 0 : i32
      %dma_wait3A_48 = arith.constant 0 : i32
      %dma_wait3A_49 = tpu.memref_slice %arg2[%dma_wait3A_47, %dma_wait3A_48] : memref<10000x128xf32, #tpu.memory_space<hbm>> -> memref<128x128xf32, #tpu.memory_space<hbm>>
      %dma_wait3A_50 = arith.constant 0 : i32
      %dma_wait3A_51 = arith.constant 0 : i32
      %dma_wait3A_52 = tpu.memref_slice %arg2[%dma_wait3A_50, %dma_wait3A_51] : memref<10000x128xf32, #tpu.memory_space<hbm>> -> memref<128x128xf32, #tpu.memory_space<hbm>>
      tpu.wait_dma2 semaphore(%arg13 : memref<!tpu.dma_semaphore, #tpu.memory_space<semaphore_mem>>) src(%dma_wait3A_52 : memref<128x128xf32, #tpu.memory_space<hbm>>) dst(%arg11 : memref<128x128xf32, #tpu.memory_space<vmem>>)
      %dma_start3A_53 = arith.constant 0 : i32
      %dma_start3A_54 = arith.constant 0 : i32
      %dma_start3A_55 = tpu.memref_slice %arg19[%dma_start3A_53, %dma_start3A_54] : memref<10112x128xf32, #tpu.memory_space<vmem_shared>> -> memref<10112x128xf32, #tpu.memory_space<vmem_shared>>
      tpu.enqueue_indirect_dma source(%arg11 : memref<128x128xf32, #tpu.memory_space<vmem>>) target(%dma_start3A_55 : memref<10112x128xf32, #tpu.memory_space<vmem_shared>>) offsets(%arg9 : memref<128xi32, #tpu.memory_space<vmem>>) semaphore(%arg17 : memref<!tpu.dma_semaphore, #tpu.memory_space<semaphore_mem>>) {add = true}
      %add3A_56 = arith.constant 2 : i32
      %add3A_57 = arith.addi %mul3A_43, %add3A_56 : i32
      %lt3A_58 = arith.constant 80 : i32
      %lt3A_59 = arith.cmpi slt, %add3A_57, %lt3A_58 : i32
      %convert_element_type3A_60 = arith.extui %lt3A_59 : i1 to i32
      %cond3A_61 = arith.constant 0 : i32
      %cond3A_62 = arith.cmpi ne, %convert_element_type3A_60, %cond3A_61 : i32
      scf.if %cond3A_62 {
        %add3A_88 = arith.constant 2 : i32
        %add3A_89 = arith.addi %mul3A_43, %add3A_88 : i32
        %dma_start3A_90 = arith.constant 0 : i32
        %dma_start3A_91 = tpu.memref_slice %arg3[%arg0, %arg1, %add3A_89, %dma_start3A_90] : memref<2x16x80x128xi32, #tpu.memory_space<hbm>> -> memref<1x1x1x128xi32, #tpu.memory_space<hbm>>
        %dma_start3A_92 = tpu.memref_squeeze %dma_start3A_91 : memref<1x1x1x128xi32, #tpu.memory_space<hbm>> -> memref<128xi32, #tpu.memory_space<hbm>>
        %dma_start3A_93 = arith.constant 0 : i32
        %dma_start3A_94 = tpu.memref_slice %arg3[%arg0, %arg1, %add3A_89, %dma_start3A_93] : memref<2x16x80x128xi32, #tpu.memory_space<hbm>> -> memref<1x1x1x128xi32, #tpu.memory_space<hbm>>
        %dma_start3A_95 = tpu.memref_squeeze %dma_start3A_94 : memref<1x1x1x128xi32, #tpu.memory_space<hbm>> -> memref<128xi32, #tpu.memory_space<hbm>>
        tpu.enqueue_dma source(%dma_start3A_95 : memref<128xi32, #tpu.memory_space<hbm>>) target(%arg7 : memref<128xi32, #tpu.memory_space<vmem>>) target_semaphore(%arg15 : memref<!tpu.dma_semaphore, #tpu.memory_space<semaphore_mem>>)
        %add3A_96 = arith.constant 2 : i32
        %add3A_97 = arith.addi %mul3A_43, %add3A_96 : i32
        %dma_start3A_98 = arith.constant 0 : i32
        %dma_start3A_99 = tpu.memref_slice %arg4[%arg0, %arg1, %add3A_97, %dma_start3A_98] : memref<2x16x80x128xi32, #tpu.memory_space<hbm>> -> memref<1x1x1x128xi32, #tpu.memory_space<hbm>>
        %dma_start3A_100 = tpu.memref_squeeze %dma_start3A_99 : memref<1x1x1x128xi32, #tpu.memory_space<hbm>> -> memref<128xi32, #tpu.memory_space<hbm>>
        %dma_start3A_101 = arith.constant 0 : i32
        %dma_start3A_102 = tpu.memref_slice %arg4[%arg0, %arg1, %add3A_97, %dma_start3A_101] : memref<2x16x80x128xi32, #tpu.memory_space<hbm>> -> memref<1x1x1x128xi32, #tpu.memory_space<hbm>>
        %dma_start3A_103 = tpu.memref_squeeze %dma_start3A_102 : memref<1x1x1x128xi32, #tpu.memory_space<hbm>> -> memref<128xi32, #tpu.memory_space<hbm>>
        tpu.enqueue_dma source(%dma_start3A_103 : memref<128xi32, #tpu.memory_space<hbm>>) target(%arg9 : memref<128xi32, #tpu.memory_space<vmem>>) target_semaphore(%arg15 : memref<!tpu.dma_semaphore, #tpu.memory_space<semaphore_mem>>)
      } else {
      }
      %add3A_63 = arith.constant 1 : i32
      %add3A_64 = arith.addi %mul3A_43, %add3A_63 : i32
      %add3A_65 = arith.constant 1 : i32
      %add3A_66 = arith.addi %add3A_64, %add3A_65 : i32
      %lt3A_67 = arith.constant 80 : i32
      %lt3A_68 = arith.cmpi slt, %add3A_66, %lt3A_67 : i32
      %convert_element_type3A_69 = arith.extui %lt3A_68 : i1 to i32
      %cond3A_70 = arith.constant 0 : i32
      %cond3A_71 = arith.cmpi ne, %convert_element_type3A_69, %cond3A_70 : i32
      scf.if %cond3A_71 {
        %dma_wait3A_88 = arith.constant 0 : i32
        %dma_wait3A_89 = arith.constant 0 : i32
        %dma_wait3A_90 = tpu.memref_slice %arg3[%arg0, %arg1, %dma_wait3A_88, %dma_wait3A_89] : memref<2x16x80x128xi32, #tpu.memory_space<hbm>> -> memref<1x1x1x128xi32, #tpu.memory_space<hbm>>
        %dma_wait3A_91 = tpu.memref_squeeze %dma_wait3A_90 : memref<1x1x1x128xi32, #tpu.memory_space<hbm>> -> memref<128xi32, #tpu.memory_space<hbm>>
        %dma_wait3A_92 = arith.constant 0 : i32
        %dma_wait3A_93 = tpu.memref_slice %arg3[%arg0, %arg1, %dma_wait3A_88, %dma_wait3A_92] : memref<2x16x80x128xi32, #tpu.memory_space<hbm>> -> memref<1x1x1x128xi32, #tpu.memory_space<hbm>>
        %dma_wait3A_94 = tpu.memref_squeeze %dma_wait3A_93 : memref<1x1x1x128xi32, #tpu.memory_space<hbm>> -> memref<128xi32, #tpu.memory_space<hbm>>
        tpu.wait_dma2 semaphore(%arg15 : memref<!tpu.dma_semaphore, #tpu.memory_space<semaphore_mem>>) src(%dma_wait3A_94 : memref<128xi32, #tpu.memory_space<hbm>>) dst(%arg7 : memref<128xi32, #tpu.memory_space<vmem>>)
        %dma_wait3A_95 = arith.constant 0 : i32
        %dma_wait3A_96 = arith.constant 0 : i32
        %dma_wait3A_97 = tpu.memref_slice %arg4[%arg0, %arg1, %dma_wait3A_95, %dma_wait3A_96] : memref<2x16x80x128xi32, #tpu.memory_space<hbm>> -> memref<1x1x1x128xi32, #tpu.memory_space<hbm>>
        %dma_wait3A_98 = tpu.memref_squeeze %dma_wait3A_97 : memref<1x1x1x128xi32, #tpu.memory_space<hbm>> -> memref<128xi32, #tpu.memory_space<hbm>>
        %dma_wait3A_99 = arith.constant 0 : i32
        %dma_wait3A_100 = tpu.memref_slice %arg4[%arg0, %arg1, %dma_wait3A_95, %dma_wait3A_99] : memref<2x16x80x128xi32, #tpu.memory_space<hbm>> -> memref<1x1x1x128xi32, #tpu.memory_space<hbm>>
        %dma_wait3A_101 = tpu.memref_squeeze %dma_wait3A_100 : memref<1x1x1x128xi32, #tpu.memory_space<hbm>> -> memref<128xi32, #tpu.memory_space<hbm>>
        tpu.wait_dma2 semaphore(%arg15 : memref<!tpu.dma_semaphore, #tpu.memory_space<semaphore_mem>>) src(%dma_wait3A_101 : memref<128xi32, #tpu.memory_space<hbm>>) dst(%arg9 : memref<128xi32, #tpu.memory_space<vmem>>)
        %ge3A = arith.constant 1 : i32
        %ge3A_102 = arith.cmpi sge, %add3A_64, %ge3A : i32
        %convert_element_type3A_103 = arith.extui %ge3A_102 : i1 to i32
        %cond3A_104 = arith.constant 0 : i32
        %cond3A_105 = arith.cmpi ne, %convert_element_type3A_103, %cond3A_104 : i32
        scf.if %cond3A_105 {
          %dma_wait3A_109 = arith.constant 0 : i32
          %dma_wait3A_110 = arith.constant 0 : i32
          %dma_wait3A_111 = tpu.memref_slice %arg2[%dma_wait3A_109, %dma_wait3A_110] : memref<10000x128xf32, #tpu.memory_space<hbm>> -> memref<128x128xf32, #tpu.memory_space<hbm>>
          %dma_wait3A_112 = arith.constant 0 : i32
          %dma_wait3A_113 = arith.constant 0 : i32
          %dma_wait3A_114 = tpu.memref_slice %arg2[%dma_wait3A_112, %dma_wait3A_113] : memref<10000x128xf32, #tpu.memory_space<hbm>> -> memref<128x128xf32, #tpu.memory_space<hbm>>
          tpu.wait_dma2 semaphore(%arg17 : memref<!tpu.dma_semaphore, #tpu.memory_space<semaphore_mem>>) src(%dma_wait3A_114 : memref<128x128xf32, #tpu.memory_space<hbm>>) dst(%arg11 : memref<128x128xf32, #tpu.memory_space<vmem>>)
        } else {
        }
        %dma_start3A_106 = arith.constant 0 : i32
        %dma_start3A_107 = arith.constant 0 : i32
        %dma_start3A_108 = tpu.memref_slice %arg2[%dma_start3A_106, %dma_start3A_107] : memref<10000x128xf32, #tpu.memory_space<hbm>> -> memref<10000x128xf32, #tpu.memory_space<hbm>>
        tpu.enqueue_indirect_dma source(%dma_start3A_108 : memref<10000x128xf32, #tpu.memory_space<hbm>>) target(%arg11 : memref<128x128xf32, #tpu.memory_space<vmem>>) offsets(%arg7 : memref<128xi32, #tpu.memory_space<vmem>>) semaphore(%arg13 : memref<!tpu.dma_semaphore, #tpu.memory_space<semaphore_mem>>)
      } else {
      }
      %dma_wait3A_72 = arith.constant 0 : i32
      %dma_wait3A_73 = arith.constant 0 : i32
      %dma_wait3A_74 = tpu.memref_slice %arg2[%dma_wait3A_72, %dma_wait3A_73] : memref<10000x128xf32, #tpu.memory_space<hbm>> -> memref<128x128xf32, #tpu.memory_space<hbm>>
      %dma_wait3A_75 = arith.constant 0 : i32
      %dma_wait3A_76 = arith.constant 0 : i32
      %dma_wait3A_77 = tpu.memref_slice %arg2[%dma_wait3A_75, %dma_wait3A_76] : memref<10000x128xf32, #tpu.memory_space<hbm>> -> memref<128x128xf32, #tpu.memory_space<hbm>>
      tpu.wait_dma2 semaphore(%arg14 : memref<!tpu.dma_semaphore, #tpu.memory_space<semaphore_mem>>) src(%dma_wait3A_77 : memref<128x128xf32, #tpu.memory_space<hbm>>) dst(%arg12 : memref<128x128xf32, #tpu.memory_space<vmem>>)
      %dma_start3A_78 = arith.constant 0 : i32
      %dma_start3A_79 = arith.constant 0 : i32
      %dma_start3A_80 = tpu.memref_slice %arg19[%dma_start3A_78, %dma_start3A_79] : memref<10112x128xf32, #tpu.memory_space<vmem_shared>> -> memref<10112x128xf32, #tpu.memory_space<vmem_shared>>
      tpu.enqueue_indirect_dma source(%arg12 : memref<128x128xf32, #tpu.memory_space<vmem>>) target(%dma_start3A_80 : memref<10112x128xf32, #tpu.memory_space<vmem_shared>>) offsets(%arg10 : memref<128xi32, #tpu.memory_space<vmem>>) semaphore(%arg18 : memref<!tpu.dma_semaphore, #tpu.memory_space<semaphore_mem>>) {add = true}
      %add3A_81 = arith.constant 2 : i32
      %add3A_82 = arith.addi %add3A_64, %add3A_81 : i32
      %lt3A_83 = arith.constant 80 : i32
      %lt3A_84 = arith.cmpi slt, %add3A_82, %lt3A_83 : i32
      %convert_element_type3A_85 = arith.extui %lt3A_84 : i1 to i32
      %cond3A_86 = arith.constant 0 : i32
      %cond3A_87 = arith.cmpi ne, %convert_element_type3A_85, %cond3A_86 : i32
      scf.if %cond3A_87 {
        %add3A_88 = arith.constant 2 : i32
        %add3A_89 = arith.addi %add3A_64, %add3A_88 : i32
        %dma_start3A_90 = arith.constant 0 : i32
        %dma_start3A_91 = tpu.memref_slice %arg3[%arg0, %arg1, %add3A_89, %dma_start3A_90] : memref<2x16x80x128xi32, #tpu.memory_space<hbm>> -> memref<1x1x1x128xi32, #tpu.memory_space<hbm>>
        %dma_start3A_92 = tpu.memref_squeeze %dma_start3A_91 : memref<1x1x1x128xi32, #tpu.memory_space<hbm>> -> memref<128xi32, #tpu.memory_space<hbm>>
        %dma_start3A_93 = arith.constant 0 : i32
        %dma_start3A_94 = tpu.memref_slice %arg3[%arg0, %arg1, %add3A_89, %dma_start3A_93] : memref<2x16x80x128xi32, #tpu.memory_space<hbm>> -> memref<1x1x1x128xi32, #tpu.memory_space<hbm>>
        %dma_start3A_95 = tpu.memref_squeeze %dma_start3A_94 : memref<1x1x1x128xi32, #tpu.memory_space<hbm>> -> memref<128xi32, #tpu.memory_space<hbm>>
        tpu.enqueue_dma source(%dma_start3A_95 : memref<128xi32, #tpu.memory_space<hbm>>) target(%arg8 : memref<128xi32, #tpu.memory_space<vmem>>) target_semaphore(%arg16 : memref<!tpu.dma_semaphore, #tpu.memory_space<semaphore_mem>>)
        %add3A_96 = arith.constant 2 : i32
        %add3A_97 = arith.addi %add3A_64, %add3A_96 : i32
        %dma_start3A_98 = arith.constant 0 : i32
        %dma_start3A_99 = tpu.memref_slice %arg4[%arg0, %arg1, %add3A_97, %dma_start3A_98] : memref<2x16x80x128xi32, #tpu.memory_space<hbm>> -> memref<1x1x1x128xi32, #tpu.memory_space<hbm>>
        %dma_start3A_100 = tpu.memref_squeeze %dma_start3A_99 : memref<1x1x1x128xi32, #tpu.memory_space<hbm>> -> memref<128xi32, #tpu.memory_space<hbm>>
        %dma_start3A_101 = arith.constant 0 : i32
        %dma_start3A_102 = tpu.memref_slice %arg4[%arg0, %arg1, %add3A_97, %dma_start3A_101] : memref<2x16x80x128xi32, #tpu.memory_space<hbm>> -> memref<1x1x1x128xi32, #tpu.memory_space<hbm>>
        %dma_start3A_103 = tpu.memref_squeeze %dma_start3A_102 : memref<1x1x1x128xi32, #tpu.memory_space<hbm>> -> memref<128xi32, #tpu.memory_space<hbm>>
        tpu.enqueue_dma source(%dma_start3A_103 : memref<128xi32, #tpu.memory_space<hbm>>) target(%arg10 : memref<128xi32, #tpu.memory_space<vmem>>) target_semaphore(%arg16 : memref<!tpu.dma_semaphore, #tpu.memory_space<semaphore_mem>>)
      } else {
      }
    }
    %scan3A_24 = arith.constant 40 : i32
    %dma_wait3A = arith.constant 0 : i32
    %dma_wait3A_25 = arith.constant 0 : i32
    %dma_wait3A_26 = tpu.memref_slice %arg2[%dma_wait3A, %dma_wait3A_25] : memref<10000x128xf32, #tpu.memory_space<hbm>> -> memref<128x128xf32, #tpu.memory_space<hbm>>
    %dma_wait3A_27 = arith.constant 0 : i32
    %dma_wait3A_28 = arith.constant 0 : i32
    %dma_wait3A_29 = tpu.memref_slice %arg2[%dma_wait3A_27, %dma_wait3A_28] : memref<10000x128xf32, #tpu.memory_space<hbm>> -> memref<128x128xf32, #tpu.memory_space<hbm>>
    tpu.wait_dma2 semaphore(%arg17 : memref<!tpu.dma_semaphore, #tpu.memory_space<semaphore_mem>>) src(%dma_wait3A_29 : memref<128x128xf32, #tpu.memory_space<hbm>>) dst(%arg11 : memref<128x128xf32, #tpu.memory_space<vmem>>)
    %dma_wait3A_30 = arith.constant 0 : i32
    %dma_wait3A_31 = arith.constant 0 : i32
    %dma_wait3A_32 = tpu.memref_slice %arg2[%dma_wait3A_30, %dma_wait3A_31] : memref<10000x128xf32, #tpu.memory_space<hbm>> -> memref<128x128xf32, #tpu.memory_space<hbm>>
    %dma_wait3A_33 = arith.constant 0 : i32
    %dma_wait3A_34 = arith.constant 0 : i32
    %dma_wait3A_35 = tpu.memref_slice %arg2[%dma_wait3A_33, %dma_wait3A_34] : memref<10000x128xf32, #tpu.memory_space<hbm>> -> memref<128x128xf32, #tpu.memory_space<hbm>>
    tpu.wait_dma2 semaphore(%arg18 : memref<!tpu.dma_semaphore, #tpu.memory_space<semaphore_mem>>) src(%dma_wait3A_35 : memref<128x128xf32, #tpu.memory_space<hbm>>) dst(%arg12 : memref<128x128xf32, #tpu.memory_space<vmem>>)
    %barrier3A_36 = arith.constant 0 : index
    tpu.barrier barrier_id(%barrier3A_36)
    %mul3A_37 = arith.constant 632 : i32
    %mul3A_38 = arith.muli %arg1, %mul3A_37 : i32
    %mul3A_39 = arith.constant 632 : i32
    %mul3A_40 = arith.muli %arg1, %mul3A_39 : i32
    "tpu.region"() ({
      %run_scoped3A_41 = tpu.sem_alloc : memref<!tpu.dma_semaphore, #tpu.memory_space<semaphore_mem>>
      %dma_start3A_42 = arith.constant 0 : i32
      %dma_start3A_43 = tpu.memref_slice %arg6[%arg0, %mul3A_40, %dma_start3A_42] : memref<2x10112x128xf32, #tpu.memory_space<hbm>> -> memref<1x632x128xf32, #tpu.memory_space<hbm>>
      %dma_start3A_44 = tpu.memref_squeeze %dma_start3A_43 : memref<1x632x128xf32, #tpu.memory_space<hbm>> -> memref<632x128xf32, #tpu.memory_space<hbm>>
      %dma_start3A_45 = arith.constant 0 : i32
      %dma_start3A_46 = tpu.memref_slice %arg19[%mul3A_38, %dma_start3A_45] : memref<10112x128xf32, #tpu.memory_space<vmem_shared>> -> memref<632x128xf32, #tpu.memory_space<vmem_shared>>
      tpu.enqueue_dma source(%dma_start3A_46 : memref<632x128xf32, #tpu.memory_space<vmem_shared>>) target(%dma_start3A_44 : memref<632x128xf32, #tpu.memory_space<hbm>>) target_semaphore(%run_scoped3A_41 : memref<!tpu.dma_semaphore, #tpu.memory_space<semaphore_mem>>)
      %dma_wait3A_47 = arith.constant 0 : i32
      %dma_wait3A_48 = tpu.memref_slice %arg6[%arg0, %mul3A_40, %dma_wait3A_47] : memref<2x10112x128xf32, #tpu.memory_space<hbm>> -> memref<1x632x128xf32, #tpu.memory_space<hbm>>
      %dma_wait3A_49 = tpu.memref_squeeze %dma_wait3A_48 : memref<1x632x128xf32, #tpu.memory_space<hbm>> -> memref<632x128xf32, #tpu.memory_space<hbm>>
      %dma_wait3A_50 = arith.constant 0 : i32
      %dma_wait3A_51 = tpu.memref_slice %arg19[%mul3A_38, %dma_wait3A_50] : memref<10112x128xf32, #tpu.memory_space<vmem_shared>> -> memref<632x128xf32, #tpu.memory_space<vmem_shared>>
      tpu.wait_dma2 semaphore(%run_scoped3A_41 : memref<!tpu.dma_semaphore, #tpu.memory_space<semaphore_mem>>) src(%dma_wait3A_51 : memref<632x128xf32, #tpu.memory_space<vmem_shared>>) dst(%dma_wait3A_49 : memref<632x128xf32, #tpu.memory_space<hbm>>)
      tpu.yield
    }) : () -> ()
    return
  }
}

module attributes {stable_mosaic.version = 14 : i64} {
  func.func @body(%arg0: memref<10000x1xi32, #tpu.memory_space<vmem>>, %arg1: memref<10000x16xf32, #tpu.memory_space<vmem>>, %arg2: memref<128x128xf32, #tpu.memory_space<vmem>>, %arg3: memref<16x128xf32, #tpu.memory_space<vmem>>, %arg4: memref<10240x128xf32, #tpu.memory_space<vmem>>, %arg5: memref<1x128xf32, #tpu.memory_space<vmem>>, %arg6: memref<10000x128xf32, #tpu.memory_space<vmem>>) attributes {dimension_semantics = [], scalar_prefetch = 0 : i64, scratch_operands = 0 : i64, tpu.core_type = #tpu.core_type<tc>} {
    %iota3A = tpu.iota {dimensions = array<i32: 1>} : vector<10000x128xi32>
    %get3A = arith.constant 0 : index
    %get3A_0 = arith.constant 0 : index
    %get3A_1 = vector.load %arg0[%get3A, %get3A_0] : memref<10000x1xi32, #tpu.memory_space<vmem>>, vector<10000x1xi32>
    %rem3A = arith.constant 128 : i32
    %rem3A_2 = vector.broadcast %rem3A : i32 to vector<10000x1xi32>
    %rem3A_3 = arith.remsi %get3A_1, %rem3A_2 : vector<10000x1xi32>
    %eq3A = vector.broadcast %rem3A_3 : vector<10000x1xi32> to vector<10000x128xi32>
    %eq3A_4 = arith.cmpi eq, %eq3A, %iota3A : vector<10000x128xi32>
    %jit3A = arith.constant 1.000000e+00 : f32
    %jit3A_5 = arith.constant 0.000000e+00 : f32
    %broadcast_in_dim3A = vector.broadcast %jit3A : f32 to vector<10000x128xf32>
    %broadcast_in_dim3A_6 = vector.broadcast %jit3A_5 : f32 to vector<10000x128xf32>
    %select_n3A = arith.select %eq3A_4, %broadcast_in_dim3A, %broadcast_in_dim3A_6 : vector<10000x128xi1>, vector<10000x128xf32>
    %get3A_7 = arith.constant 0 : index
    %get3A_8 = arith.constant 0 : index
    %get3A_9 = vector.load %arg2[%get3A_7, %get3A_8] : memref<128x128xf32, #tpu.memory_space<vmem>>, vector<128x128xf32>
    %convert_element_type3A = arith.truncf %select_n3A : vector<10000x128xf32> to vector<10000x128xbf16>
    %convert_element_type3A_10 = arith.truncf %get3A_9 : vector<128x128xf32> to vector<128x128xbf16>
    %dot_general3A = arith.constant dense<0.000000e+00> : vector<10000x128xf32>
    %dot_general3A_11 = tpu.matmul %convert_element_type3A, %convert_element_type3A_10, %dot_general3A {dimension_numbers = #tpu.dot_dimension_numbers<[1], [0], [0], [1], [0, 0, 1, 1], [], []>, transpose_lhs_hint = false} : vector<10000x128xbf16>, vector<128x128xbf16>, vector<10000x128xf32> -> vector<10000x128xf32>
    %get3A_12 = arith.constant 0 : index
    %get3A_13 = arith.constant 0 : index
    %get3A_14 = vector.load %arg1[%get3A_12, %get3A_13] : memref<10000x16xf32, #tpu.memory_space<vmem>>, vector<10000x16xf32>
    %get3A_15 = arith.constant 0 : index
    %get3A_16 = arith.constant 0 : index
    %get3A_17 = vector.load %arg3[%get3A_15, %get3A_16] : memref<16x128xf32, #tpu.memory_space<vmem>>, vector<16x128xf32>
    %convert_element_type3A_18 = arith.truncf %get3A_14 : vector<10000x16xf32> to vector<10000x16xbf16>
    %convert_element_type3A_19 = arith.truncf %get3A_17 : vector<16x128xf32> to vector<16x128xbf16>
    %dot_general3A_20 = arith.constant dense<0.000000e+00> : vector<10000x128xf32>
    %dot_general3A_21 = tpu.matmul %convert_element_type3A_18, %convert_element_type3A_19, %dot_general3A_20 {dimension_numbers = #tpu.dot_dimension_numbers<[1], [0], [0], [1], [0, 0, 1, 1], [], []>, transpose_lhs_hint = false} : vector<10000x16xbf16>, vector<16x128xbf16>, vector<10000x128xf32> -> vector<10000x128xf32>
    %add3A = arith.addf %dot_general3A_11, %dot_general3A_21 : vector<10000x128xf32>
    %get3A_22 = arith.constant 0 : index
    %get3A_23 = arith.constant 0 : index
    %get3A_24 = vector.load %arg4[%get3A_22, %get3A_23] : memref<10240x128xf32, #tpu.memory_space<vmem>>, vector<10000x128xf32>
    %add3A_25 = arith.addf %add3A, %get3A_24 : vector<10000x128xf32>
    %get3A_26 = arith.constant 0 : index
    %get3A_27 = arith.constant 0 : index
    %get3A_28 = vector.load %arg5[%get3A_26, %get3A_27] : memref<1x128xf32, #tpu.memory_space<vmem>>, vector<1x128xf32>
    %add3A_29 = vector.broadcast %get3A_28 : vector<1x128xf32> to vector<10000x128xf32>
    %add3A_30 = arith.addf %add3A_25, %add3A_29 : vector<10000x128xf32>
    %swap3A = arith.constant 0 : index
    %swap3A_31 = arith.constant 0 : index
    %swap3A_32 = vector.load %arg6[%swap3A, %swap3A_31] : memref<10000x128xf32, #tpu.memory_space<vmem>>, vector<10000x128xf32>
    tpu.vector_store %arg6[%swap3A, %swap3A_31], %add3A_30 {strides = array<i32>} : memref<10000x128xf32, #tpu.memory_space<vmem>>, vector<10000x128xf32>,
    return
  }
}

module attributes {stable_mosaic.version = 14 : i64} {
  func.func @body(%arg0: memref<2x10112x128xf32, #tpu.memory_space<vmem>>, %arg1: memref<10000x128xf32, #tpu.memory_space<vmem>>, %arg2: memref<128x128xf32, #tpu.memory_space<vmem>>, %arg3: memref<1x128xf32, #tpu.memory_space<vmem>>, %arg4: memref<128x128xf32, #tpu.memory_space<vmem>>, %arg5: memref<1x128xf32, #tpu.memory_space<vmem>>, %arg6: memref<1x128xf32, #tpu.memory_space<vmem>>, %arg7: memref<1x128xf32, #tpu.memory_space<vmem>>, %arg8: memref<1x1xf32, #tpu.memory_space<vmem>>, %arg9: memref<10000x128xf32, #tpu.memory_space<vmem>>) attributes {dimension_semantics = [], scalar_prefetch = 0 : i64, scratch_operands = 0 : i64, tpu.core_type = #tpu.core_type<tc>} {
    %get3A = arith.constant 0 : index
    %get3A_0 = arith.constant 0 : index
    %get3A_1 = arith.constant 0 : index
    %get3A_2 = vector.load %arg0[%get3A, %get3A_0, %get3A_1] : memref<2x10112x128xf32, #tpu.memory_space<vmem>>, vector<1x10000x128xf32>
    %get3A_3 = vector.shape_cast %get3A_2 : vector<1x10000x128xf32> to vector<10000x128xf32>
    %get3A_4 = arith.constant 1 : index
    %get3A_5 = arith.constant 0 : index
    %get3A_6 = arith.constant 0 : index
    %get3A_7 = vector.load %arg0[%get3A_4, %get3A_5, %get3A_6] : memref<2x10112x128xf32, #tpu.memory_space<vmem>>, vector<1x10000x128xf32>
    %get3A_8 = vector.shape_cast %get3A_7 : vector<1x10000x128xf32> to vector<10000x128xf32>
    %add3A = arith.addf %get3A_3, %get3A_8 : vector<10000x128xf32>
    %get3A_9 = arith.constant 0 : index
    %get3A_10 = arith.constant 0 : index
    %get3A_11 = vector.load %arg8[%get3A_9, %get3A_10] : memref<1x1xf32, #tpu.memory_space<vmem>>, vector<1x1xf32>
    %get3A_12 = vector.extract %get3A_11[0, 0] : f32 from vector<1x1xf32>
    %add3A_13 = arith.constant 1.000000e+00 : f32
    %add3A_14 = arith.addf %add3A_13, %get3A_12 : f32
    %get3A_15 = arith.constant 0 : index
    %get3A_16 = arith.constant 0 : index
    %get3A_17 = vector.load %arg1[%get3A_15, %get3A_16] : memref<10000x128xf32, #tpu.memory_space<vmem>>, vector<10000x128xf32>
    %mul3A = vector.broadcast %add3A_14 : f32 to vector<10000x128xf32>
    %mul3A_18 = arith.mulf %mul3A, %get3A_17 : vector<10000x128xf32>
    %add3A_19 = arith.addf %add3A, %mul3A_18 : vector<10000x128xf32>
    %get3A_20 = arith.constant 0 : index
    %get3A_21 = arith.constant 0 : index
    %get3A_22 = vector.load %arg2[%get3A_20, %get3A_21] : memref<128x128xf32, #tpu.memory_space<vmem>>, vector<128x128xf32>
    %convert_element_type3A = arith.truncf %add3A_19 : vector<10000x128xf32> to vector<10000x128xbf16>
    %convert_element_type3A_23 = arith.truncf %get3A_22 : vector<128x128xf32> to vector<128x128xbf16>
    %dot_general3A = arith.constant dense<0.000000e+00> : vector<10000x128xf32>
    %dot_general3A_24 = tpu.matmul %convert_element_type3A, %convert_element_type3A_23, %dot_general3A {dimension_numbers = #tpu.dot_dimension_numbers<[1], [0], [0], [1], [0, 0, 1, 1], [], []>, transpose_lhs_hint = false} : vector<10000x128xbf16>, vector<128x128xbf16>, vector<10000x128xf32> -> vector<10000x128xf32>
    %get3A_25 = arith.constant 0 : index
    %get3A_26 = arith.constant 0 : index
    %get3A_27 = vector.load %arg3[%get3A_25, %get3A_26] : memref<1x128xf32, #tpu.memory_space<vmem>>, vector<1x128xf32>
    %add3A_28 = vector.broadcast %get3A_27 : vector<1x128xf32> to vector<10000x128xf32>
    %add3A_29 = arith.addf %dot_general3A_24, %add3A_28 : vector<10000x128xf32>
    %max3A = arith.constant 0.000000e+00 : f32
    %max3A_30 = vector.broadcast %max3A : f32 to vector<10000x128xf32>
    %max3A_31 = arith.maximumf %add3A_29, %max3A_30 : vector<10000x128xf32>
    %get3A_32 = arith.constant 0 : index
    %get3A_33 = arith.constant 0 : index
    %get3A_34 = vector.load %arg4[%get3A_32, %get3A_33] : memref<128x128xf32, #tpu.memory_space<vmem>>, vector<128x128xf32>
    %convert_element_type3A_35 = arith.truncf %max3A_31 : vector<10000x128xf32> to vector<10000x128xbf16>
    %convert_element_type3A_36 = arith.truncf %get3A_34 : vector<128x128xf32> to vector<128x128xbf16>
    %dot_general3A_37 = arith.constant dense<0.000000e+00> : vector<10000x128xf32>
    %dot_general3A_38 = tpu.matmul %convert_element_type3A_35, %convert_element_type3A_36, %dot_general3A_37 {dimension_numbers = #tpu.dot_dimension_numbers<[1], [0], [0], [1], [0, 0, 1, 1], [], []>, transpose_lhs_hint = false} : vector<10000x128xbf16>, vector<128x128xbf16>, vector<10000x128xf32> -> vector<10000x128xf32>
    %get3A_39 = arith.constant 0 : index
    %get3A_40 = arith.constant 0 : index
    %get3A_41 = vector.load %arg5[%get3A_39, %get3A_40] : memref<1x128xf32, #tpu.memory_space<vmem>>, vector<1x128xf32>
    %add3A_42 = vector.broadcast %get3A_41 : vector<1x128xf32> to vector<10000x128xf32>
    %add3A_43 = arith.addf %dot_general3A_38, %add3A_42 : vector<10000x128xf32>
    %reduce_sum3A = arith.constant dense<0.000000e+00> : vector<128xf32>
    %reduce_sum3A_44 = vector.multi_reduction <add>, %add3A_43, %reduce_sum3A [0] : vector<10000x128xf32> to vector<128xf32>
    %broadcast_in_dim3A = vector.shape_cast %reduce_sum3A_44 : vector<128xf32> to vector<1x128xf32>
    %div3A = arith.constant 1.000000e+04 : f32
    %div3A_45 = vector.broadcast %div3A : f32 to vector<1x128xf32>
    %div3A_46 = arith.divf %broadcast_in_dim3A, %div3A_45 : vector<1x128xf32>
    %sub3A = vector.broadcast %div3A_46 : vector<1x128xf32> to vector<10000x128xf32>
    %sub3A_47 = arith.subf %add3A_43, %sub3A : vector<10000x128xf32>
    %mul3A_48 = arith.mulf %sub3A_47, %sub3A_47 : vector<10000x128xf32>
    %reduce_sum3A_49 = arith.constant dense<0.000000e+00> : vector<128xf32>
    %reduce_sum3A_50 = vector.multi_reduction <add>, %mul3A_48, %reduce_sum3A_49 [0] : vector<10000x128xf32> to vector<128xf32>
    %broadcast_in_dim3A_51 = vector.shape_cast %reduce_sum3A_50 : vector<128xf32> to vector<1x128xf32>
    %div3A_52 = arith.constant 1.000000e+04 : f32
    %div3A_53 = vector.broadcast %div3A_52 : f32 to vector<1x128xf32>
    %div3A_54 = arith.divf %broadcast_in_dim3A_51, %div3A_53 : vector<1x128xf32>
    %add3A_55 = arith.constant 9.99999974E-6 : f32
    %add3A_56 = vector.broadcast %add3A_55 : f32 to vector<1x128xf32>
    %add3A_57 = arith.addf %div3A_54, %add3A_56 : vector<1x128xf32>
    %sqrt3A = math.sqrt %add3A_57 : vector<1x128xf32>
    %div3A_58 = vector.broadcast %sqrt3A : vector<1x128xf32> to vector<10000x128xf32>
    %div3A_59 = arith.divf %sub3A_47, %div3A_58 : vector<10000x128xf32>
    %get3A_60 = arith.constant 0 : index
    %get3A_61 = arith.constant 0 : index
    %get3A_62 = vector.load %arg6[%get3A_60, %get3A_61] : memref<1x128xf32, #tpu.memory_space<vmem>>, vector<1x128xf32>
    %mul3A_63 = vector.broadcast %get3A_62 : vector<1x128xf32> to vector<10000x128xf32>
    %mul3A_64 = arith.mulf %div3A_59, %mul3A_63 : vector<10000x128xf32>
    %get3A_65 = arith.constant 0 : index
    %get3A_66 = arith.constant 0 : index
    %get3A_67 = vector.load %arg7[%get3A_65, %get3A_66] : memref<1x128xf32, #tpu.memory_space<vmem>>, vector<1x128xf32>
    %add3A_68 = vector.broadcast %get3A_67 : vector<1x128xf32> to vector<10000x128xf32>
    %add3A_69 = arith.addf %mul3A_64, %add3A_68 : vector<10000x128xf32>
    %max3A_70 = arith.constant 0.000000e+00 : f32
    %max3A_71 = vector.broadcast %max3A_70 : f32 to vector<10000x128xf32>
    %max3A_72 = arith.maximumf %add3A_69, %max3A_71 : vector<10000x128xf32>
    %swap3A = arith.constant 0 : index
    %swap3A_73 = arith.constant 0 : index
    %swap3A_74 = vector.load %arg9[%swap3A, %swap3A_73] : memref<10000x128xf32, #tpu.memory_space<vmem>>, vector<10000x128xf32>
    tpu.vector_store %arg9[%swap3A, %swap3A_73], %max3A_72 {strides = array<i32>} : memref<10000x128xf32, #tpu.memory_space<vmem>>, vector<10000x128xf32>,
    return
  }
}

module attributes {stable_mosaic.version = 14 : i64} {
  func.func @body(%arg0: memref<2x10112x128xf32, #tpu.memory_space<vmem>>, %arg1: memref<10000x128xf32, #tpu.memory_space<vmem>>, %arg2: memref<128x128xf32, #tpu.memory_space<vmem>>, %arg3: memref<1x128xf32, #tpu.memory_space<vmem>>, %arg4: memref<128x128xf32, #tpu.memory_space<vmem>>, %arg5: memref<1x128xf32, #tpu.memory_space<vmem>>, %arg6: memref<1x128xf32, #tpu.memory_space<vmem>>, %arg7: memref<1x128xf32, #tpu.memory_space<vmem>>, %arg8: memref<1x1xf32, #tpu.memory_space<vmem>>, %arg9: memref<1x10000xi32, #tpu.memory_space<vmem>>, %arg10: memref<10000x128xf32, #tpu.memory_space<vmem>>, %arg11: memref<64x128xf32, #tpu.memory_space<vmem>>) attributes {dimension_semantics = [], scalar_prefetch = 0 : i64, scratch_operands = 0 : i64, tpu.core_type = #tpu.core_type<tc>} {
    %get3A = arith.constant 0 : index
    %get3A_0 = arith.constant 0 : index
    %get3A_1 = arith.constant 0 : index
    %get3A_2 = vector.load %arg0[%get3A, %get3A_0, %get3A_1] : memref<2x10112x128xf32, #tpu.memory_space<vmem>>, vector<1x10000x128xf32>
    %get3A_3 = vector.shape_cast %get3A_2 : vector<1x10000x128xf32> to vector<10000x128xf32>
    %get3A_4 = arith.constant 1 : index
    %get3A_5 = arith.constant 0 : index
    %get3A_6 = arith.constant 0 : index
    %get3A_7 = vector.load %arg0[%get3A_4, %get3A_5, %get3A_6] : memref<2x10112x128xf32, #tpu.memory_space<vmem>>, vector<1x10000x128xf32>
    %get3A_8 = vector.shape_cast %get3A_7 : vector<1x10000x128xf32> to vector<10000x128xf32>
    %add3A = arith.addf %get3A_3, %get3A_8 : vector<10000x128xf32>
    %get3A_9 = arith.constant 0 : index
    %get3A_10 = arith.constant 0 : index
    %get3A_11 = vector.load %arg8[%get3A_9, %get3A_10] : memref<1x1xf32, #tpu.memory_space<vmem>>, vector<1x1xf32>
    %get3A_12 = vector.extract %get3A_11[0, 0] : f32 from vector<1x1xf32>
    %add3A_13 = arith.constant 1.000000e+00 : f32
    %add3A_14 = arith.addf %add3A_13, %get3A_12 : f32
    %get3A_15 = arith.constant 0 : index
    %get3A_16 = arith.constant 0 : index
    %get3A_17 = vector.load %arg1[%get3A_15, %get3A_16] : memref<10000x128xf32, #tpu.memory_space<vmem>>, vector<10000x128xf32>
    %mul3A = vector.broadcast %add3A_14 : f32 to vector<10000x128xf32>
    %mul3A_18 = arith.mulf %mul3A, %get3A_17 : vector<10000x128xf32>
    %add3A_19 = arith.addf %add3A, %mul3A_18 : vector<10000x128xf32>
    %get3A_20 = arith.constant 0 : index
    %get3A_21 = arith.constant 0 : index
    %get3A_22 = vector.load %arg2[%get3A_20, %get3A_21] : memref<128x128xf32, #tpu.memory_space<vmem>>, vector<128x128xf32>
    %convert_element_type3A = arith.truncf %add3A_19 : vector<10000x128xf32> to vector<10000x128xbf16>
    %convert_element_type3A_23 = arith.truncf %get3A_22 : vector<128x128xf32> to vector<128x128xbf16>
    %dot_general3A = arith.constant dense<0.000000e+00> : vector<10000x128xf32>
    %dot_general3A_24 = tpu.matmul %convert_element_type3A, %convert_element_type3A_23, %dot_general3A {dimension_numbers = #tpu.dot_dimension_numbers<[1], [0], [0], [1], [0, 0, 1, 1], [], []>, transpose_lhs_hint = false} : vector<10000x128xbf16>, vector<128x128xbf16>, vector<10000x128xf32> -> vector<10000x128xf32>
    %get3A_25 = arith.constant 0 : index
    %get3A_26 = arith.constant 0 : index
    %get3A_27 = vector.load %arg3[%get3A_25, %get3A_26] : memref<1x128xf32, #tpu.memory_space<vmem>>, vector<1x128xf32>
    %add3A_28 = vector.broadcast %get3A_27 : vector<1x128xf32> to vector<10000x128xf32>
    %add3A_29 = arith.addf %dot_general3A_24, %add3A_28 : vector<10000x128xf32>
    %max3A = arith.constant 0.000000e+00 : f32
    %max3A_30 = vector.broadcast %max3A : f32 to vector<10000x128xf32>
    %max3A_31 = arith.maximumf %add3A_29, %max3A_30 : vector<10000x128xf32>
    %get3A_32 = arith.constant 0 : index
    %get3A_33 = arith.constant 0 : index
    %get3A_34 = vector.load %arg4[%get3A_32, %get3A_33] : memref<128x128xf32, #tpu.memory_space<vmem>>, vector<128x128xf32>
    %convert_element_type3A_35 = arith.truncf %max3A_31 : vector<10000x128xf32> to vector<10000x128xbf16>
    %convert_element_type3A_36 = arith.truncf %get3A_34 : vector<128x128xf32> to vector<128x128xbf16>
    %dot_general3A_37 = arith.constant dense<0.000000e+00> : vector<10000x128xf32>
    %dot_general3A_38 = tpu.matmul %convert_element_type3A_35, %convert_element_type3A_36, %dot_general3A_37 {dimension_numbers = #tpu.dot_dimension_numbers<[1], [0], [0], [1], [0, 0, 1, 1], [], []>, transpose_lhs_hint = false} : vector<10000x128xbf16>, vector<128x128xbf16>, vector<10000x128xf32> -> vector<10000x128xf32>
    %get3A_39 = arith.constant 0 : index
    %get3A_40 = arith.constant 0 : index
    %get3A_41 = vector.load %arg5[%get3A_39, %get3A_40] : memref<1x128xf32, #tpu.memory_space<vmem>>, vector<1x128xf32>
    %add3A_42 = vector.broadcast %get3A_41 : vector<1x128xf32> to vector<10000x128xf32>
    %add3A_43 = arith.addf %dot_general3A_38, %add3A_42 : vector<10000x128xf32>
    %reduce_sum3A = arith.constant dense<0.000000e+00> : vector<128xf32>
    %reduce_sum3A_44 = vector.multi_reduction <add>, %add3A_43, %reduce_sum3A [0] : vector<10000x128xf32> to vector<128xf32>
    %broadcast_in_dim3A = vector.shape_cast %reduce_sum3A_44 : vector<128xf32> to vector<1x128xf32>
    %div3A = arith.constant 1.000000e+04 : f32
    %div3A_45 = vector.broadcast %div3A : f32 to vector<1x128xf32>
    %div3A_46 = arith.divf %broadcast_in_dim3A, %div3A_45 : vector<1x128xf32>
    %sub3A = vector.broadcast %div3A_46 : vector<1x128xf32> to vector<10000x128xf32>
    %sub3A_47 = arith.subf %add3A_43, %sub3A : vector<10000x128xf32>
    %mul3A_48 = arith.mulf %sub3A_47, %sub3A_47 : vector<10000x128xf32>
    %reduce_sum3A_49 = arith.constant dense<0.000000e+00> : vector<128xf32>
    %reduce_sum3A_50 = vector.multi_reduction <add>, %mul3A_48, %reduce_sum3A_49 [0] : vector<10000x128xf32> to vector<128xf32>
    %broadcast_in_dim3A_51 = vector.shape_cast %reduce_sum3A_50 : vector<128xf32> to vector<1x128xf32>
    %div3A_52 = arith.constant 1.000000e+04 : f32
    %div3A_53 = vector.broadcast %div3A_52 : f32 to vector<1x128xf32>
    %div3A_54 = arith.divf %broadcast_in_dim3A_51, %div3A_53 : vector<1x128xf32>
    %add3A_55 = arith.constant 9.99999974E-6 : f32
    %add3A_56 = vector.broadcast %add3A_55 : f32 to vector<1x128xf32>
    %add3A_57 = arith.addf %div3A_54, %add3A_56 : vector<1x128xf32>
    %sqrt3A = math.sqrt %add3A_57 : vector<1x128xf32>
    %div3A_58 = vector.broadcast %sqrt3A : vector<1x128xf32> to vector<10000x128xf32>
    %div3A_59 = arith.divf %sub3A_47, %div3A_58 : vector<10000x128xf32>
    %get3A_60 = arith.constant 0 : index
    %get3A_61 = arith.constant 0 : index
    %get3A_62 = vector.load %arg6[%get3A_60, %get3A_61] : memref<1x128xf32, #tpu.memory_space<vmem>>, vector<1x128xf32>
    %mul3A_63 = vector.broadcast %get3A_62 : vector<1x128xf32> to vector<10000x128xf32>
    %mul3A_64 = arith.mulf %div3A_59, %mul3A_63 : vector<10000x128xf32>
    %get3A_65 = arith.constant 0 : index
    %get3A_66 = arith.constant 0 : index
    %get3A_67 = vector.load %arg7[%get3A_65, %get3A_66] : memref<1x128xf32, #tpu.memory_space<vmem>>, vector<1x128xf32>
    %add3A_68 = vector.broadcast %get3A_67 : vector<1x128xf32> to vector<10000x128xf32>
    %add3A_69 = arith.addf %mul3A_64, %add3A_68 : vector<10000x128xf32>
    %max3A_70 = arith.constant 0.000000e+00 : f32
    %max3A_71 = vector.broadcast %max3A_70 : f32 to vector<10000x128xf32>
    %max3A_72 = arith.maximumf %add3A_69, %max3A_71 : vector<10000x128xf32>
    %swap3A = arith.constant 0 : index
    %swap3A_73 = arith.constant 0 : index
    %swap3A_74 = vector.load %arg10[%swap3A, %swap3A_73] : memref<10000x128xf32, #tpu.memory_space<vmem>>, vector<10000x128xf32>
    tpu.vector_store %arg10[%swap3A, %swap3A_73], %max3A_72 {strides = array<i32>} : memref<10000x128xf32, #tpu.memory_space<vmem>>, vector<10000x128xf32>,
    %iota3A = tpu.iota {dimensions = array<i32: 0>} : vector<64x10000xi32>
    %get3A_75 = arith.constant 0 : index
    %get3A_76 = arith.constant 0 : index
    %get3A_77 = vector.load %arg9[%get3A_75, %get3A_76] : memref<1x10000xi32, #tpu.memory_space<vmem>>, vector<1x10000xi32>
    %eq3A = vector.broadcast %get3A_77 : vector<1x10000xi32> to vector<64x10000xi32>
    %eq3A_78 = arith.cmpi eq, %eq3A, %iota3A : vector<64x10000xi32>
    %jit3A = arith.constant 1.000000e+00 : f32
    %jit3A_79 = arith.constant 0.000000e+00 : f32
    %broadcast_in_dim3A_80 = vector.broadcast %jit3A : f32 to vector<64x10000xf32>
    %broadcast_in_dim3A_81 = vector.broadcast %jit3A_79 : f32 to vector<64x10000xf32>
    %select_n3A = arith.select %eq3A_78, %broadcast_in_dim3A_80, %broadcast_in_dim3A_81 : vector<64x10000xi1>, vector<64x10000xf32>
    %dot_general3A_82 = arith.constant dense<0.000000e+00> : vector<64x128xf32>
    %dot_general3A_83 = tpu.matmul %select_n3A, %max3A_72, %dot_general3A_82 {dimension_numbers = #tpu.dot_dimension_numbers<[1], [0], [0], [1], [0, 0, 1, 1], [], []>, precision = #tpu.contract_precision<fp32>, transpose_lhs_hint = false} : vector<64x10000xf32>, vector<10000x128xf32>, vector<64x128xf32> -> vector<64x128xf32>
    %broadcast_in_dim3A_84 = arith.constant 1.000000e+00 : f32
    %broadcast_in_dim3A_85 = vector.broadcast %broadcast_in_dim3A_84 : f32 to vector<10000x128xf32>
    %dot_general3A_86 = arith.constant dense<0.000000e+00> : vector<64x128xf32>
    %dot_general3A_87 = tpu.matmul %select_n3A, %broadcast_in_dim3A_85, %dot_general3A_86 {dimension_numbers = #tpu.dot_dimension_numbers<[1], [0], [0], [1], [0, 0, 1, 1], [], []>, precision = #tpu.contract_precision<fp32>, transpose_lhs_hint = false} : vector<64x10000xf32>, vector<10000x128xf32>, vector<64x128xf32> -> vector<64x128xf32>
    %max3A_88 = arith.constant 1.000000e+00 : f32
    %max3A_89 = vector.broadcast %max3A_88 : f32 to vector<64x128xf32>
    %max3A_90 = arith.maximumf %dot_general3A_87, %max3A_89 : vector<64x128xf32>
    %div3A_91 = arith.divf %dot_general3A_83, %max3A_90 : vector<64x128xf32>
    %swap3A_92 = arith.constant 0 : index
    %swap3A_93 = arith.constant 0 : index
    %swap3A_94 = vector.load %arg11[%swap3A_92, %swap3A_93] : memref<64x128xf32, #tpu.memory_space<vmem>>, vector<64x128xf32>
    tpu.vector_store %arg11[%swap3A_92, %swap3A_93], %div3A_91 {strides = array<i32>} : memref<64x128xf32, #tpu.memory_space<vmem>>, vector<64x128xf32>,
    return
  }
}

</mosaic_0001>

<sc_bundles>
// kernel: kernel.10.cloned.1.call-start
scs
__scs_entry_jumppad:
0x0: {  	(pc) =	sbr.rel $0x88, $3  }
0x1: {  	(tag) =	ssettag $0x0;
	lr =	simm.s32 $0x1  }
0x2: {  	[smem:$0x3F90] =	sst lr;
	_ =	strace $0xD0000000  }
0x3: {  	_ = 	snop  }
0x4: {  	_ = 	snop  }
0x5: {  	_ = 	snop  }
0x6: {  	_ = 	snop  }
0x7: {  	_ = 	snop  }
__scs_overlays_trampoline_lowered:
0x8: {  	[smem:$0x3F9F] =	sst s0  }
0x9: {  	[smem:$0x3FA0] =	sst s1  }
0xa: {  	[smem:$0x3FA1] =	sst s2  }
0xb: {  	[smem:$0x3FA2] =	sst s3  }
0xc: {  	[smem:$0x3FA3] =	sst s4  }
0xd: {  	[smem:$0x3FA4] =	sst s5  }
0xe: {  	[smem:$0x3FA5] =	sst s6  }
0xf: {  	[smem:$0x3FA6] =	sst s7  }
0x10: {  	[smem:$0x3FA7] =	sst s8  }
0x11: {  	[smem:$0x3FA8] =	sst s9;
	s0 =	simm.s32 @!p0 $0x0  }
0x12: {  	s1 =	sld [smem:$0x3F8E];
	s0 =	simm.s32 @p0 $0x1  }
0x13: {  	[smem:$0x3FA9] =	sst s0;
	s0 =	simm.s32 @!p1 $0x0  }
0x14: {  	s2 =	sld [smem:$0x3F8D];
	s0 =	simm.s32 @p1 $0x1  }
0x15: {  	[smem:$0x3FAA] =	sst s0;
	s0 =	simm.s32 @!p2 $0x0  }
0x16: {  	s3 =	sld [smem:$0x3FDB];
	s0 =	simm.s32 @p2 $0x1  }
0x17: {  	s4 =	simm.s32 $0x1BF5;
	[smem:$0x3FAC] =	sst s0  }
0x18: {  	s0 =	sld [smem:$0x3F8F];
	_ =	swait.ge [sflag:s4], $0x0  }
0x19: {  	s7 =	sld [smem:$0x3F90]  }
0x1a: {  	s8 =	sadd.s32 $0xFFFFE003, lr  }
0x1b: {  	s9 =	sadd.s32 $0xFFFFFEF7, lr;
	s5 =	simm.s32 $0xFFFFFFFF;
	p2 =	slt.u32 s8, $0xFFFFF086  }
0x1c: {  	p1 =	slt.u32 s9, $0xF7A;
	s5 =	simm.s32 @!p2 $0x0  }
0x1d: {  	s5 =	simm.s32 @p1 $0x1;
	p0 =	seq.s32 s7, s2  }
0x1e: {  	s7 =	smul.u32 @!p0 $0xF7A, s2;
	p2 =	seq.s32 @!p0 s5, $0x0  }
0x1f: {  	s9 =	smul.u32 $0xF7A, s1;
	s8 =	simm.s32 @!p0 $0x1BF5;
	p2 =	por !p2, p0  }
0x20: {  	[sflag:s8] =	ssyncset.s32 @!p0 $0xFFFFF086;
	s6 =	sadd.s32 @!p0 s3, s7;
	s7 =	simm.s32 @!p0 $0x108  }
0x21: {  	s3 =	sadd.s32 s3, s9;
	s6 =	sadd.s32 @!p0 $0x88, s6;
	s7 =	simm.s32 @p2 $0x1082  }
0x22: {  	[simem:s7], [sflag:s8] =	dma.local @!p0 [hbm:s6], $0xF7A  }
0x23: {  	s9 =	sor.u32 $0xD0000000, s2;
	s6 =	simm.s32 $0x108;
	_ =	swait.ge @!p0 [sflag:s8], $0x0  }
0x24: {  	s3 =	sadd.s32 $0x88, s3;
	s6 =	simm.s32 @!p1 $0x1082;
	[sflag:s4] =	ssyncset.s32 $0xFFFFF086  }
0x25: {  	[simem:s6], [sflag:s4] =	dma.local [hbm:s3], $0xF7A  }
0x26: {  	[smem:$0x3F90] =	sst s1;
	(tag) =	ssettag s2;
	_ =	strace s9  }
0x27: {  	s1 =	sld [smem:$0x3FA0]  }
0x28: {  	s2 =	sld [smem:$0x3FA1]  }
0x29: {  	s4 =	sld [smem:$0x3FA3]  }
0x2a: {  	p0 =	seq.s32 s5, $0x0;
	s5 =	sld [smem:$0x3FA4]  }
0x2b: {  	s6 =	sld [smem:$0x3FA5]  }
0x2c: {  	s7 =	sld [smem:$0x3FA6]  }
0x2d: {  	s3 =	simm.s32 $0x108;
	s8 =	sld [smem:$0x3FA7]  }
0x2e: {  	s3 =	simm.s32 @!p0 $0x1082;
	s9 =	sld [smem:$0x3FA8]  }
0x2f: {  	lr =	sadd.s32 s0, s3;
	s0 =	sld [smem:$0x3F9F]  }
0x30: {  	s3 =	sld [smem:$0x3FA2]  }
0x31: {  	[smem:$0x3FAB] =	sst s10  }
0x32: {  	s10 =	sld [smem:$0x3FA9];
	_ =	sdelay $0x3  }
0x33: {  	p0 =	seq.s32 s10, $0x1;
	s10 =	sld [smem:$0x3FAB];
	_ =	sdelay $0x3  }
0x34: {  	[smem:$0x3FAB] =	sst s10  }
0x35: {  	s10 =	sld [smem:$0x3FAA];
	_ =	sdelay $0x3  }
0x36: {  	p1 =	seq.s32 s10, $0x1;
	s10 =	sld [smem:$0x3FAB];
	_ =	sdelay $0x3  }
0x37: {  	[smem:$0x3FAB] =	sst s10  }
0x38: {  	s10 =	sld [smem:$0x3FAC]  }
0x39: {  	_ = 	snop;
	(pc) =	sbr.ind lr, $3  }
0x3a: {  	_ = 	snop  }
0x3b: {  	_ = 	snop  }
0x3c: {  	p2 =	seq.s32 s10, $0x1;
	s10 =	sld [smem:$0x3FAB]  }
0x3d: {  	_ =	shalt  }
0x3e: {  	_ =	shalt  }
0x3f: {  	_ =	shalt  }
0x40: {  	_ =	shalt  }
0x41: {  	_ =	shalt  }
0x42: {  	_ =	shalt  }
0x43: {  	_ =	shalt  }
0x44: {  	_ =	shalt  }
0x45: {  	_ =	shalt  }
0x46: {  	_ =	shalt  }
0x47: {  	_ =	shalt  }
0x48: {  	_ =	shalt  }
0x49: {  	_ =	shalt  }
0x4a: {  	_ =	shalt  }
0x4b: {  	_ =	shalt  }
0x4c: {  	_ =	shalt  }
0x4d: {  	_ =	shalt  }
0x4e: {  	_ =	shalt  }
0x4f: {  	_ =	shalt  }
0x50: {  	_ =	shalt  }
0x51: {  	_ =	shalt  }
0x52: {  	_ =	shalt  }
0x53: {  	_ =	shalt  }
0x54: {  	_ =	shalt  }
0x55: {  	_ =	shalt  }
0x56: {  	_ =	shalt  }
0x57: {  	_ =	shalt  }
0x58: {  	_ =	shalt  }
0x59: {  	_ =	shalt  }
0x5a: {  	_ =	shalt  }
0x5b: {  	_ =	shalt  }
0x5c: {  	_ =	shalt  }
0x5d: {  	_ =	shalt  }
0x5e: {  	_ =	shalt  }
0x5f: {  	_ =	shalt  }
0x60: {  	_ =	shalt  }
0x61: {  	_ =	shalt  }
0x62: {  	_ =	shalt  }
0x63: {  	_ =	shalt  }
0x64: {  	_ =	shalt  }
0x65: {  	_ =	shalt  }
0x66: {  	_ =	shalt  }
0x67: {  	_ =	shalt  }
0x68: {  	_ =	shalt  }
0x69: {  	_ =	shalt  }
0x6a: {  	_ =	shalt  }
0x6b: {  	_ =	shalt  }
0x6c: {  	_ =	shalt  }
0x6d: {  	_ =	shalt  }
0x6e: {  	_ =	shalt  }
0x6f: {  	_ =	shalt  }
0x70: {  	_ =	shalt  }
0x71: {  	_ =	shalt  }
0x72: {  	_ =	shalt  }
0x73: {  	_ =	shalt  }
0x74: {  	_ =	shalt  }
0x75: {  	_ =	shalt  }
0x76: {  	_ =	shalt  }
0x77: {  	_ =	shalt  }
0x78: {  	_ =	shalt  }
0x79: {  	_ =	shalt  }
0x7a: {  	_ =	shalt  }
0x7b: {  	_ =	shalt  }
0x7c: {  	_ =	shalt  }
0x7d: {  	_ =	shalt  }
0x7e: {  	_ =	shalt  }
0x7f: {  	_ =	shalt  }
0x80: {  	_ =	shalt  }
0x81: {  	_ =	shalt  }
0x82: {  	_ =	shalt  }
0x83: {  	_ =	shalt  }
0x84: {  	_ =	shalt  }
0x85: {  	_ =	shalt  }
0x86: {  	_ =	shalt  }
0x87: {  	_ =	shalt  }
.Lfunc_end0:
.L_simem_size_0:
called_computation_lowered:
.L_overlay_start_0:
0x88: {  	s2 =	sld [smem:$0x3FD9]  }
0x89: {  	s3 =	sld [smem:$0x3FFE];
	_ =	sdelay $0x1  }
0x8a: {  	s1 =	srdreg.scid  }
0x8b: {  	s0 =	sand.u32 $0x1, s1  }
0x8c: {  	s14 =	sshll.u32 s0, $0xA;
	s2 =	sadd.s32 s3, s2  }
0x8d: {  	s2 =	sadd.s32 s2, s14  }
0x8e: {  	[smem:$0x3FB7] =	sst s2  }
0x8f: {  	_ = 	snop  }
0x90: {  	s2 =	sld [smem:$0x3FD0];
	_ =	sdelay $0x2  }
0x91: {  	s4 =	simm.s32 $0xA;
	s5 =	simm.s32 $0x10;
	s15 =	sld [smem:$0x3FC0]  }
0x92: {  	[smem:s5], [sflag:s4] =	dma.local [hbm:s2], $0x1  }
0x93: {  	_ =	swait.eq [sflag:s4], $0x1  }
0x94: {  	[sflag:s4] =	ssyncset.done $0x0  }
0x95: {  	[sflag:s4] =	ssyncadd.s32 $0xFFFFFFFF  }
0x96: {  	s16 =	sld [smem:$0x11];
	(tm) =	ssettm $0x1  }
0x97: {  	s17 =	sld [smem:$0x3FFB];
	_ =	sdelay $0x3  }
0x98: {  	_ =	strace s17  }
0x99: {  	s4 =	sld [smem:$0x3FFC];
	_ =	sdelay $0x3  }
0x9a: {  	_ =	strace s4  }
0x9b: {  	s4 =	sld [smem:$0x3FFD];
	_ =	sdelay $0x3  }
0x9c: {  	_ =	strace s4  }
0x9d: {  	_ =	strace $0x8FFFFFFF  }
0x9e: {  	s18 =	sld [smem:$0x3FDB];
	_ =	sdelay $0x1  }
0x9f: {  	s19 =	simm.s32 $_scs_section_size  }
0xa0: {  	s6 =	simm.s32 $_size__tile_overlayer_lowered;
	s7 =	simm.s32 $_tile_overlayer_lowered  }
0xa1: {  	s22 =	simm.s32 $0x1BFF;
	s21 =	sshll.u32 s7, $0x1;
	s4 =	sadd.s32 s19, s18  }
0xa2: {  	s8 =	simm.s32 $0x0;
	s20 =	sshll.u32 s6, $0x1;
	s6 =	sadd.s32 s21, s4  }
0xa3: {  	[timem:s8], [sflag:s22] =	dma.local [hbm:s6], s20  }
0xa4: {  	_ =	swait.ge [sflag:s22], s20  }
0xa5: {  	s5 =	ssub.s32 $0x0, s20;
	[sflag:s22] =	ssyncset.done $0x0  }
0xa6: {  	[sflag:s22] =	ssyncadd.s32 s5;
	_ =	sdelay $0x1  }
0xa7: {  	s23 =	simm.s32 $0x1B8B  }
0xa8: {  	_ =	swait.ge [sflag:s23], $0x1  }
0xa9: {  	[sflag:s23] =	ssyncset.done $0x0  }
0xaa: {  	s25 =	simm.s32 $0x1B8E;
	s24 =	sld [smem:$0x3FFE];
	[sflag:s23] =	ssyncadd.s32 $0xFFFFFFFF  }
0xab: {  	s26 =	simm.s32 $execute0_lowered;
	[smem:$0x3FD2] =	sst s25  }
0xac: {  	s6 =	sshll.u32 s26, $0x1;
	_ =	strace $0x80000046;
	[dreg:$0x1] =	wrdreg $0xFFFFFFFF  }
0xad: {  	s28 =	simm.s32 $_size_execute0_lowered;
	s4 =	sadd.s32 s4, s6;
	[dreg:$0x0] =	wrdreg $0x0  }
0xae: {  	s6 =	sshll.u32 s28, $0x1;
	[dreg:$0x2] =	wrdreg s4  }
0xaf: {  	[dreg:$0x3] =	wrdreg s6  }
0xb0: {  	[dreg:$0x4] =	wrdreg $0xC0  }
0xb1: {  	_ =	task [dreg:s8], $0x5FFFF  }
0xb2: {  	[dreg:$0x1] =	wrdreg $0xFFFFFFFF  }
0xb3: {  	[dreg:$0x0] =	wrdreg $0x60  }
0xb4: {  	[dreg:$0x2] =	wrdreg s15  }
0xb5: {  	[dreg:$0x3] =	wrdreg s16  }
0xb6: {  	[dreg:$0x4] =	wrdreg s24  }
0xb7: {  	[dreg:$0x5] =	wrdreg $0x9  }
0xb8: {  	_ =	task.clear_ibuf [dreg:s8], $0x6FFFF;
	_ =	strace $0x90000046  }
0xb9: {  	s29 =	simm.s32 $0x9;
	_ =	strace $0x80000048  }
0xba: {  	_ =	swait.ge [sflag:s29], $0x1  }
0xbb: {  	[sflag:s29] =	ssyncadd.s32 $0xFFFFFFFF  }
0xbc: {  	_ =	strace $0x90000048  }
0xbd: {  	_ =	sfence  }
0xbe: {  	s30 =	sld [smem:$0x0];
	_ =	sdelay $0x2  }
0xbf: {  	s31 =	sshll.u32 s1, $0xD;
	s1 =	sshrl.u32 s1, $0x2  }
0xc0: {  	s3 =	sand.u32 $0x4000, s31;
	s1 =	sadd.s32 s1, s30  }
0xc1: {  	s0 =	sor.u32 s3, s0;
	s1 =	sshll.u32 s1, $0x11  }
0xc2: {  	s0 =	sor.u32 s1, s0  }
0xc3: {  	s0 =	sadd.s32 $0x8F2B, s0  }
0xc4: {  	[sflag:s0] =	ssyncadd.remote.s32 $0x1  }
0xc5: {  	_ =	sfence.sel $0xFFFF  }
0xc6: {  	[dreg:$0x0] =	wrdreg $0xFFFFFFFF;
	(pc) =	sbr.abs _section_cstart, $3  }
0xc7: {  	[dreg:$0x1] =	wrdreg $0xFFFFFFFF  }
0xc8: {  	_ =	task.clear_ibuf [dreg:s8], $0x2FFFF;
	_ =	strace $0x9FFFFFFF  }
0xc9: {  	(tm) =	ssettm $0x7FFFFFFF  }
tec
execute0_lowered:
.L_overlay_start_1:
0x0: {  	(tag) =	ssettag $0x1  }
0x1: {  	s1 =	rddreg [dreg:$0x0]  }
0x2: {  	s4 =	rddreg [dreg:$0x1]  }
0x3: {  	s9 =	rddreg [dreg:$0x2]  }
0x4: {  	s0 =	rddreg [dreg:$0x3];
	s3 =	simm.s32 $0x0;
	s5 =	srdreg.scid  }
0x5: {  	s2 =	stileid.u32;
	[smem:$0x7FF] =	sst s3  }
0x6: {  	s14 =	sand.u32 $0x1, s5;
	s31 =	sshll.u32 s2, $0x6;
	s8 =	smul.u32 $0xA000, s2  }
0x7: {  	_ =	strace $0x80000047;
	s7 =	sshll.u32 s14, $0xA;
	s4 =	sadd.s32 s4, s31  }
0x8: {  	s6 =	smul.u32 $0xA0000, s14;
	s5 =	sadd.s32 s7, s4;
	s4 =	simm.s32 $0x2  }
0x9: {  	[tilespmem:s3], [sflag:$0x2] =	stream.linear.gather [hbm4b:s5+s3], $0x200, $0x38;
	[tilespmem:$0x2A00] =	vst v63  }
0xa: {  	_ =	swait.ge [sflag:s4], $0x200  }
0xb: {  	s7 =	simm.s32 $0x200;
	s10 =	sadd.s32 s8, s6;
	[sflag:s4] =	ssyncset.done $0x0  }
0xc: {  	s6 =	simm.s32 $0x50;
	s8 =	simm.s32 $0x1;
	[sflag:s4] =	ssyncadd.s32 $0xFFFFFE00  }
0xd: {  	[tilespmem:s7], [sflag:$0x1] =	stream.indirect.gather [hbm4b:s1+s6], $0x80, s3, s6, $0xb8;
	[tilespmem:$0x2A00] =	vst v63  }
0xe: {  	s10 =	sshrl.u32 s10, $0x3;
	_ =	swait.ge [sflag:s8], $0x2800  }
0xf: {  	s15 =	sadd.s32 s10, s9;
	[sflag:s8] =	ssyncset.done $0x0  }
0x10: {  	s9 =	sadd.s32 $0x4600, s15;
	[sflag:s8] =	ssyncadd.s32 $0xFFFFD800  }
0x11: {  	[hbm4b:s9+s3] =	stream.linear.scatter [tilespmem:s7], [sflag:$0x2], $0x2800, $0x38;
	[tilespmem:$0x2A00] =	vst v63  }
0x12: {  	_ =	swait.ge [sflag:s4], $0x2800  }
0x13: {  	[sflag:s4] =	ssyncset.done $0x0  }
0x14: {  	s10 =	simm.s32 $0x80;
	[sflag:s4] =	ssyncadd.s32 $0xFFFFD800  }
0x15: {  	[tilespmem:s7], [sflag:$0x1] =	stream.indirect.gather [hbm4b:s1+s6], $0x80, s10, s6, $0xb8;
	[tilespmem:$0x2A00] =	vst v63  }
0x16: {  	_ =	swait.ge [sflag:s8], $0x2800  }
0x17: {  	[sflag:s8] =	ssyncset.done $0x0  }
0x18: {  	s11 =	sadd.s32 $0x4B00, s15;
	[sflag:s8] =	ssyncadd.s32 $0xFFFFD800  }
0x19: {  	[hbm4b:s11+s3] =	stream.linear.scatter [tilespmem:s7], [sflag:$0x2], $0x2800, $0x38;
	[tilespmem:$0x2A00] =	vst v63  }
0x1a: {  	_ =	swait.ge [sflag:s4], $0x2800  }
0x1b: {  	[sflag:s4] =	ssyncset.done $0x0  }
0x1c: {  	s12 =	simm.s32 $0x100;
	[sflag:s4] =	ssyncadd.s32 $0xFFFFD800  }
0x1d: {  	[tilespmem:s7], [sflag:$0x1] =	stream.indirect.gather [hbm4b:s1+s6], $0x80, s12, s6, $0xb8;
	[tilespmem:$0x2A00] =	vst v63  }
0x1e: {  	_ =	swait.ge [sflag:s8], $0x2800  }
0x1f: {  	[sflag:s8] =	ssyncset.done $0x0  }
0x20: {  	s16 =	ssub.s32 $0x2, s14;
	s13 =	sadd.s32 $0x5000, s15;
	[sflag:s8] =	ssyncadd.s32 $0xFFFFD800  }
0x21: {  	[hbm4b:s13+s3] =	stream.linear.scatter [tilespmem:s7], [sflag:$0x2], $0x2800, $0x38;
	[tilespmem:$0x2A00] =	vst v63  }
0x22: {  	s17 =	sshrl.u32 s16, $0x1;
	_ =	swait.ge [sflag:s4], $0x2800  }
0x23: {  	s16 =	ssub.s32 s16, s17;
	[sflag:s4] =	ssyncset.done $0x0  }
0x24: {  	s14 =	simm.s32 $0x180;
	s16 =	smax.u32 s16, $0x1;
	[sflag:s4] =	ssyncadd.s32 $0xFFFFD800  }
0x25: {  	[tilespmem:s7], [sflag:$0x1] =	stream.indirect.gather [hbm4b:s1+s6], $0x80, s14, s6, $0xb8;
	[tilespmem:$0x2A00] =	vst v63  }
0x26: {  	p0 =	sne.s32 s16, $0x1;
	_ =	swait.ge [sflag:s8], $0x2800  }
.Ltmp0:
0x27: {  	[sflag:s8] =	ssyncset.done $0x0;
	(pc) =	sbr.rel @!p0 .LBB2_2-.Ltmp0, $4  }
0x28: {  	s15 =	sadd.s32 $0x5500, s15;
	[sflag:s8] =	ssyncadd.s32 $0xFFFFD800  }
0x29: {  	[hbm4b:s15+s3] =	stream.linear.scatter [tilespmem:s7], [sflag:$0x2], $0x2800, $0x38;
	[tilespmem:$0x2A00] =	vst v63  }
0x2a: {  	_ =	swait.ge [sflag:s4], $0x2800  }
0x2b: {  	s16 =	sadd.s32 $0xFFFFFFFF, s16;
	[sflag:s4] =	ssyncset.done $0x0  }
.LBB2_1:
0x2c: {  	p0 =	sne.s32 s16, $0x1;
	s16 =	sadd.s32 $0xFFFFFFFF, s16;
	[sflag:s4] =	ssyncadd.s32 $0xFFFFD800  }
0x2d: {  	[tilespmem:s3], [sflag:$0x2] =	stream.linear.gather [hbm4b:s5+s3], $0x200, $0x38;
	[tilespmem:$0x2A00] =	vst v63  }
0x2e: {  	_ =	swait.ge [sflag:s4], $0x200  }
0x2f: {  	[sflag:s4] =	ssyncset.done $0x0  }
0x30: {  	[sflag:s4] =	ssyncadd.s32 $0xFFFFFE00  }
0x31: {  	[tilespmem:s7], [sflag:$0x1] =	stream.indirect.gather [hbm4b:s1+s6], $0x80, s3, s6, $0xb8;
	[tilespmem:$0x2A00] =	vst v63  }
0x32: {  	_ =	swait.ge [sflag:s8], $0x2800  }
0x33: {  	[sflag:s8] =	ssyncset.done $0x0  }
0x34: {  	[sflag:s8] =	ssyncadd.s32 $0xFFFFD800  }
0x35: {  	[hbm4b:s9+s3] =	stream.linear.scatter [tilespmem:s7], [sflag:$0x2], $0x2800, $0x38;
	[tilespmem:$0x2A00] =	vst v63  }
0x36: {  	_ =	swait.ge [sflag:s4], $0x2800  }
0x37: {  	[sflag:s4] =	ssyncset.done $0x0  }
0x38: {  	[sflag:s4] =	ssyncadd.s32 $0xFFFFD800  }
0x39: {  	[tilespmem:s7], [sflag:$0x1] =	stream.indirect.gather [hbm4b:s1+s6], $0x80, s10, s6, $0xb8;
	[tilespmem:$0x2A00] =	vst v63  }
0x3a: {  	_ =	swait.ge [sflag:s8], $0x2800  }
0x3b: {  	[sflag:s8] =	ssyncset.done $0x0  }
0x3c: {  	[sflag:s8] =	ssyncadd.s32 $0xFFFFD800  }
0x3d: {  	[hbm4b:s11+s3] =	stream.linear.scatter [tilespmem:s7], [sflag:$0x2], $0x2800, $0x38;
	[tilespmem:$0x2A00] =	vst v63  }
0x3e: {  	_ =	swait.ge [sflag:s4], $0x2800  }
0x3f: {  	[sflag:s4] =	ssyncset.done $0x0  }
0x40: {  	[sflag:s4] =	ssyncadd.s32 $0xFFFFD800  }
0x41: {  	[tilespmem:s7], [sflag:$0x1] =	stream.indirect.gather [hbm4b:s1+s6], $0x80, s12, s6, $0xb8;
	[tilespmem:$0x2A00] =	vst v63  }
0x42: {  	_ =	swait.ge [sflag:s8], $0x2800  }
0x43: {  	[sflag:s8] =	ssyncset.done $0x0  }
0x44: {  	[sflag:s8] =	ssyncadd.s32 $0xFFFFD800  }
0x45: {  	[hbm4b:s13+s3] =	stream.linear.scatter [tilespmem:s7], [sflag:$0x2], $0x2800, $0x38;
	[tilespmem:$0x2A00] =	vst v63  }
0x46: {  	_ =	swait.ge [sflag:s4], $0x2800  }
0x47: {  	[sflag:s4] =	ssyncset.done $0x0  }
0x48: {  	[sflag:s4] =	ssyncadd.s32 $0xFFFFD800  }
0x49: {  	[tilespmem:s7], [sflag:$0x1] =	stream.indirect.gather [hbm4b:s1+s6], $0x80, s14, s6, $0xb8;
	[tilespmem:$0x2A00] =	vst v63  }
0x4a: {  	_ =	swait.ge [sflag:s8], $0x2800  }
.Ltmp1:
0x4b: {  	[sflag:s8] =	ssyncset.done $0x0;
	(pc) =	sbr.rel @p0 .LBB2_1-.Ltmp1, $4  }
0x4c: {  	[sflag:s8] =	ssyncadd.s32 $0xFFFFD800  }
0x4d: {  	[hbm4b:s15+s3] =	stream.linear.scatter [tilespmem:s7], [sflag:$0x2], $0x2800, $0x38;
	[tilespmem:$0x2A00] =	vst v63  }
0x4e: {  	_ =	swait.ge [sflag:s4], $0x2800  }
0x4f: {  	[sflag:s4] =	ssyncset.done $0x0  }
.LBB2_2:
0x50: {  	[sflag:s4] =	ssyncadd.s32 $0xFFFFD800  }
0x51: {  	_ =	sfence.sel $0x180000  }
0x52: {  	[bflag:$0x0] =	sbarrier.arrive $0xFFFF  }
0x53: {  	p0 =	sne.s32 s2, $0x0;
	_ =	strace $0x90000047  }
0x54: {  	s0 =	sadd.s32 @!p0 $0x100000, s0;
	[bflag:$0x2] =	sbarrier.arrive $0xFFFF  }
0x55: {  	[sflag:s0] =	ssyncadd.tile.s32 @!p0 $0x1;
	_ =	shalt  }
.Lfunc_end2:
_tile_overlayer_lowered:
.L_overlay_start_2:
0x56: {  	(tag) =	ssettag $0x2  }
0x57: {  	s0 =	rddreg [dreg:$0x0];
	s2 =	stileid.u32  }
0x58: {  	s1 =	rddreg [dreg:$0x1];
	p0 =	sne.s32 s2, $0x0  }
0x59: {  	s3 =	rddreg [dreg:$0x2];
	[bflag:$0x3] =	sbarrier.arrive $0xFFFF;
	s2 =	simm.s32 @!p0 $0x1C02  }
0x5a: {  	[timem:s3], [sflag:s2] =	dma.local @!p0 [hbm:s0], s1  }
0x5b: {  	s0 =	simm.s32 @!p0 $0x2  }
0x5c: {  	_ =	swait.ge @!p0 [sflag:s0], s1  }
0x5d: {  	s1 =	ssub.s32 @!p0 $0x0, s1;
	[sflag:s0] =	ssyncset.done @!p0 $0x0  }
0x5e: {  	[sflag:s0] =	ssyncadd.s32 @!p0 s1  }
0x5f: {  	[bflag:$0x3] =	sbarrier.arrive $0xFFFF  }
0x60: {  	_ =	shalt  }

// kernel: kernel.13.cloned.1.call-start
scs
__scs_entry_jumppad:
0x0: {  	(pc) =	sbr.rel $0x88, $3  }
0x1: {  	(tag) =	ssettag $0x0;
	lr =	simm.s32 $0x1  }
0x2: {  	[smem:$0x3F90] =	sst lr;
	_ =	strace $0xD0000000  }
0x3: {  	_ = 	snop  }
0x4: {  	_ = 	snop  }
0x5: {  	_ = 	snop  }
0x6: {  	_ = 	snop  }
0x7: {  	_ = 	snop  }
__scs_overlays_trampoline_lowered:
0x8: {  	[smem:$0x3F9F] =	sst s0  }
0x9: {  	[smem:$0x3FA0] =	sst s1  }
0xa: {  	[smem:$0x3FA1] =	sst s2  }
0xb: {  	[smem:$0x3FA2] =	sst s3  }
0xc: {  	[smem:$0x3FA3] =	sst s4  }
0xd: {  	[smem:$0x3FA4] =	sst s5  }
0xe: {  	[smem:$0x3FA5] =	sst s6  }
0xf: {  	[smem:$0x3FA6] =	sst s7  }
0x10: {  	[smem:$0x3FA7] =	sst s8  }
0x11: {  	[smem:$0x3FA8] =	sst s9;
	s0 =	simm.s32 @!p0 $0x0  }
0x12: {  	s1 =	sld [smem:$0x3F8E];
	s0 =	simm.s32 @p0 $0x1  }
0x13: {  	[smem:$0x3FA9] =	sst s0;
	s0 =	simm.s32 @!p1 $0x0  }
0x14: {  	s2 =	sld [smem:$0x3F8D];
	s0 =	simm.s32 @p1 $0x1  }
0x15: {  	[smem:$0x3FAA] =	sst s0;
	s0 =	simm.s32 @!p2 $0x0  }
0x16: {  	s3 =	sld [smem:$0x3FDB];
	s0 =	simm.s32 @p2 $0x1  }
0x17: {  	s4 =	simm.s32 $0x1BF5;
	[smem:$0x3FAC] =	sst s0  }
0x18: {  	s0 =	sld [smem:$0x3F8F];
	_ =	swait.ge [sflag:s4], $0x0  }
0x19: {  	s7 =	sld [smem:$0x3F90]  }
0x1a: {  	s8 =	sadd.s32 $0xFFFFE003, lr  }
0x1b: {  	s9 =	sadd.s32 $0xFFFFFEF7, lr;
	s5 =	simm.s32 $0xFFFFFFFF;
	p2 =	slt.u32 s8, $0xFFFFF086  }
0x1c: {  	p1 =	slt.u32 s9, $0xF7A;
	s5 =	simm.s32 @!p2 $0x0  }
0x1d: {  	s5 =	simm.s32 @p1 $0x1;
	p0 =	seq.s32 s7, s2  }
0x1e: {  	s7 =	smul.u32 @!p0 $0xF7A, s2;
	p2 =	seq.s32 @!p0 s5, $0x0  }
0x1f: {  	s9 =	smul.u32 $0xF7A, s1;
	s8 =	simm.s32 @!p0 $0x1BF5;
	p2 =	por !p2, p0  }
0x20: {  	[sflag:s8] =	ssyncset.s32 @!p0 $0xFFFFF086;
	s6 =	sadd.s32 @!p0 s3, s7;
	s7 =	simm.s32 @!p0 $0x108  }
0x21: {  	s3 =	sadd.s32 s3, s9;
	s6 =	sadd.s32 @!p0 $0x88, s6;
	s7 =	simm.s32 @p2 $0x1082  }
0x22: {  	[simem:s7], [sflag:s8] =	dma.local @!p0 [hbm:s6], $0xF7A  }
0x23: {  	s9 =	sor.u32 $0xD0000000, s2;
	s6 =	simm.s32 $0x108;
	_ =	swait.ge @!p0 [sflag:s8], $0x0  }
0x24: {  	s3 =	sadd.s32 $0x88, s3;
	s6 =	simm.s32 @!p1 $0x1082;
	[sflag:s4] =	ssyncset.s32 $0xFFFFF086  }
0x25: {  	[simem:s6], [sflag:s4] =	dma.local [hbm:s3], $0xF7A  }
0x26: {  	[smem:$0x3F90] =	sst s1;
	(tag) =	ssettag s2;
	_ =	strace s9  }
0x27: {  	s1 =	sld [smem:$0x3FA0]  }
0x28: {  	s2 =	sld [smem:$0x3FA1]  }
0x29: {  	s4 =	sld [smem:$0x3FA3]  }
0x2a: {  	p0 =	seq.s32 s5, $0x0;
	s5 =	sld [smem:$0x3FA4]  }
0x2b: {  	s6 =	sld [smem:$0x3FA5]  }
0x2c: {  	s7 =	sld [smem:$0x3FA6]  }
0x2d: {  	s3 =	simm.s32 $0x108;
	s8 =	sld [smem:$0x3FA7]  }
0x2e: {  	s3 =	simm.s32 @!p0 $0x1082;
	s9 =	sld [smem:$0x3FA8]  }
0x2f: {  	lr =	sadd.s32 s0, s3;
	s0 =	sld [smem:$0x3F9F]  }
0x30: {  	s3 =	sld [smem:$0x3FA2]  }
0x31: {  	[smem:$0x3FAB] =	sst s10  }
0x32: {  	s10 =	sld [smem:$0x3FA9];
	_ =	sdelay $0x3  }
0x33: {  	p0 =	seq.s32 s10, $0x1;
	s10 =	sld [smem:$0x3FAB];
	_ =	sdelay $0x3  }
0x34: {  	[smem:$0x3FAB] =	sst s10  }
0x35: {  	s10 =	sld [smem:$0x3FAA];
	_ =	sdelay $0x3  }
0x36: {  	p1 =	seq.s32 s10, $0x1;
	s10 =	sld [smem:$0x3FAB];
	_ =	sdelay $0x3  }
0x37: {  	[smem:$0x3FAB] =	sst s10  }
0x38: {  	s10 =	sld [smem:$0x3FAC]  }
0x39: {  	_ = 	snop;
	(pc) =	sbr.ind lr, $3  }
0x3a: {  	_ = 	snop  }
0x3b: {  	_ = 	snop  }
0x3c: {  	p2 =	seq.s32 s10, $0x1;
	s10 =	sld [smem:$0x3FAB]  }
0x3d: {  	_ =	shalt  }
0x3e: {  	_ =	shalt  }
0x3f: {  	_ =	shalt  }
0x40: {  	_ =	shalt  }
0x41: {  	_ =	shalt  }
0x42: {  	_ =	shalt  }
0x43: {  	_ =	shalt  }
0x44: {  	_ =	shalt  }
0x45: {  	_ =	shalt  }
0x46: {  	_ =	shalt  }
0x47: {  	_ =	shalt  }
0x48: {  	_ =	shalt  }
0x49: {  	_ =	shalt  }
0x4a: {  	_ =	shalt  }
0x4b: {  	_ =	shalt  }
0x4c: {  	_ =	shalt  }
0x4d: {  	_ =	shalt  }
0x4e: {  	_ =	shalt  }
0x4f: {  	_ =	shalt  }
0x50: {  	_ =	shalt  }
0x51: {  	_ =	shalt  }
0x52: {  	_ =	shalt  }
0x53: {  	_ =	shalt  }
0x54: {  	_ =	shalt  }
0x55: {  	_ =	shalt  }
0x56: {  	_ =	shalt  }
0x57: {  	_ =	shalt  }
0x58: {  	_ =	shalt  }
0x59: {  	_ =	shalt  }
0x5a: {  	_ =	shalt  }
0x5b: {  	_ =	shalt  }
0x5c: {  	_ =	shalt  }
0x5d: {  	_ =	shalt  }
0x5e: {  	_ =	shalt  }
0x5f: {  	_ =	shalt  }
0x60: {  	_ =	shalt  }
0x61: {  	_ =	shalt  }
0x62: {  	_ =	shalt  }
0x63: {  	_ =	shalt  }
0x64: {  	_ =	shalt  }
0x65: {  	_ =	shalt  }
0x66: {  	_ =	shalt  }
0x67: {  	_ =	shalt  }
0x68: {  	_ =	shalt  }
0x69: {  	_ =	shalt  }
0x6a: {  	_ =	shalt  }
0x6b: {  	_ =	shalt  }
0x6c: {  	_ =	shalt  }
0x6d: {  	_ =	shalt  }
0x6e: {  	_ =	shalt  }
0x6f: {  	_ =	shalt  }
0x70: {  	_ =	shalt  }
0x71: {  	_ =	shalt  }
0x72: {  	_ =	shalt  }
0x73: {  	_ =	shalt  }
0x74: {  	_ =	shalt  }
0x75: {  	_ =	shalt  }
0x76: {  	_ =	shalt  }
0x77: {  	_ =	shalt  }
0x78: {  	_ =	shalt  }
0x79: {  	_ =	shalt  }
0x7a: {  	_ =	shalt  }
0x7b: {  	_ =	shalt  }
0x7c: {  	_ =	shalt  }
0x7d: {  	_ =	shalt  }
0x7e: {  	_ =	shalt  }
0x7f: {  	_ =	shalt  }
0x80: {  	_ =	shalt  }
0x81: {  	_ =	shalt  }
0x82: {  	_ =	shalt  }
0x83: {  	_ =	shalt  }
0x84: {  	_ =	shalt  }
0x85: {  	_ =	shalt  }
0x86: {  	_ =	shalt  }
0x87: {  	_ =	shalt  }
.Lfunc_end0:
.L_simem_size_0:
called_computation.1_lowered:
.L_overlay_start_0:
0x88: {  	s2 =	sld [smem:$0x3FD9]  }
0x89: {  	s3 =	sld [smem:$0x3FFE];
	_ =	sdelay $0x1  }
0x8a: {  	s1 =	srdreg.scid  }
0x8b: {  	s0 =	sand.u32 $0x1, s1  }
0x8c: {  	s14 =	sshll.u32 s0, $0xA;
	s2 =	sadd.s32 s3, s2  }
0x8d: {  	s2 =	sadd.s32 s2, s14  }
0x8e: {  	[smem:$0x3FB7] =	sst s2  }
0x8f: {  	_ = 	snop  }
0x90: {  	s2 =	sld [smem:$0x3FD0];
	_ =	sdelay $0x2  }
0x91: {  	s15 =	simm.s32 $0xA;
	s4 =	simm.s32 $0x10  }
0x92: {  	[smem:s4], [sflag:s15] =	dma.local [hbm:s2], $0x1  }
0x93: {  	_ =	swait.eq [sflag:s15], $0x1  }
0x94: {  	[sflag:s15] =	ssyncset.done $0x0  }
0x95: {  	[sflag:s15] =	ssyncadd.s32 $0xFFFFFFFF  }
0x96: {  	s16 =	sld [smem:$0x11];
	(tm) =	ssettm $0x1  }
0x97: {  	s17 =	sld [smem:$0x3FFB];
	_ =	sdelay $0x3  }
0x98: {  	_ =	strace s17  }
0x99: {  	s3 =	sld [smem:$0x3FFC];
	_ =	sdelay $0x3  }
0x9a: {  	_ =	strace s3  }
0x9b: {  	s3 =	sld [smem:$0x3FFD];
	_ =	sdelay $0x3  }
0x9c: {  	_ =	strace s3  }
0x9d: {  	_ =	strace $0x8FFFFFFF  }
0x9e: {  	s18 =	sld [smem:$0x3FDB];
	_ =	sdelay $0x1  }
0x9f: {  	s19 =	simm.s32 $_scs_section_size  }
0xa0: {  	s5 =	simm.s32 $_size__tile_overlayer_lowered;
	s6 =	simm.s32 $_tile_overlayer_lowered  }
0xa1: {  	s22 =	simm.s32 $0x1BFF;
	s21 =	sshll.u32 s6, $0x1;
	s3 =	sadd.s32 s19, s18  }
0xa2: {  	s7 =	simm.s32 $0x0;
	s20 =	sshll.u32 s5, $0x1;
	s5 =	sadd.s32 s21, s3  }
0xa3: {  	[timem:s7], [sflag:s22] =	dma.local [hbm:s5], s20  }
0xa4: {  	_ =	swait.ge [sflag:s22], s20  }
0xa5: {  	s4 =	ssub.s32 $0x0, s20;
	[sflag:s22] =	ssyncset.done $0x0  }
0xa6: {  	[sflag:s22] =	ssyncadd.s32 s4;
	_ =	sdelay $0x1  }
0xa7: {  	s23 =	simm.s32 $0x1B8B  }
0xa8: {  	_ =	swait.ge [sflag:s23], $0x1  }
0xa9: {  	[sflag:s23] =	ssyncset.done $0x0  }
0xaa: {  	s25 =	simm.s32 $0x1B8E;
	s24 =	sld [smem:$0x3FFE];
	[sflag:s23] =	ssyncadd.s32 $0xFFFFFFFF  }
0xab: {  	s26 =	simm.s32 $execute0_lowered;
	[smem:$0x3FD2] =	sst s25  }
0xac: {  	s5 =	sshll.u32 s26, $0x1;
	_ =	strace $0x80000049;
	[dreg:$0x1] =	wrdreg $0xFFFFFFFF  }
0xad: {  	s28 =	simm.s32 $_size_execute0_lowered;
	s3 =	sadd.s32 s3, s5;
	[dreg:$0x0] =	wrdreg $0x0  }
0xae: {  	s5 =	sshll.u32 s28, $0x1;
	[dreg:$0x2] =	wrdreg s3  }
0xaf: {  	[dreg:$0x3] =	wrdreg s5  }
0xb0: {  	[dreg:$0x4] =	wrdreg $0xC0  }
0xb1: {  	_ =	task [dreg:s7], $0x5FFFF  }
0xb2: {  	[dreg:$0x1] =	wrdreg $0xFFFFFFFF  }
0xb3: {  	[dreg:$0x0] =	wrdreg $0x60  }
0xb4: {  	[dreg:$0x2] =	wrdreg s16  }
0xb5: {  	[dreg:$0x3] =	wrdreg s24  }
0xb6: {  	[dreg:$0x4] =	wrdreg $0x82000  }
0xb7: {  	[dreg:$0x5] =	wrdreg $0x9  }
0xb8: {  	_ =	task.clear_ibuf [dreg:s7], $0x6FFFF;
	_ =	strace $0x90000049  }
0xb9: {  	s29 =	simm.s32 $0x9;
	_ =	strace $0x8000004B  }
0xba: {  	_ =	swait.ge [sflag:s29], $0x1  }
0xbb: {  	[sflag:s29] =	ssyncadd.s32 $0xFFFFFFFF  }
0xbc: {  	_ =	strace $0x9000004B  }
0xbd: {  	_ =	sfence  }
0xbe: {  	s30 =	sld [smem:$0x0];
	_ =	sdelay $0x2  }
0xbf: {  	s31 =	sshll.u32 s1, $0xD;
	s1 =	sshrl.u32 s1, $0x2  }
0xc0: {  	s3 =	sand.u32 $0x4000, s31;
	s1 =	sadd.s32 s1, s30  }
0xc1: {  	s0 =	sor.u32 s3, s0;
	s1 =	sshll.u32 s1, $0x11  }
0xc2: {  	s0 =	sor.u32 s1, s0  }
0xc3: {  	s0 =	sadd.s32 $0x8F2B, s0  }
0xc4: {  	[sflag:s0] =	ssyncadd.remote.s32 $0x1  }
0xc5: {  	_ =	sfence.sel $0xFFFF  }
0xc6: {  	[dreg:$0x0] =	wrdreg $0xFFFFFFFF;
	(pc) =	sbr.abs _section_cstart, $3  }
0xc7: {  	[dreg:$0x1] =	wrdreg $0xFFFFFFFF  }
0xc8: {  	_ =	task.clear_ibuf [dreg:s7], $0x2FFFF;
	_ =	strace $0x9FFFFFFF  }
0xc9: {  	(tm) =	ssettm $0x7FFFFFFF  }
tec
execute0_lowered:
.L_overlay_start_1:
0x0: {  	(tag) =	ssettag $0x1  }
0x1: {  	s1 =	rddreg [dreg:$0x0]  }
0x2: {  	s0 =	rddreg [dreg:$0x1]  }
0x3: {  	s3 =	rddreg [dreg:$0x2]  }
0x4: {  	s4 =	simm.s32 $0x0;
	s13 =	stileid.u32;
	s5 =	srdreg.scid  }
0x5: {  	s28 =	simm.s32 $0x4200;
	s29 =	simm.s32 $0x1;
	s30 =	simm.s32 $0x3  }
0x6: {  	s31 =	simm.s32 $0x5;
	[smem:$0x7FF] =	sst s4;
	s2 =	smul.u32 $0x13C00, s13  }
0x7: {  	s7 =	sand.u32 $0x1, s5;
	s5 =	sadd.s32 $0x2C600, s0;
	s10 =	smul.u32 $0x4F000, s13  }
0x8: {  	s6 =	sadd.s32 $0x36600, s0;
	s12 =	smul.u32 $0x2800, s13;
	s19 =	sshll.u32 s13, $0x6  }
0x9: {  	_ =	strace $0x8000004A;
	s9 =	smul.u32 $0x13C000, s7;
	s16 =	ssub.s32 $0x2, s7  }
0xa: {  	s7 =	smul.u32 $0x28000, s7;
	s8 =	sshrl.u32 s2, $0x3;
	s11 =	sshrl.u32 s16, $0x1  }
0xb: {  	s18 =	sshrl.u32 s10, $0x2;
	s8 =	sadd.s32 s8, s0;
	s2 =	sadd.s32 s2, s9  }
0xc: {  	s17 =	ssub.s32 s16, s11;
	s10 =	sadd.s32 s18, s3;
	s7 =	sadd.s32 s12, s7  }
0xd: {  	s9 =	sor.u32 $0x1C07, s19;
	s2 =	sshrl.u32 s2, $0x3;
	s8 =	sadd.s32 $0x4600, s8  }
0xe: {  	s20 =	sshrl.u32 s7, $0x3;
	s15 =	smax.u32 s17, $0x1;
	s0 =	sadd.s32 s2, s0  }
0xf: {  	[dreg:$0x4] =	wrdreg s8;
	s21 =	sadd.s32 s5, s20;
	s22 =	sadd.s32 s6, s20  }
0x10: {  	s23 =	sor.u32 $0x10, s20;
	s25 =	sor.u32 $0x20, s20;
	s26 =	sor.u32 $0x30, s20  }
0x11: {  	s20 =	sshrl.u32 s10, $0x3;
	s2 =	simm.s32 $0x6;
	[dreg:$0x5] =	wrdreg s21  }
0x12: {  	s8 =	simm.s32 $0x0;
	[dreg:$0x6] =	wrdreg s22;
	s24 =	sadd.s32 s5, s23  }
.Ltmp0:
0x13: {  	s13 =	sadd.s32 s6, s23;
	s14 =	sadd.s32 $0x40600, s0;
	(pc) =	sbr.rel .LBB2_1-.Ltmp0, $4  }
0x14: {  	s16 =	sadd.s32 s5, s25;
	s17 =	sadd.s32 s6, s25;
	s18 =	sadd.s32 s5, s26  }
0x15: {  	s19 =	sadd.s32 s6, s26;
	s21 =	simm.s32 $0x7;
	s22 =	simm.s32 $0x100  }
0x16: {  	s23 =	simm.s32 $0x80;
	s25 =	simm.s32 $0x180;
	s26 =	simm.s32 $0x4  }
0x17: {  	s0 =	simm.s32 $0x2;
	[dreg:$0x7] =	wrdreg s24;
	s24 =	simm.s32 $0x200  }
.LBB2_4:
0x18: {  	_ =	swait.ge [sflag:s0], $0x4000  }
0x19: {  	[sflag:s0] =	ssyncset.done $0x0  }
0x1a: {  	[sflag:s0] =	ssyncadd.s32 $0xFFFFC000  }
0x1b: {  	[spmem:s3] =	stream.indirect.scatter.add.f32 [tilespmem:s28], [sflag:$0x6], $0x80, s25, s23, $0xb8;
	[tilespmem:$0x1BE00] =	vst v63  }
0x1c: {  	_ =	swait.ge [sflag:s31], $0x4000  }
0x1d: {  	[sflag:s31] =	ssyncset.done $0x0  }
0x1e: {  	[sflag:s31] =	ssyncadd.s32 $0xFFFFC000  }
0x1f: {  	_ =	swait.ge [sflag:s2], $0x4000  }
0x20: {  	s8 =	sadd.s32 $0x1, s8;
	[sflag:s2] =	ssyncset.done $0x0  }
0x21: {  	p0 =	sne.s32 s8, s15;
	[sflag:s2] =	ssyncadd.s32 $0xFFFFC000  }
.Ltmp1:
0x22: {  	[bflag:$0x0] =	sbarrier.arrive $0xFFFF;
	(pc) =	sbr.rel @!p0 .LBB2_5-.Ltmp1, $4  }
0x23: {  	[hbm:s14], [sflag:s9] =	dma.local [spmem:s20], $0x2780  }
0x24: {  	_ =	swait.ge [sflag:s21], $0x2780  }
0x25: {  	[sflag:s21] =	ssyncset.done $0x0  }
0x26: {  	[sflag:s21] =	ssyncadd.s32 $0xFFFFD880  }
.LBB2_1:
0x27: {  	s10 =	rddreg [dreg:$0x4]  }
0x28: {  	[spmem:s20], [sflag:s9] =	dma.local [hbm:s10], $0x2780  }
0x29: {  	_ =	swait.ge [sflag:s21], $0x2780  }
0x2a: {  	[sflag:s21] =	ssyncset.done $0x0  }
0x2b: {  	[sflag:s21] =	ssyncadd.s32 $0xFFFFD880  }
0x2c: {  	[bflag:$0x0] =	sbarrier.arrive $0xFFFF  }
0x2d: {  	s12 =	rddreg [dreg:$0x5]  }
0x2e: {  	[tilespmem:s4], [sflag:$0x7] =	stream.linear.gather [hbm4b:s12+s4], $0x80, $0x38;
	[tilespmem:$0x1BE00] =	vst v63  }
0x2f: {  	_ =	swait.ge [sflag:s21], $0x80  }
0x30: {  	[sflag:s21] =	ssyncset.done $0x0  }
0x31: {  	s11 =	rddreg [dreg:$0x6];
	[sflag:s21] =	ssyncadd.s32 $0xFFFFFF80  }
0x32: {  	[tilespmem:s22], [sflag:$0x7] =	stream.linear.gather [hbm4b:s11+s4], $0x80, $0x38;
	[tilespmem:$0x1BE00] =	vst v63  }
0x33: {  	_ =	swait.ge [sflag:s21], $0x80  }
0x34: {  	[sflag:s21] =	ssyncset.done $0x0  }
0x35: {  	[sflag:s21] =	ssyncadd.s32 $0xFFFFFF80  }
0x36: {  	[tilespmem:s24], [sflag:$0x1] =	stream.indirect.gather [hbm4b:s1+s23], $0x80, s4, s23, $0xb8;
	[tilespmem:$0x1BE00] =	vst v63  }
0x37: {  	s12 =	rddreg [dreg:$0x7]  }
0x38: {  	[tilespmem:s23], [sflag:$0x4] =	stream.linear.gather [hbm4b:s12+s4], $0x80, $0x38;
	[tilespmem:$0x1BE00] =	vst v63  }
0x39: {  	_ = 	snop  }
0x3a: {  	[tilespmem:s25], [sflag:$0x4] =	stream.linear.gather [hbm4b:s13+s4], $0x80, $0x38;
	[tilespmem:$0x1BE00] =	vst v63  }
0x3b: {  	_ =	swait.ge [sflag:s26], $0x80  }
0x3c: {  	[sflag:s26] =	ssyncset.done $0x0  }
0x3d: {  	[sflag:s26] =	ssyncadd.s32 $0xFFFFFF80  }
0x3e: {  	_ =	swait.ge [sflag:s26], $0x80  }
0x3f: {  	[sflag:s26] =	ssyncset.done $0x0  }
0x40: {  	[sflag:s26] =	ssyncadd.s32 $0xFFFFFF80  }
0x41: {  	[tilespmem:s28], [sflag:$0x2] =	stream.indirect.gather [hbm4b:s1+s23], $0x80, s23, s23, $0xb8;
	[tilespmem:$0x1BE00] =	vst v63  }
0x42: {  	_ =	swait.ge [sflag:s29], $0x4000  }
0x43: {  	[sflag:s29] =	ssyncset.done $0x0  }
0x44: {  	[sflag:s29] =	ssyncadd.s32 $0xFFFFC000  }
0x45: {  	[spmem:s3] =	stream.indirect.scatter.add.f32 [tilespmem:s24], [sflag:$0x5], $0x80, s22, s23, $0xb8;
	[tilespmem:$0x1BE00] =	vst v63  }
0x46: {  	_ = 	snop  }
0x47: {  	[tilespmem:s4], [sflag:$0x3] =	stream.linear.gather [hbm4b:s16+s4], $0x80, $0x38;
	[tilespmem:$0x1BE00] =	vst v63  }
0x48: {  	_ = 	snop  }
0x49: {  	[tilespmem:s22], [sflag:$0x3] =	stream.linear.gather [hbm4b:s17+s4], $0x80, $0x38;
	[tilespmem:$0x1BE00] =	vst v63  }
0x4a: {  	_ =	swait.ge [sflag:s30], $0x80  }
0x4b: {  	[sflag:s30] =	ssyncset.done $0x0  }
0x4c: {  	[sflag:s30] =	ssyncadd.s32 $0xFFFFFF80  }
0x4d: {  	_ =	swait.ge [sflag:s30], $0x80  }
0x4e: {  	[sflag:s30] =	ssyncset.done $0x0  }
0x4f: {  	[sflag:s30] =	ssyncadd.s32 $0xFFFFFF80  }
0x50: {  	_ =	swait.ge [sflag:s31], $0x4000  }
0x51: {  	[sflag:s31] =	ssyncset.done $0x0  }
0x52: {  	[sflag:s31] =	ssyncadd.s32 $0xFFFFC000  }
0x53: {  	[tilespmem:s24], [sflag:$0x1] =	stream.indirect.gather [hbm4b:s1+s23], $0x80, s4, s23, $0xb8;
	[tilespmem:$0x1BE00] =	vst v63  }
0x54: {  	_ =	swait.ge [sflag:s0], $0x4000  }
0x55: {  	[sflag:s0] =	ssyncset.done $0x0  }
0x56: {  	[sflag:s0] =	ssyncadd.s32 $0xFFFFC000  }
0x57: {  	[spmem:s3] =	stream.indirect.scatter.add.f32 [tilespmem:s28], [sflag:$0x6], $0x80, s25, s23, $0xb8;
	[tilespmem:$0x1BE00] =	vst v63  }
0x58: {  	_ = 	snop  }
0x59: {  	[tilespmem:s23], [sflag:$0x4] =	stream.linear.gather [hbm4b:s18+s4], $0x80, $0x38;
	[tilespmem:$0x1BE00] =	vst v63  }
0x5a: {  	s10 =	simm.s32 $0x280  }
0x5b: {  	[tilespmem:s25], [sflag:$0x4] =	stream.linear.gather [hbm4b:s19+s4], $0x80, $0x38;
	[tilespmem:$0x1BE00] =	vst v63  }
.LBB2_2:
0x5c: {  	_ =	swait.ge [sflag:s26], $0x80  }
0x5d: {  	[sflag:s26] =	ssyncset.done $0x0  }
0x5e: {  	[sflag:s26] =	ssyncadd.s32 $0xFFFFFF80  }
0x5f: {  	_ =	swait.ge [sflag:s26], $0x80  }
0x60: {  	[sflag:s26] =	ssyncset.done $0x0  }
0x61: {  	[sflag:s26] =	ssyncadd.s32 $0xFFFFFF80  }
0x62: {  	_ =	swait.ge [sflag:s2], $0x4000  }
0x63: {  	[sflag:s2] =	ssyncset.done $0x0  }
0x64: {  	p0 =	seq.s32 s10, $0x2880;
	[sflag:s2] =	ssyncadd.s32 $0xFFFFC000  }
0x65: {  	[tilespmem:s28], [sflag:$0x2] =	stream.indirect.gather [hbm4b:s1+s23], $0x80, s23, s23, $0xb8;
	[tilespmem:$0x1BE00] =	vst v63  }
.Ltmp2:
0x66: {  	_ = 	snop;
	(pc) =	sbr.rel @p0 .LBB2_4-.Ltmp2, $4  }
0x67: {  	_ =	swait.ge [sflag:s29], $0x4000  }
0x68: {  	[sflag:s29] =	ssyncset.done $0x0  }
0x69: {  	[sflag:s29] =	ssyncadd.s32 $0xFFFFC000  }
0x6a: {  	[spmem:s3] =	stream.indirect.scatter.add.f32 [tilespmem:s24], [sflag:$0x5], $0x80, s22, s23, $0xb8;
	[tilespmem:$0x1BE00] =	vst v63  }
0x6b: {  	s11 =	sadd.s32 $0xFFFFFF80, s10  }
0x6c: {  	s12 =	sand.u32 $0x7C00, s11  }
0x6d: {  	s11 =	sand.u32 $0x300, s11;
	s12 =	sadd.s32 s7, s12  }
0x6e: {  	s11 =	sor.u32 s11, s12  }
0x6f: {  	s11 =	sshrl.u32 s11, $0x3  }
0x70: {  	s12 =	sadd.s32 s5, s11  }
0x71: {  	[tilespmem:s4], [sflag:$0x3] =	stream.linear.gather [hbm4b:s12+s4], $0x80, $0x38;
	[tilespmem:$0x1BE00] =	vst v63  }
0x72: {  	s11 =	sadd.s32 s6, s11  }
0x73: {  	[tilespmem:s22], [sflag:$0x3] =	stream.linear.gather [hbm4b:s11+s4], $0x80, $0x38;
	[tilespmem:$0x1BE00] =	vst v63  }
0x74: {  	_ =	swait.ge [sflag:s30], $0x80  }
0x75: {  	[sflag:s30] =	ssyncset.done $0x0  }
0x76: {  	[sflag:s30] =	ssyncadd.s32 $0xFFFFFF80  }
0x77: {  	_ =	swait.ge [sflag:s30], $0x80  }
0x78: {  	[sflag:s30] =	ssyncset.done $0x0  }
0x79: {  	[sflag:s30] =	ssyncadd.s32 $0xFFFFFF80  }
0x7a: {  	_ =	swait.ge [sflag:s31], $0x4000  }
0x7b: {  	[sflag:s31] =	ssyncset.done $0x0  }
0x7c: {  	[sflag:s31] =	ssyncadd.s32 $0xFFFFC000  }
0x7d: {  	[tilespmem:s24], [sflag:$0x1] =	stream.indirect.gather [hbm4b:s1+s23], $0x80, s4, s23, $0xb8;
	[tilespmem:$0x1BE00] =	vst v63  }
0x7e: {  	s12 =	sand.u32 $0x7C00, s10;
	_ =	swait.ge [sflag:s0], $0x4000  }
0x7f: {  	s11 =	sadd.s32 s7, s12;
	s12 =	sand.u32 $0x380, s10;
	[sflag:s0] =	ssyncset.done $0x0  }
0x80: {  	s11 =	sor.u32 s12, s11;
	[sflag:s0] =	ssyncadd.s32 $0xFFFFC000  }
0x81: {  	[spmem:s3] =	stream.indirect.scatter.add.f32 [tilespmem:s28], [sflag:$0x6], $0x80, s25, s23, $0xb8;
	[tilespmem:$0x1BE00] =	vst v63  }
.Ltmp3:
0x82: {  	s11 =	sshrl.u32 s11, $0x3;
	(pc) =	sbr.rel .LBB2_2-.Ltmp3, $4  }
0x83: {  	s12 =	sadd.s32 s5, s11  }
0x84: {  	[tilespmem:s23], [sflag:$0x4] =	stream.linear.gather [hbm4b:s12+s4], $0x80, $0x38;
	[tilespmem:$0x1BE00] =	vst v63  }
0x85: {  	s10 =	sadd.s32 $0x100, s10;
	s11 =	sadd.s32 s6, s11  }
0x86: {  	[tilespmem:s25], [sflag:$0x4] =	stream.linear.gather [hbm4b:s11+s4], $0x80, $0x38;
	[tilespmem:$0x1BE00] =	vst v63  }
.LBB2_5:
0x87: {  	_ =	sfence.sel $0x180000  }
0x88: {  	[bflag:$0x0] =	sbarrier.arrive $0xFFFF  }
0x89: {  	_ =	strace $0x9000004A  }
0x8a: {  	s0 =	stileid.u32;
	[bflag:$0x2] =	sbarrier.arrive $0xFFFF  }
0x8b: {  	p0 =	sne.s32 s0, $0x0;
	s0 =	rddreg [dreg:$0x3]  }
0x8c: {  	s0 =	sadd.s32 @!p0 $0x100000, s0  }
0x8d: {  	[sflag:s0] =	ssyncadd.tile.s32 @!p0 $0x1;
	_ =	shalt  }
.Lfunc_end2:
_tile_overlayer_lowered:
.L_overlay_start_2:
0x8e: {  	(tag) =	ssettag $0x2  }
0x8f: {  	s0 =	rddreg [dreg:$0x0];
	s2 =	stileid.u32  }
0x90: {  	s1 =	rddreg [dreg:$0x1];
	p0 =	sne.s32 s2, $0x0  }
0x91: {  	s3 =	rddreg [dreg:$0x2];
	[bflag:$0x3] =	sbarrier.arrive $0xFFFF;
	s2 =	simm.s32 @!p0 $0x1C07  }
0x92: {  	[timem:s3], [sflag:s2] =	dma.local @!p0 [hbm:s0], s1  }
0x93: {  	s0 =	simm.s32 @!p0 $0x7  }
0x94: {  	_ =	swait.ge @!p0 [sflag:s0], s1  }
0x95: {  	s1 =	ssub.s32 @!p0 $0x0, s1;
	[sflag:s0] =	ssyncset.done @!p0 $0x0  }
0x96: {  	[sflag:s0] =	ssyncadd.s32 @!p0 s1  }
0x97: {  	[bflag:$0x3] =	sbarrier.arrive $0xFFFF  }
0x98: {  	_ =	shalt  }

// kernel: kernel.16.cloned.1.call-start
scs
__scs_entry_jumppad:
0x0: {  	(pc) =	sbr.rel $0x88, $3  }
0x1: {  	(tag) =	ssettag $0x0;
	lr =	simm.s32 $0x1  }
0x2: {  	[smem:$0x3F90] =	sst lr;
	_ =	strace $0xD0000000  }
0x3: {  	_ = 	snop  }
0x4: {  	_ = 	snop  }
0x5: {  	_ = 	snop  }
0x6: {  	_ = 	snop  }
0x7: {  	_ = 	snop  }
__scs_overlays_trampoline_lowered:
0x8: {  	[smem:$0x3F9F] =	sst s0  }
0x9: {  	[smem:$0x3FA0] =	sst s1  }
0xa: {  	[smem:$0x3FA1] =	sst s2  }
0xb: {  	[smem:$0x3FA2] =	sst s3  }
0xc: {  	[smem:$0x3FA3] =	sst s4  }
0xd: {  	[smem:$0x3FA4] =	sst s5  }
0xe: {  	[smem:$0x3FA5] =	sst s6  }
0xf: {  	[smem:$0x3FA6] =	sst s7  }
0x10: {  	[smem:$0x3FA7] =	sst s8  }
0x11: {  	[smem:$0x3FA8] =	sst s9;
	s0 =	simm.s32 @!p0 $0x0  }
0x12: {  	s1 =	sld [smem:$0x3F8E];
	s0 =	simm.s32 @p0 $0x1  }
0x13: {  	[smem:$0x3FA9] =	sst s0;
	s0 =	simm.s32 @!p1 $0x0  }
0x14: {  	s2 =	sld [smem:$0x3F8D];
	s0 =	simm.s32 @p1 $0x1  }
0x15: {  	[smem:$0x3FAA] =	sst s0;
	s0 =	simm.s32 @!p2 $0x0  }
0x16: {  	s3 =	sld [smem:$0x3FDB];
	s0 =	simm.s32 @p2 $0x1  }
0x17: {  	s4 =	simm.s32 $0x1BF5;
	[smem:$0x3FAC] =	sst s0  }
0x18: {  	s0 =	sld [smem:$0x3F8F];
	_ =	swait.ge [sflag:s4], $0x0  }
0x19: {  	s7 =	sld [smem:$0x3F90]  }
0x1a: {  	s8 =	sadd.s32 $0xFFFFE003, lr  }
0x1b: {  	s9 =	sadd.s32 $0xFFFFFEF7, lr;
	s5 =	simm.s32 $0xFFFFFFFF;
	p2 =	slt.u32 s8, $0xFFFFF086  }
0x1c: {  	p1 =	slt.u32 s9, $0xF7A;
	s5 =	simm.s32 @!p2 $0x0  }
0x1d: {  	s5 =	simm.s32 @p1 $0x1;
	p0 =	seq.s32 s7, s2  }
0x1e: {  	s7 =	smul.u32 @!p0 $0xF7A, s2;
	p2 =	seq.s32 @!p0 s5, $0x0  }
0x1f: {  	s9 =	smul.u32 $0xF7A, s1;
	s8 =	simm.s32 @!p0 $0x1BF5;
	p2 =	por !p2, p0  }
0x20: {  	[sflag:s8] =	ssyncset.s32 @!p0 $0xFFFFF086;
	s6 =	sadd.s32 @!p0 s3, s7;
	s7 =	simm.s32 @!p0 $0x108  }
0x21: {  	s3 =	sadd.s32 s3, s9;
	s6 =	sadd.s32 @!p0 $0x88, s6;
	s7 =	simm.s32 @p2 $0x1082  }
0x22: {  	[simem:s7], [sflag:s8] =	dma.local @!p0 [hbm:s6], $0xF7A  }
0x23: {  	s9 =	sor.u32 $0xD0000000, s2;
	s6 =	simm.s32 $0x108;
	_ =	swait.ge @!p0 [sflag:s8], $0x0  }
0x24: {  	s3 =	sadd.s32 $0x88, s3;
	s6 =	simm.s32 @!p1 $0x1082;
	[sflag:s4] =	ssyncset.s32 $0xFFFFF086  }
0x25: {  	[simem:s6], [sflag:s4] =	dma.local [hbm:s3], $0xF7A  }
0x26: {  	[smem:$0x3F90] =	sst s1;
	(tag) =	ssettag s2;
	_ =	strace s9  }
0x27: {  	s1 =	sld [smem:$0x3FA0]  }
0x28: {  	s2 =	sld [smem:$0x3FA1]  }
0x29: {  	s4 =	sld [smem:$0x3FA3]  }
0x2a: {  	p0 =	seq.s32 s5, $0x0;
	s5 =	sld [smem:$0x3FA4]  }
0x2b: {  	s6 =	sld [smem:$0x3FA5]  }
0x2c: {  	s7 =	sld [smem:$0x3FA6]  }
0x2d: {  	s3 =	simm.s32 $0x108;
	s8 =	sld [smem:$0x3FA7]  }
0x2e: {  	s3 =	simm.s32 @!p0 $0x1082;
	s9 =	sld [smem:$0x3FA8]  }
0x2f: {  	lr =	sadd.s32 s0, s3;
	s0 =	sld [smem:$0x3F9F]  }
0x30: {  	s3 =	sld [smem:$0x3FA2]  }
0x31: {  	[smem:$0x3FAB] =	sst s10  }
0x32: {  	s10 =	sld [smem:$0x3FA9];
	_ =	sdelay $0x3  }
0x33: {  	p0 =	seq.s32 s10, $0x1;
	s10 =	sld [smem:$0x3FAB];
	_ =	sdelay $0x3  }
0x34: {  	[smem:$0x3FAB] =	sst s10  }
0x35: {  	s10 =	sld [smem:$0x3FAA];
	_ =	sdelay $0x3  }
0x36: {  	p1 =	seq.s32 s10, $0x1;
	s10 =	sld [smem:$0x3FAB];
	_ =	sdelay $0x3  }
0x37: {  	[smem:$0x3FAB] =	sst s10  }
0x38: {  	s10 =	sld [smem:$0x3FAC]  }
0x39: {  	_ = 	snop;
	(pc) =	sbr.ind lr, $3  }
0x3a: {  	_ = 	snop  }
0x3b: {  	_ = 	snop  }
0x3c: {  	p2 =	seq.s32 s10, $0x1;
	s10 =	sld [smem:$0x3FAB]  }
0x3d: {  	_ =	shalt  }
0x3e: {  	_ =	shalt  }
0x3f: {  	_ =	shalt  }
0x40: {  	_ =	shalt  }
0x41: {  	_ =	shalt  }
0x42: {  	_ =	shalt  }
0x43: {  	_ =	shalt  }
0x44: {  	_ =	shalt  }
0x45: {  	_ =	shalt  }
0x46: {  	_ =	shalt  }
0x47: {  	_ =	shalt  }
0x48: {  	_ =	shalt  }
0x49: {  	_ =	shalt  }
0x4a: {  	_ =	shalt  }
0x4b: {  	_ =	shalt  }
0x4c: {  	_ =	shalt  }
0x4d: {  	_ =	shalt  }
0x4e: {  	_ =	shalt  }
0x4f: {  	_ =	shalt  }
0x50: {  	_ =	shalt  }
0x51: {  	_ =	shalt  }
0x52: {  	_ =	shalt  }
0x53: {  	_ =	shalt  }
0x54: {  	_ =	shalt  }
0x55: {  	_ =	shalt  }
0x56: {  	_ =	shalt  }
0x57: {  	_ =	shalt  }
0x58: {  	_ =	shalt  }
0x59: {  	_ =	shalt  }
0x5a: {  	_ =	shalt  }
0x5b: {  	_ =	shalt  }
0x5c: {  	_ =	shalt  }
0x5d: {  	_ =	shalt  }
0x5e: {  	_ =	shalt  }
0x5f: {  	_ =	shalt  }
0x60: {  	_ =	shalt  }
0x61: {  	_ =	shalt  }
0x62: {  	_ =	shalt  }
0x63: {  	_ =	shalt  }
0x64: {  	_ =	shalt  }
0x65: {  	_ =	shalt  }
0x66: {  	_ =	shalt  }
0x67: {  	_ =	shalt  }
0x68: {  	_ =	shalt  }
0x69: {  	_ =	shalt  }
0x6a: {  	_ =	shalt  }
0x6b: {  	_ =	shalt  }
0x6c: {  	_ =	shalt  }
0x6d: {  	_ =	shalt  }
0x6e: {  	_ =	shalt  }
0x6f: {  	_ =	shalt  }
0x70: {  	_ =	shalt  }
0x71: {  	_ =	shalt  }
0x72: {  	_ =	shalt  }
0x73: {  	_ =	shalt  }
0x74: {  	_ =	shalt  }
0x75: {  	_ =	shalt  }
0x76: {  	_ =	shalt  }
0x77: {  	_ =	shalt  }
0x78: {  	_ =	shalt  }
0x79: {  	_ =	shalt  }
0x7a: {  	_ =	shalt  }
0x7b: {  	_ =	shalt  }
0x7c: {  	_ =	shalt  }
0x7d: {  	_ =	shalt  }
0x7e: {  	_ =	shalt  }
0x7f: {  	_ =	shalt  }
0x80: {  	_ =	shalt  }
0x81: {  	_ =	shalt  }
0x82: {  	_ =	shalt  }
0x83: {  	_ =	shalt  }
0x84: {  	_ =	shalt  }
0x85: {  	_ =	shalt  }
0x86: {  	_ =	shalt  }
0x87: {  	_ =	shalt  }
.Lfunc_end0:
.L_simem_size_0:
called_computation.2_lowered:
.L_overlay_start_0:
0x88: {  	s2 =	sld [smem:$0x3FD9]  }
0x89: {  	s3 =	sld [smem:$0x3FFE];
	_ =	sdelay $0x1  }
0x8a: {  	s1 =	srdreg.scid  }
0x8b: {  	s0 =	sand.u32 $0x1, s1  }
0x8c: {  	s14 =	sshll.u32 s0, $0xA;
	s2 =	sadd.s32 s3, s2  }
0x8d: {  	s2 =	sadd.s32 s2, s14  }
0x8e: {  	[smem:$0x3FB7] =	sst s2  }
0x8f: {  	_ = 	snop  }
0x90: {  	s2 =	sld [smem:$0x3FD0];
	_ =	sdelay $0x2  }
0x91: {  	s15 =	simm.s32 $0xA;
	s4 =	simm.s32 $0x10  }
0x92: {  	[smem:s4], [sflag:s15] =	dma.local [hbm:s2], $0x1  }
0x93: {  	_ =	swait.eq [sflag:s15], $0x1  }
0x94: {  	[sflag:s15] =	ssyncset.done $0x0  }
0x95: {  	[sflag:s15] =	ssyncadd.s32 $0xFFFFFFFF  }
0x96: {  	s16 =	sld [smem:$0x11];
	(tm) =	ssettm $0x1  }
0x97: {  	s17 =	sld [smem:$0x3FFB];
	_ =	sdelay $0x3  }
0x98: {  	_ =	strace s17  }
0x99: {  	s3 =	sld [smem:$0x3FFC];
	_ =	sdelay $0x3  }
0x9a: {  	_ =	strace s3  }
0x9b: {  	s3 =	sld [smem:$0x3FFD];
	_ =	sdelay $0x3  }
0x9c: {  	_ =	strace s3  }
0x9d: {  	_ =	strace $0x8FFFFFFF  }
0x9e: {  	s18 =	sld [smem:$0x3FDB];
	_ =	sdelay $0x1  }
0x9f: {  	s19 =	simm.s32 $_scs_section_size  }
0xa0: {  	s5 =	simm.s32 $_size__tile_overlayer_lowered;
	s6 =	simm.s32 $_tile_overlayer_lowered  }
0xa1: {  	s22 =	simm.s32 $0x1BFF;
	s21 =	sshll.u32 s6, $0x1;
	s3 =	sadd.s32 s19, s18  }
0xa2: {  	s7 =	simm.s32 $0x0;
	s20 =	sshll.u32 s5, $0x1;
	s5 =	sadd.s32 s21, s3  }
0xa3: {  	[timem:s7], [sflag:s22] =	dma.local [hbm:s5], s20  }
0xa4: {  	_ =	swait.ge [sflag:s22], s20  }
0xa5: {  	s4 =	ssub.s32 $0x0, s20;
	[sflag:s22] =	ssyncset.done $0x0  }
0xa6: {  	[sflag:s22] =	ssyncadd.s32 s4;
	_ =	sdelay $0x1  }
0xa7: {  	s23 =	simm.s32 $0x1B8B  }
0xa8: {  	_ =	swait.ge [sflag:s23], $0x1  }
0xa9: {  	[sflag:s23] =	ssyncset.done $0x0  }
0xaa: {  	s25 =	simm.s32 $0x1B8E;
	s24 =	sld [smem:$0x3FFE];
	[sflag:s23] =	ssyncadd.s32 $0xFFFFFFFF  }
0xab: {  	s26 =	simm.s32 $execute0_lowered;
	[smem:$0x3FD2] =	sst s25  }
0xac: {  	s5 =	sshll.u32 s26, $0x1;
	_ =	strace $0x8000004C;
	[dreg:$0x1] =	wrdreg $0xFFFFFFFF  }
0xad: {  	s28 =	simm.s32 $_size_execute0_lowered;
	s3 =	sadd.s32 s3, s5;
	[dreg:$0x0] =	wrdreg $0x0  }
0xae: {  	s5 =	sshll.u32 s28, $0x1;
	[dreg:$0x2] =	wrdreg s3  }
0xaf: {  	[dreg:$0x3] =	wrdreg s5  }
0xb0: {  	[dreg:$0x4] =	wrdreg $0xC0  }
0xb1: {  	_ =	task [dreg:s7], $0x5FFFF  }
0xb2: {  	[dreg:$0x1] =	wrdreg $0xFFFFFFFF  }
0xb3: {  	[dreg:$0x0] =	wrdreg $0x60  }
0xb4: {  	[dreg:$0x2] =	wrdreg s16  }
0xb5: {  	[dreg:$0x3] =	wrdreg s24  }
0xb6: {  	[dreg:$0x4] =	wrdreg $0x82000  }
0xb7: {  	[dreg:$0x5] =	wrdreg $0x9  }
0xb8: {  	_ =	task.clear_ibuf [dreg:s7], $0x6FFFF;
	_ =	strace $0x9000004C  }
0xb9: {  	s29 =	simm.s32 $0x9;
	_ =	strace $0x8000004E  }
0xba: {  	_ =	swait.ge [sflag:s29], $0x1  }
0xbb: {  	[sflag:s29] =	ssyncadd.s32 $0xFFFFFFFF  }
0xbc: {  	_ =	strace $0x9000004E  }
0xbd: {  	_ =	sfence  }
0xbe: {  	s30 =	sld [smem:$0x0];
	_ =	sdelay $0x2  }
0xbf: {  	s31 =	sshll.u32 s1, $0xD;
	s1 =	sshrl.u32 s1, $0x2  }
0xc0: {  	s3 =	sand.u32 $0x4000, s31;
	s1 =	sadd.s32 s1, s30  }
0xc1: {  	s0 =	sor.u32 s3, s0;
	s1 =	sshll.u32 s1, $0x11  }
0xc2: {  	s0 =	sor.u32 s1, s0  }
0xc3: {  	s0 =	sadd.s32 $0x8F2B, s0  }
0xc4: {  	[sflag:s0] =	ssyncadd.remote.s32 $0x1  }
0xc5: {  	_ =	sfence.sel $0xFFFF  }
0xc6: {  	[dreg:$0x0] =	wrdreg $0xFFFFFFFF;
	(pc) =	sbr.abs _section_cstart, $3  }
0xc7: {  	[dreg:$0x1] =	wrdreg $0xFFFFFFFF  }
0xc8: {  	_ =	task.clear_ibuf [dreg:s7], $0x2FFFF;
	_ =	strace $0x9FFFFFFF  }
0xc9: {  	(tm) =	ssettm $0x7FFFFFFF  }
tec
execute0_lowered:
.L_overlay_start_1:
0x0: {  	(tag) =	ssettag $0x1  }
0x1: {  	s1 =	rddreg [dreg:$0x0]  }
0x2: {  	s0 =	rddreg [dreg:$0x1]  }
0x3: {  	s3 =	rddreg [dreg:$0x2]  }
0x4: {  	s4 =	simm.s32 $0x0;
	s13 =	stileid.u32;
	s5 =	srdreg.scid  }
0x5: {  	s28 =	simm.s32 $0x4200;
	s29 =	simm.s32 $0x1;
	s30 =	simm.s32 $0x3  }
0x6: {  	s31 =	simm.s32 $0x5;
	[smem:$0x7FF] =	sst s4;
	s2 =	smul.u32 $0x13C00, s13  }
0x7: {  	s7 =	sand.u32 $0x1, s5;
	s5 =	sadd.s32 $0x2C600, s0;
	s10 =	smul.u32 $0x4F000, s13  }
0x8: {  	s6 =	sadd.s32 $0x36600, s0;
	s12 =	smul.u32 $0x2800, s13;
	s19 =	sshll.u32 s13, $0x6  }
0x9: {  	_ =	strace $0x8000004D;
	s9 =	smul.u32 $0x13C000, s7;
	s16 =	ssub.s32 $0x2, s7  }
0xa: {  	s7 =	smul.u32 $0x28000, s7;
	s8 =	sshrl.u32 s2, $0x3;
	s11 =	sshrl.u32 s16, $0x1  }
0xb: {  	s18 =	sshrl.u32 s10, $0x2;
	s8 =	sadd.s32 s8, s0;
	s2 =	sadd.s32 s2, s9  }
0xc: {  	s17 =	ssub.s32 s16, s11;
	s10 =	sadd.s32 s18, s3;
	s7 =	sadd.s32 s12, s7  }
0xd: {  	s9 =	sor.u32 $0x1C07, s19;
	s2 =	sshrl.u32 s2, $0x3;
	s8 =	sadd.s32 $0x4600, s8  }
0xe: {  	s20 =	sshrl.u32 s7, $0x3;
	s15 =	smax.u32 s17, $0x1;
	s0 =	sadd.s32 s2, s0  }
0xf: {  	[dreg:$0x4] =	wrdreg s8;
	s21 =	sadd.s32 s5, s20;
	s22 =	sadd.s32 s6, s20  }
0x10: {  	s23 =	sor.u32 $0x10, s20;
	s25 =	sor.u32 $0x20, s20;
	s26 =	sor.u32 $0x30, s20  }
0x11: {  	s20 =	sshrl.u32 s10, $0x3;
	s2 =	simm.s32 $0x6;
	[dreg:$0x5] =	wrdreg s21  }
0x12: {  	s8 =	simm.s32 $0x0;
	[dreg:$0x6] =	wrdreg s22;
	s24 =	sadd.s32 s5, s23  }
.Ltmp0:
0x13: {  	s13 =	sadd.s32 s6, s23;
	s14 =	sadd.s32 $0x40600, s0;
	(pc) =	sbr.rel .LBB2_1-.Ltmp0, $4  }
0x14: {  	s16 =	sadd.s32 s5, s25;
	s17 =	sadd.s32 s6, s25;
	s18 =	sadd.s32 s5, s26  }
0x15: {  	s19 =	sadd.s32 s6, s26;
	s21 =	simm.s32 $0x7;
	s22 =	simm.s32 $0x100  }
0x16: {  	s23 =	simm.s32 $0x80;
	s25 =	simm.s32 $0x180;
	s26 =	simm.s32 $0x4  }
0x17: {  	s0 =	simm.s32 $0x2;
	[dreg:$0x7] =	wrdreg s24;
	s24 =	simm.s32 $0x200  }
.LBB2_4:
0x18: {  	_ =	swait.ge [sflag:s0], $0x4000  }
0x19: {  	[sflag:s0] =	ssyncset.done $0x0  }
0x1a: {  	[sflag:s0] =	ssyncadd.s32 $0xFFFFC000  }
0x1b: {  	[spmem:s3] =	stream.indirect.scatter.add.f32 [tilespmem:s28], [sflag:$0x6], $0x80, s25, s23, $0xb8;
	[tilespmem:$0x1BE00] =	vst v63  }
0x1c: {  	_ =	swait.ge [sflag:s31], $0x4000  }
0x1d: {  	[sflag:s31] =	ssyncset.done $0x0  }
0x1e: {  	[sflag:s31] =	ssyncadd.s32 $0xFFFFC000  }
0x1f: {  	_ =	swait.ge [sflag:s2], $0x4000  }
0x20: {  	s8 =	sadd.s32 $0x1, s8;
	[sflag:s2] =	ssyncset.done $0x0  }
0x21: {  	p0 =	sne.s32 s8, s15;
	[sflag:s2] =	ssyncadd.s32 $0xFFFFC000  }
.Ltmp1:
0x22: {  	[bflag:$0x0] =	sbarrier.arrive $0xFFFF;
	(pc) =	sbr.rel @!p0 .LBB2_5-.Ltmp1, $4  }
0x23: {  	[hbm:s14], [sflag:s9] =	dma.local [spmem:s20], $0x2780  }
0x24: {  	_ =	swait.ge [sflag:s21], $0x2780  }
0x25: {  	[sflag:s21] =	ssyncset.done $0x0  }
0x26: {  	[sflag:s21] =	ssyncadd.s32 $0xFFFFD880  }
.LBB2_1:
0x27: {  	s10 =	rddreg [dreg:$0x4]  }
0x28: {  	[spmem:s20], [sflag:s9] =	dma.local [hbm:s10], $0x2780  }
0x29: {  	_ =	swait.ge [sflag:s21], $0x2780  }
0x2a: {  	[sflag:s21] =	ssyncset.done $0x0  }
0x2b: {  	[sflag:s21] =	ssyncadd.s32 $0xFFFFD880  }
0x2c: {  	[bflag:$0x0] =	sbarrier.arrive $0xFFFF  }
0x2d: {  	s12 =	rddreg [dreg:$0x5]  }
0x2e: {  	[tilespmem:s4], [sflag:$0x7] =	stream.linear.gather [hbm4b:s12+s4], $0x80, $0x38;
	[tilespmem:$0x1BE00] =	vst v63  }
0x2f: {  	_ =	swait.ge [sflag:s21], $0x80  }
0x30: {  	[sflag:s21] =	ssyncset.done $0x0  }
0x31: {  	s11 =	rddreg [dreg:$0x6];
	[sflag:s21] =	ssyncadd.s32 $0xFFFFFF80  }
0x32: {  	[tilespmem:s22], [sflag:$0x7] =	stream.linear.gather [hbm4b:s11+s4], $0x80, $0x38;
	[tilespmem:$0x1BE00] =	vst v63  }
0x33: {  	_ =	swait.ge [sflag:s21], $0x80  }
0x34: {  	[sflag:s21] =	ssyncset.done $0x0  }
0x35: {  	[sflag:s21] =	ssyncadd.s32 $0xFFFFFF80  }
0x36: {  	[tilespmem:s24], [sflag:$0x1] =	stream.indirect.gather [hbm4b:s1+s23], $0x80, s4, s23, $0xb8;
	[tilespmem:$0x1BE00] =	vst v63  }
0x37: {  	s12 =	rddreg [dreg:$0x7]  }
0x38: {  	[tilespmem:s23], [sflag:$0x4] =	stream.linear.gather [hbm4b:s12+s4], $0x80, $0x38;
	[tilespmem:$0x1BE00] =	vst v63  }
0x39: {  	_ = 	snop  }
0x3a: {  	[tilespmem:s25], [sflag:$0x4] =	stream.linear.gather [hbm4b:s13+s4], $0x80, $0x38;
	[tilespmem:$0x1BE00] =	vst v63  }
0x3b: {  	_ =	swait.ge [sflag:s26], $0x80  }
0x3c: {  	[sflag:s26] =	ssyncset.done $0x0  }
0x3d: {  	[sflag:s26] =	ssyncadd.s32 $0xFFFFFF80  }
0x3e: {  	_ =	swait.ge [sflag:s26], $0x80  }
0x3f: {  	[sflag:s26] =	ssyncset.done $0x0  }
0x40: {  	[sflag:s26] =	ssyncadd.s32 $0xFFFFFF80  }
0x41: {  	[tilespmem:s28], [sflag:$0x2] =	stream.indirect.gather [hbm4b:s1+s23], $0x80, s23, s23, $0xb8;
	[tilespmem:$0x1BE00] =	vst v63  }
0x42: {  	_ =	swait.ge [sflag:s29], $0x4000  }
0x43: {  	[sflag:s29] =	ssyncset.done $0x0  }
0x44: {  	[sflag:s29] =	ssyncadd.s32 $0xFFFFC000  }
0x45: {  	[spmem:s3] =	stream.indirect.scatter.add.f32 [tilespmem:s24], [sflag:$0x5], $0x80, s22, s23, $0xb8;
	[tilespmem:$0x1BE00] =	vst v63  }
0x46: {  	_ = 	snop  }
0x47: {  	[tilespmem:s4], [sflag:$0x3] =	stream.linear.gather [hbm4b:s16+s4], $0x80, $0x38;
	[tilespmem:$0x1BE00] =	vst v63  }
0x48: {  	_ = 	snop  }
0x49: {  	[tilespmem:s22], [sflag:$0x3] =	stream.linear.gather [hbm4b:s17+s4], $0x80, $0x38;
	[tilespmem:$0x1BE00] =	vst v63  }
0x4a: {  	_ =	swait.ge [sflag:s30], $0x80  }
0x4b: {  	[sflag:s30] =	ssyncset.done $0x0  }
0x4c: {  	[sflag:s30] =	ssyncadd.s32 $0xFFFFFF80  }
0x4d: {  	_ =	swait.ge [sflag:s30], $0x80  }
0x4e: {  	[sflag:s30] =	ssyncset.done $0x0  }
0x4f: {  	[sflag:s30] =	ssyncadd.s32 $0xFFFFFF80  }
0x50: {  	_ =	swait.ge [sflag:s31], $0x4000  }
0x51: {  	[sflag:s31] =	ssyncset.done $0x0  }
0x52: {  	[sflag:s31] =	ssyncadd.s32 $0xFFFFC000  }
0x53: {  	[tilespmem:s24], [sflag:$0x1] =	stream.indirect.gather [hbm4b:s1+s23], $0x80, s4, s23, $0xb8;
	[tilespmem:$0x1BE00] =	vst v63  }
0x54: {  	_ =	swait.ge [sflag:s0], $0x4000  }
0x55: {  	[sflag:s0] =	ssyncset.done $0x0  }
0x56: {  	[sflag:s0] =	ssyncadd.s32 $0xFFFFC000  }
0x57: {  	[spmem:s3] =	stream.indirect.scatter.add.f32 [tilespmem:s28], [sflag:$0x6], $0x80, s25, s23, $0xb8;
	[tilespmem:$0x1BE00] =	vst v63  }
0x58: {  	_ = 	snop  }
0x59: {  	[tilespmem:s23], [sflag:$0x4] =	stream.linear.gather [hbm4b:s18+s4], $0x80, $0x38;
	[tilespmem:$0x1BE00] =	vst v63  }
0x5a: {  	s10 =	simm.s32 $0x280  }
0x5b: {  	[tilespmem:s25], [sflag:$0x4] =	stream.linear.gather [hbm4b:s19+s4], $0x80, $0x38;
	[tilespmem:$0x1BE00] =	vst v63  }
.LBB2_2:
0x5c: {  	_ =	swait.ge [sflag:s26], $0x80  }
0x5d: {  	[sflag:s26] =	ssyncset.done $0x0  }
0x5e: {  	[sflag:s26] =	ssyncadd.s32 $0xFFFFFF80  }
0x5f: {  	_ =	swait.ge [sflag:s26], $0x80  }
0x60: {  	[sflag:s26] =	ssyncset.done $0x0  }
0x61: {  	[sflag:s26] =	ssyncadd.s32 $0xFFFFFF80  }
0x62: {  	_ =	swait.ge [sflag:s2], $0x4000  }
0x63: {  	[sflag:s2] =	ssyncset.done $0x0  }
0x64: {  	p0 =	seq.s32 s10, $0x2880;
	[sflag:s2] =	ssyncadd.s32 $0xFFFFC000  }
0x65: {  	[tilespmem:s28], [sflag:$0x2] =	stream.indirect.gather [hbm4b:s1+s23], $0x80, s23, s23, $0xb8;
	[tilespmem:$0x1BE00] =	vst v63  }
.Ltmp2:
0x66: {  	_ = 	snop;
	(pc) =	sbr.rel @p0 .LBB2_4-.Ltmp2, $4  }
0x67: {  	_ =	swait.ge [sflag:s29], $0x4000  }
0x68: {  	[sflag:s29] =	ssyncset.done $0x0  }
0x69: {  	[sflag:s29] =	ssyncadd.s32 $0xFFFFC000  }
0x6a: {  	[spmem:s3] =	stream.indirect.scatter.add.f32 [tilespmem:s24], [sflag:$0x5], $0x80, s22, s23, $0xb8;
	[tilespmem:$0x1BE00] =	vst v63  }
0x6b: {  	s11 =	sadd.s32 $0xFFFFFF80, s10  }
0x6c: {  	s12 =	sand.u32 $0x7C00, s11  }
0x6d: {  	s11 =	sand.u32 $0x300, s11;
	s12 =	sadd.s32 s7, s12  }
0x6e: {  	s11 =	sor.u32 s11, s12  }
0x6f: {  	s11 =	sshrl.u32 s11, $0x3  }
0x70: {  	s12 =	sadd.s32 s5, s11  }
0x71: {  	[tilespmem:s4], [sflag:$0x3] =	stream.linear.gather [hbm4b:s12+s4], $0x80, $0x38;
	[tilespmem:$0x1BE00] =	vst v63  }
0x72: {  	s11 =	sadd.s32 s6, s11  }
0x73: {  	[tilespmem:s22], [sflag:$0x3] =	stream.linear.gather [hbm4b:s11+s4], $0x80, $0x38;
	[tilespmem:$0x1BE00] =	vst v63  }
0x74: {  	_ =	swait.ge [sflag:s30], $0x80  }
0x75: {  	[sflag:s30] =	ssyncset.done $0x0  }
0x76: {  	[sflag:s30] =	ssyncadd.s32 $0xFFFFFF80  }
0x77: {  	_ =	swait.ge [sflag:s30], $0x80  }
0x78: {  	[sflag:s30] =	ssyncset.done $0x0  }
0x79: {  	[sflag:s30] =	ssyncadd.s32 $0xFFFFFF80  }
0x7a: {  	_ =	swait.ge [sflag:s31], $0x4000  }
0x7b: {  	[sflag:s31] =	ssyncset.done $0x0  }
0x7c: {  	[sflag:s31] =	ssyncadd.s32 $0xFFFFC000  }
0x7d: {  	[tilespmem:s24], [sflag:$0x1] =	stream.indirect.gather [hbm4b:s1+s23], $0x80, s4, s23, $0xb8;
	[tilespmem:$0x1BE00] =	vst v63  }
0x7e: {  	s12 =	sand.u32 $0x7C00, s10;
	_ =	swait.ge [sflag:s0], $0x4000  }
0x7f: {  	s11 =	sadd.s32 s7, s12;
	s12 =	sand.u32 $0x380, s10;
	[sflag:s0] =	ssyncset.done $0x0  }
0x80: {  	s11 =	sor.u32 s12, s11;
	[sflag:s0] =	ssyncadd.s32 $0xFFFFC000  }
0x81: {  	[spmem:s3] =	stream.indirect.scatter.add.f32 [tilespmem:s28], [sflag:$0x6], $0x80, s25, s23, $0xb8;
	[tilespmem:$0x1BE00] =	vst v63  }
.Ltmp3:
0x82: {  	s11 =	sshrl.u32 s11, $0x3;
	(pc) =	sbr.rel .LBB2_2-.Ltmp3, $4  }
0x83: {  	s12 =	sadd.s32 s5, s11  }
0x84: {  	[tilespmem:s23], [sflag:$0x4] =	stream.linear.gather [hbm4b:s12+s4], $0x80, $0x38;
	[tilespmem:$0x1BE00] =	vst v63  }
0x85: {  	s10 =	sadd.s32 $0x100, s10;
	s11 =	sadd.s32 s6, s11  }
0x86: {  	[tilespmem:s25], [sflag:$0x4] =	stream.linear.gather [hbm4b:s11+s4], $0x80, $0x38;
	[tilespmem:$0x1BE00] =	vst v63  }
.LBB2_5:
0x87: {  	_ =	sfence.sel $0x180000  }
0x88: {  	[bflag:$0x0] =	sbarrier.arrive $0xFFFF  }
0x89: {  	_ =	strace $0x9000004D  }
0x8a: {  	s0 =	stileid.u32;
	[bflag:$0x2] =	sbarrier.arrive $0xFFFF  }
0x8b: {  	p0 =	sne.s32 s0, $0x0;
	s0 =	rddreg [dreg:$0x3]  }
0x8c: {  	s0 =	sadd.s32 @!p0 $0x100000, s0  }
0x8d: {  	[sflag:s0] =	ssyncadd.tile.s32 @!p0 $0x1;
	_ =	shalt  }
.Lfunc_end2:
_tile_overlayer_lowered:
.L_overlay_start_2:
0x8e: {  	(tag) =	ssettag $0x2  }
0x8f: {  	s0 =	rddreg [dreg:$0x0];
	s2 =	stileid.u32  }
0x90: {  	s1 =	rddreg [dreg:$0x1];
	p0 =	sne.s32 s2, $0x0  }
0x91: {  	s3 =	rddreg [dreg:$0x2];
	[bflag:$0x3] =	sbarrier.arrive $0xFFFF;
	s2 =	simm.s32 @!p0 $0x1C07  }
0x92: {  	[timem:s3], [sflag:s2] =	dma.local @!p0 [hbm:s0], s1  }
0x93: {  	s0 =	simm.s32 @!p0 $0x7  }
0x94: {  	_ =	swait.ge @!p0 [sflag:s0], s1  }
0x95: {  	s1 =	ssub.s32 @!p0 $0x0, s1;
	[sflag:s0] =	ssyncset.done @!p0 $0x0  }
0x96: {  	[sflag:s0] =	ssyncadd.s32 @!p0 s1  }
0x97: {  	[bflag:$0x3] =	sbarrier.arrive $0xFFFF  }
0x98: {  	_ =	shalt  }

// kernel: kernel.19.cloned.1.call-start
scs
__scs_entry_jumppad:
0x0: {  	(pc) =	sbr.rel $0x88, $3  }
0x1: {  	(tag) =	ssettag $0x0;
	lr =	simm.s32 $0x1  }
0x2: {  	[smem:$0x3F90] =	sst lr;
	_ =	strace $0xD0000000  }
0x3: {  	_ = 	snop  }
0x4: {  	_ = 	snop  }
0x5: {  	_ = 	snop  }
0x6: {  	_ = 	snop  }
0x7: {  	_ = 	snop  }
__scs_overlays_trampoline_lowered:
0x8: {  	[smem:$0x3F9F] =	sst s0  }
0x9: {  	[smem:$0x3FA0] =	sst s1  }
0xa: {  	[smem:$0x3FA1] =	sst s2  }
0xb: {  	[smem:$0x3FA2] =	sst s3  }
0xc: {  	[smem:$0x3FA3] =	sst s4  }
0xd: {  	[smem:$0x3FA4] =	sst s5  }
0xe: {  	[smem:$0x3FA5] =	sst s6  }
0xf: {  	[smem:$0x3FA6] =	sst s7  }
0x10: {  	[smem:$0x3FA7] =	sst s8  }
0x11: {  	[smem:$0x3FA8] =	sst s9;
	s0 =	simm.s32 @!p0 $0x0  }
0x12: {  	s1 =	sld [smem:$0x3F8E];
	s0 =	simm.s32 @p0 $0x1  }
0x13: {  	[smem:$0x3FA9] =	sst s0;
	s0 =	simm.s32 @!p1 $0x0  }
0x14: {  	s2 =	sld [smem:$0x3F8D];
	s0 =	simm.s32 @p1 $0x1  }
0x15: {  	[smem:$0x3FAA] =	sst s0;
	s0 =	simm.s32 @!p2 $0x0  }
0x16: {  	s3 =	sld [smem:$0x3FDB];
	s0 =	simm.s32 @p2 $0x1  }
0x17: {  	s4 =	simm.s32 $0x1BF5;
	[smem:$0x3FAC] =	sst s0  }
0x18: {  	s0 =	sld [smem:$0x3F8F];
	_ =	swait.ge [sflag:s4], $0x0  }
0x19: {  	s7 =	sld [smem:$0x3F90]  }
0x1a: {  	s8 =	sadd.s32 $0xFFFFE003, lr  }
0x1b: {  	s9 =	sadd.s32 $0xFFFFFEF7, lr;
	s5 =	simm.s32 $0xFFFFFFFF;
	p2 =	slt.u32 s8, $0xFFFFF086  }
0x1c: {  	p1 =	slt.u32 s9, $0xF7A;
	s5 =	simm.s32 @!p2 $0x0  }
0x1d: {  	s5 =	simm.s32 @p1 $0x1;
	p0 =	seq.s32 s7, s2  }
0x1e: {  	s7 =	smul.u32 @!p0 $0xF7A, s2;
	p2 =	seq.s32 @!p0 s5, $0x0  }
0x1f: {  	s9 =	smul.u32 $0xF7A, s1;
	s8 =	simm.s32 @!p0 $0x1BF5;
	p2 =	por !p2, p0  }
0x20: {  	[sflag:s8] =	ssyncset.s32 @!p0 $0xFFFFF086;
	s6 =	sadd.s32 @!p0 s3, s7;
	s7 =	simm.s32 @!p0 $0x108  }
0x21: {  	s3 =	sadd.s32 s3, s9;
	s6 =	sadd.s32 @!p0 $0x88, s6;
	s7 =	simm.s32 @p2 $0x1082  }
0x22: {  	[simem:s7], [sflag:s8] =	dma.local @!p0 [hbm:s6], $0xF7A  }
0x23: {  	s9 =	sor.u32 $0xD0000000, s2;
	s6 =	simm.s32 $0x108;
	_ =	swait.ge @!p0 [sflag:s8], $0x0  }
0x24: {  	s3 =	sadd.s32 $0x88, s3;
	s6 =	simm.s32 @!p1 $0x1082;
	[sflag:s4] =	ssyncset.s32 $0xFFFFF086  }
0x25: {  	[simem:s6], [sflag:s4] =	dma.local [hbm:s3], $0xF7A  }
0x26: {  	[smem:$0x3F90] =	sst s1;
	(tag) =	ssettag s2;
	_ =	strace s9  }
0x27: {  	s1 =	sld [smem:$0x3FA0]  }
0x28: {  	s2 =	sld [smem:$0x3FA1]  }
0x29: {  	s4 =	sld [smem:$0x3FA3]  }
0x2a: {  	p0 =	seq.s32 s5, $0x0;
	s5 =	sld [smem:$0x3FA4]  }
0x2b: {  	s6 =	sld [smem:$0x3FA5]  }
0x2c: {  	s7 =	sld [smem:$0x3FA6]  }
0x2d: {  	s3 =	simm.s32 $0x108;
	s8 =	sld [smem:$0x3FA7]  }
0x2e: {  	s3 =	simm.s32 @!p0 $0x1082;
	s9 =	sld [smem:$0x3FA8]  }
0x2f: {  	lr =	sadd.s32 s0, s3;
	s0 =	sld [smem:$0x3F9F]  }
0x30: {  	s3 =	sld [smem:$0x3FA2]  }
0x31: {  	[smem:$0x3FAB] =	sst s10  }
0x32: {  	s10 =	sld [smem:$0x3FA9];
	_ =	sdelay $0x3  }
0x33: {  	p0 =	seq.s32 s10, $0x1;
	s10 =	sld [smem:$0x3FAB];
	_ =	sdelay $0x3  }
0x34: {  	[smem:$0x3FAB] =	sst s10  }
0x35: {  	s10 =	sld [smem:$0x3FAA];
	_ =	sdelay $0x3  }
0x36: {  	p1 =	seq.s32 s10, $0x1;
	s10 =	sld [smem:$0x3FAB];
	_ =	sdelay $0x3  }
0x37: {  	[smem:$0x3FAB] =	sst s10  }
0x38: {  	s10 =	sld [smem:$0x3FAC]  }
0x39: {  	_ = 	snop;
	(pc) =	sbr.ind lr, $3  }
0x3a: {  	_ = 	snop  }
0x3b: {  	_ = 	snop  }
0x3c: {  	p2 =	seq.s32 s10, $0x1;
	s10 =	sld [smem:$0x3FAB]  }
0x3d: {  	_ =	shalt  }
0x3e: {  	_ =	shalt  }
0x3f: {  	_ =	shalt  }
0x40: {  	_ =	shalt  }
0x41: {  	_ =	shalt  }
0x42: {  	_ =	shalt  }
0x43: {  	_ =	shalt  }
0x44: {  	_ =	shalt  }
0x45: {  	_ =	shalt  }
0x46: {  	_ =	shalt  }
0x47: {  	_ =	shalt  }
0x48: {  	_ =	shalt  }
0x49: {  	_ =	shalt  }
0x4a: {  	_ =	shalt  }
0x4b: {  	_ =	shalt  }
0x4c: {  	_ =	shalt  }
0x4d: {  	_ =	shalt  }
0x4e: {  	_ =	shalt  }
0x4f: {  	_ =	shalt  }
0x50: {  	_ =	shalt  }
0x51: {  	_ =	shalt  }
0x52: {  	_ =	shalt  }
0x53: {  	_ =	shalt  }
0x54: {  	_ =	shalt  }
0x55: {  	_ =	shalt  }
0x56: {  	_ =	shalt  }
0x57: {  	_ =	shalt  }
0x58: {  	_ =	shalt  }
0x59: {  	_ =	shalt  }
0x5a: {  	_ =	shalt  }
0x5b: {  	_ =	shalt  }
0x5c: {  	_ =	shalt  }
0x5d: {  	_ =	shalt  }
0x5e: {  	_ =	shalt  }
0x5f: {  	_ =	shalt  }
0x60: {  	_ =	shalt  }
0x61: {  	_ =	shalt  }
0x62: {  	_ =	shalt  }
0x63: {  	_ =	shalt  }
0x64: {  	_ =	shalt  }
0x65: {  	_ =	shalt  }
0x66: {  	_ =	shalt  }
0x67: {  	_ =	shalt  }
0x68: {  	_ =	shalt  }
0x69: {  	_ =	shalt  }
0x6a: {  	_ =	shalt  }
0x6b: {  	_ =	shalt  }
0x6c: {  	_ =	shalt  }
0x6d: {  	_ =	shalt  }
0x6e: {  	_ =	shalt  }
0x6f: {  	_ =	shalt  }
0x70: {  	_ =	shalt  }
0x71: {  	_ =	shalt  }
0x72: {  	_ =	shalt  }
0x73: {  	_ =	shalt  }
0x74: {  	_ =	shalt  }
0x75: {  	_ =	shalt  }
0x76: {  	_ =	shalt  }
0x77: {  	_ =	shalt  }
0x78: {  	_ =	shalt  }
0x79: {  	_ =	shalt  }
0x7a: {  	_ =	shalt  }
0x7b: {  	_ =	shalt  }
0x7c: {  	_ =	shalt  }
0x7d: {  	_ =	shalt  }
0x7e: {  	_ =	shalt  }
0x7f: {  	_ =	shalt  }
0x80: {  	_ =	shalt  }
0x81: {  	_ =	shalt  }
0x82: {  	_ =	shalt  }
0x83: {  	_ =	shalt  }
0x84: {  	_ =	shalt  }
0x85: {  	_ =	shalt  }
0x86: {  	_ =	shalt  }
0x87: {  	_ =	shalt  }
.Lfunc_end0:
.L_simem_size_0:
called_computation.3_lowered:
.L_overlay_start_0:
0x88: {  	s2 =	sld [smem:$0x3FD9]  }
0x89: {  	s3 =	sld [smem:$0x3FFE];
	_ =	sdelay $0x1  }
0x8a: {  	s1 =	srdreg.scid  }
0x8b: {  	s0 =	sand.u32 $0x1, s1  }
0x8c: {  	s14 =	sshll.u32 s0, $0xA;
	s2 =	sadd.s32 s3, s2  }
0x8d: {  	s2 =	sadd.s32 s2, s14  }
0x8e: {  	[smem:$0x3FB7] =	sst s2  }
0x8f: {  	_ = 	snop  }
0x90: {  	s2 =	sld [smem:$0x3FD0];
	_ =	sdelay $0x2  }
0x91: {  	s15 =	simm.s32 $0xA;
	s4 =	simm.s32 $0x10  }
0x92: {  	[smem:s4], [sflag:s15] =	dma.local [hbm:s2], $0x1  }
0x93: {  	_ =	swait.eq [sflag:s15], $0x1  }
0x94: {  	[sflag:s15] =	ssyncset.done $0x0  }
0x95: {  	[sflag:s15] =	ssyncadd.s32 $0xFFFFFFFF  }
0x96: {  	s16 =	sld [smem:$0x11];
	(tm) =	ssettm $0x1  }
0x97: {  	s17 =	sld [smem:$0x3FFB];
	_ =	sdelay $0x3  }
0x98: {  	_ =	strace s17  }
0x99: {  	s3 =	sld [smem:$0x3FFC];
	_ =	sdelay $0x3  }
0x9a: {  	_ =	strace s3  }
0x9b: {  	s3 =	sld [smem:$0x3FFD];
	_ =	sdelay $0x3  }
0x9c: {  	_ =	strace s3  }
0x9d: {  	_ =	strace $0x8FFFFFFF  }
0x9e: {  	s18 =	sld [smem:$0x3FDB];
	_ =	sdelay $0x1  }
0x9f: {  	s19 =	simm.s32 $_scs_section_size  }
0xa0: {  	s5 =	simm.s32 $_size__tile_overlayer_lowered;
	s6 =	simm.s32 $_tile_overlayer_lowered  }
0xa1: {  	s22 =	simm.s32 $0x1BFF;
	s21 =	sshll.u32 s6, $0x1;
	s3 =	sadd.s32 s19, s18  }
0xa2: {  	s7 =	simm.s32 $0x0;
	s20 =	sshll.u32 s5, $0x1;
	s5 =	sadd.s32 s21, s3  }
0xa3: {  	[timem:s7], [sflag:s22] =	dma.local [hbm:s5], s20  }
0xa4: {  	_ =	swait.ge [sflag:s22], s20  }
0xa5: {  	s4 =	ssub.s32 $0x0, s20;
	[sflag:s22] =	ssyncset.done $0x0  }
0xa6: {  	[sflag:s22] =	ssyncadd.s32 s4;
	_ =	sdelay $0x1  }
0xa7: {  	s23 =	simm.s32 $0x1B8B  }
0xa8: {  	_ =	swait.ge [sflag:s23], $0x1  }
0xa9: {  	[sflag:s23] =	ssyncset.done $0x0  }
0xaa: {  	s25 =	simm.s32 $0x1B8E;
	s24 =	sld [smem:$0x3FFE];
	[sflag:s23] =	ssyncadd.s32 $0xFFFFFFFF  }
0xab: {  	s26 =	simm.s32 $execute0_lowered;
	[smem:$0x3FD2] =	sst s25  }
0xac: {  	s5 =	sshll.u32 s26, $0x1;
	_ =	strace $0x8000004F;
	[dreg:$0x1] =	wrdreg $0xFFFFFFFF  }
0xad: {  	s28 =	simm.s32 $_size_execute0_lowered;
	s3 =	sadd.s32 s3, s5;
	[dreg:$0x0] =	wrdreg $0x0  }
0xae: {  	s5 =	sshll.u32 s28, $0x1;
	[dreg:$0x2] =	wrdreg s3  }
0xaf: {  	[dreg:$0x3] =	wrdreg s5  }
0xb0: {  	[dreg:$0x4] =	wrdreg $0xC0  }
0xb1: {  	_ =	task [dreg:s7], $0x5FFFF  }
0xb2: {  	[dreg:$0x1] =	wrdreg $0xFFFFFFFF  }
0xb3: {  	[dreg:$0x0] =	wrdreg $0x60  }
0xb4: {  	[dreg:$0x2] =	wrdreg s16  }
0xb5: {  	[dreg:$0x3] =	wrdreg s24  }
0xb6: {  	[dreg:$0x4] =	wrdreg $0x82000  }
0xb7: {  	[dreg:$0x5] =	wrdreg $0x9  }
0xb8: {  	_ =	task.clear_ibuf [dreg:s7], $0x6FFFF;
	_ =	strace $0x9000004F  }
0xb9: {  	s29 =	simm.s32 $0x9;
	_ =	strace $0x80000051  }
0xba: {  	_ =	swait.ge [sflag:s29], $0x1  }
0xbb: {  	[sflag:s29] =	ssyncadd.s32 $0xFFFFFFFF  }
0xbc: {  	_ =	strace $0x90000051  }
0xbd: {  	_ =	sfence  }
0xbe: {  	s30 =	sld [smem:$0x0];
	_ =	sdelay $0x2  }
0xbf: {  	s31 =	sshll.u32 s1, $0xD;
	s1 =	sshrl.u32 s1, $0x2  }
0xc0: {  	s3 =	sand.u32 $0x4000, s31;
	s1 =	sadd.s32 s1, s30  }
0xc1: {  	s0 =	sor.u32 s3, s0;
	s1 =	sshll.u32 s1, $0x11  }
0xc2: {  	s0 =	sor.u32 s1, s0  }
0xc3: {  	s0 =	sadd.s32 $0x8F2B, s0  }
0xc4: {  	[sflag:s0] =	ssyncadd.remote.s32 $0x1  }
0xc5: {  	_ =	sfence.sel $0xFFFF  }
0xc6: {  	[dreg:$0x0] =	wrdreg $0xFFFFFFFF;
	(pc) =	sbr.abs _section_cstart, $3  }
0xc7: {  	[dreg:$0x1] =	wrdreg $0xFFFFFFFF  }
0xc8: {  	_ =	task.clear_ibuf [dreg:s7], $0x2FFFF;
	_ =	strace $0x9FFFFFFF  }
0xc9: {  	(tm) =	ssettm $0x7FFFFFFF  }
tec
execute0_lowered:
.L_overlay_start_1:
0x0: {  	(tag) =	ssettag $0x1  }
0x1: {  	s1 =	rddreg [dreg:$0x0]  }
0x2: {  	s0 =	rddreg [dreg:$0x1]  }
0x3: {  	s3 =	rddreg [dreg:$0x2]  }
0x4: {  	s4 =	simm.s32 $0x0;
	s13 =	stileid.u32;
	s5 =	srdreg.scid  }
0x5: {  	s28 =	simm.s32 $0x4200;
	s29 =	simm.s32 $0x1;
	s30 =	simm.s32 $0x3  }
0x6: {  	s31 =	simm.s32 $0x5;
	[smem:$0x7FF] =	sst s4;
	s2 =	smul.u32 $0x13C00, s13  }
0x7: {  	s7 =	sand.u32 $0x1, s5;
	s5 =	sadd.s32 $0x2C600, s0;
	s10 =	smul.u32 $0x4F000, s13  }
0x8: {  	s6 =	sadd.s32 $0x36600, s0;
	s12 =	smul.u32 $0x2800, s13;
	s19 =	sshll.u32 s13, $0x6  }
0x9: {  	_ =	strace $0x80000050;
	s9 =	smul.u32 $0x13C000, s7;
	s16 =	ssub.s32 $0x2, s7  }
0xa: {  	s7 =	smul.u32 $0x28000, s7;
	s8 =	sshrl.u32 s2, $0x3;
	s11 =	sshrl.u32 s16, $0x1  }
0xb: {  	s18 =	sshrl.u32 s10, $0x2;
	s8 =	sadd.s32 s8, s0;
	s2 =	sadd.s32 s2, s9  }
0xc: {  	s17 =	ssub.s32 s16, s11;
	s10 =	sadd.s32 s18, s3;
	s7 =	sadd.s32 s12, s7  }
0xd: {  	s9 =	sor.u32 $0x1C07, s19;
	s2 =	sshrl.u32 s2, $0x3;
	s8 =	sadd.s32 $0x4600, s8  }
0xe: {  	s20 =	sshrl.u32 s7, $0x3;
	s15 =	smax.u32 s17, $0x1;
	s0 =	sadd.s32 s2, s0  }
0xf: {  	[dreg:$0x4] =	wrdreg s8;
	s21 =	sadd.s32 s5, s20;
	s22 =	sadd.s32 s6, s20  }
0x10: {  	s23 =	sor.u32 $0x10, s20;
	s25 =	sor.u32 $0x20, s20;
	s26 =	sor.u32 $0x30, s20  }
0x11: {  	s20 =	sshrl.u32 s10, $0x3;
	s2 =	simm.s32 $0x6;
	[dreg:$0x5] =	wrdreg s21  }
0x12: {  	s8 =	simm.s32 $0x0;
	[dreg:$0x6] =	wrdreg s22;
	s24 =	sadd.s32 s5, s23  }
.Ltmp0:
0x13: {  	s13 =	sadd.s32 s6, s23;
	s14 =	sadd.s32 $0x40600, s0;
	(pc) =	sbr.rel .LBB2_1-.Ltmp0, $4  }
0x14: {  	s16 =	sadd.s32 s5, s25;
	s17 =	sadd.s32 s6, s25;
	s18 =	sadd.s32 s5, s26  }
0x15: {  	s19 =	sadd.s32 s6, s26;
	s21 =	simm.s32 $0x7;
	s22 =	simm.s32 $0x100  }
0x16: {  	s23 =	simm.s32 $0x80;
	s25 =	simm.s32 $0x180;
	s26 =	simm.s32 $0x4  }
0x17: {  	s0 =	simm.s32 $0x2;
	[dreg:$0x7] =	wrdreg s24;
	s24 =	simm.s32 $0x200  }
.LBB2_4:
0x18: {  	_ =	swait.ge [sflag:s0], $0x4000  }
0x19: {  	[sflag:s0] =	ssyncset.done $0x0  }
0x1a: {  	[sflag:s0] =	ssyncadd.s32 $0xFFFFC000  }
0x1b: {  	[spmem:s3] =	stream.indirect.scatter.add.f32 [tilespmem:s28], [sflag:$0x6], $0x80, s25, s23, $0xb8;
	[tilespmem:$0x1BE00] =	vst v63  }
0x1c: {  	_ =	swait.ge [sflag:s31], $0x4000  }
0x1d: {  	[sflag:s31] =	ssyncset.done $0x0  }
0x1e: {  	[sflag:s31] =	ssyncadd.s32 $0xFFFFC000  }
0x1f: {  	_ =	swait.ge [sflag:s2], $0x4000  }
0x20: {  	s8 =	sadd.s32 $0x1, s8;
	[sflag:s2] =	ssyncset.done $0x0  }
0x21: {  	p0 =	sne.s32 s8, s15;
	[sflag:s2] =	ssyncadd.s32 $0xFFFFC000  }
.Ltmp1:
0x22: {  	[bflag:$0x0] =	sbarrier.arrive $0xFFFF;
	(pc) =	sbr.rel @!p0 .LBB2_5-.Ltmp1, $4  }
0x23: {  	[hbm:s14], [sflag:s9] =	dma.local [spmem:s20], $0x2780  }
0x24: {  	_ =	swait.ge [sflag:s21], $0x2780  }
0x25: {  	[sflag:s21] =	ssyncset.done $0x0  }
0x26: {  	[sflag:s21] =	ssyncadd.s32 $0xFFFFD880  }
.LBB2_1:
0x27: {  	s10 =	rddreg [dreg:$0x4]  }
0x28: {  	[spmem:s20], [sflag:s9] =	dma.local [hbm:s10], $0x2780  }
0x29: {  	_ =	swait.ge [sflag:s21], $0x2780  }
0x2a: {  	[sflag:s21] =	ssyncset.done $0x0  }
0x2b: {  	[sflag:s21] =	ssyncadd.s32 $0xFFFFD880  }
0x2c: {  	[bflag:$0x0] =	sbarrier.arrive $0xFFFF  }
0x2d: {  	s12 =	rddreg [dreg:$0x5]  }
0x2e: {  	[tilespmem:s4], [sflag:$0x7] =	stream.linear.gather [hbm4b:s12+s4], $0x80, $0x38;
	[tilespmem:$0x1BE00] =	vst v63  }
0x2f: {  	_ =	swait.ge [sflag:s21], $0x80  }
0x30: {  	[sflag:s21] =	ssyncset.done $0x0  }
0x31: {  	s11 =	rddreg [dreg:$0x6];
	[sflag:s21] =	ssyncadd.s32 $0xFFFFFF80  }
0x32: {  	[tilespmem:s22], [sflag:$0x7] =	stream.linear.gather [hbm4b:s11+s4], $0x80, $0x38;
	[tilespmem:$0x1BE00] =	vst v63  }
0x33: {  	_ =	swait.ge [sflag:s21], $0x80  }
0x34: {  	[sflag:s21] =	ssyncset.done $0x0  }
0x35: {  	[sflag:s21] =	ssyncadd.s32 $0xFFFFFF80  }
0x36: {  	[tilespmem:s24], [sflag:$0x1] =	stream.indirect.gather [hbm4b:s1+s23], $0x80, s4, s23, $0xb8;
	[tilespmem:$0x1BE00] =	vst v63  }
0x37: {  	s12 =	rddreg [dreg:$0x7]  }
0x38: {  	[tilespmem:s23], [sflag:$0x4] =	stream.linear.gather [hbm4b:s12+s4], $0x80, $0x38;
	[tilespmem:$0x1BE00] =	vst v63  }
0x39: {  	_ = 	snop  }
0x3a: {  	[tilespmem:s25], [sflag:$0x4] =	stream.linear.gather [hbm4b:s13+s4], $0x80, $0x38;
	[tilespmem:$0x1BE00] =	vst v63  }
0x3b: {  	_ =	swait.ge [sflag:s26], $0x80  }
0x3c: {  	[sflag:s26] =	ssyncset.done $0x0  }
0x3d: {  	[sflag:s26] =	ssyncadd.s32 $0xFFFFFF80  }
0x3e: {  	_ =	swait.ge [sflag:s26], $0x80  }
0x3f: {  	[sflag:s26] =	ssyncset.done $0x0  }
0x40: {  	[sflag:s26] =	ssyncadd.s32 $0xFFFFFF80  }
0x41: {  	[tilespmem:s28], [sflag:$0x2] =	stream.indirect.gather [hbm4b:s1+s23], $0x80, s23, s23, $0xb8;
	[tilespmem:$0x1BE00] =	vst v63  }
0x42: {  	_ =	swait.ge [sflag:s29], $0x4000  }
0x43: {  	[sflag:s29] =	ssyncset.done $0x0  }
0x44: {  	[sflag:s29] =	ssyncadd.s32 $0xFFFFC000  }
0x45: {  	[spmem:s3] =	stream.indirect.scatter.add.f32 [tilespmem:s24], [sflag:$0x5], $0x80, s22, s23, $0xb8;
	[tilespmem:$0x1BE00] =	vst v63  }
0x46: {  	_ = 	snop  }
0x47: {  	[tilespmem:s4], [sflag:$0x3] =	stream.linear.gather [hbm4b:s16+s4], $0x80, $0x38;
	[tilespmem:$0x1BE00] =	vst v63  }
0x48: {  	_ = 	snop  }
0x49: {  	[tilespmem:s22], [sflag:$0x3] =	stream.linear.gather [hbm4b:s17+s4], $0x80, $0x38;
	[tilespmem:$0x1BE00] =	vst v63  }
0x4a: {  	_ =	swait.ge [sflag:s30], $0x80  }
0x4b: {  	[sflag:s30] =	ssyncset.done $0x0  }
0x4c: {  	[sflag:s30] =	ssyncadd.s32 $0xFFFFFF80  }
0x4d: {  	_ =	swait.ge [sflag:s30], $0x80  }
0x4e: {  	[sflag:s30] =	ssyncset.done $0x0  }
0x4f: {  	[sflag:s30] =	ssyncadd.s32 $0xFFFFFF80  }
0x50: {  	_ =	swait.ge [sflag:s31], $0x4000  }
0x51: {  	[sflag:s31] =	ssyncset.done $0x0  }
0x52: {  	[sflag:s31] =	ssyncadd.s32 $0xFFFFC000  }
0x53: {  	[tilespmem:s24], [sflag:$0x1] =	stream.indirect.gather [hbm4b:s1+s23], $0x80, s4, s23, $0xb8;
	[tilespmem:$0x1BE00] =	vst v63  }
0x54: {  	_ =	swait.ge [sflag:s0], $0x4000  }
0x55: {  	[sflag:s0] =	ssyncset.done $0x0  }
0x56: {  	[sflag:s0] =	ssyncadd.s32 $0xFFFFC000  }
0x57: {  	[spmem:s3] =	stream.indirect.scatter.add.f32 [tilespmem:s28], [sflag:$0x6], $0x80, s25, s23, $0xb8;
	[tilespmem:$0x1BE00] =	vst v63  }
0x58: {  	_ = 	snop  }
0x59: {  	[tilespmem:s23], [sflag:$0x4] =	stream.linear.gather [hbm4b:s18+s4], $0x80, $0x38;
	[tilespmem:$0x1BE00] =	vst v63  }
0x5a: {  	s10 =	simm.s32 $0x280  }
0x5b: {  	[tilespmem:s25], [sflag:$0x4] =	stream.linear.gather [hbm4b:s19+s4], $0x80, $0x38;
	[tilespmem:$0x1BE00] =	vst v63  }
.LBB2_2:
0x5c: {  	_ =	swait.ge [sflag:s26], $0x80  }
0x5d: {  	[sflag:s26] =	ssyncset.done $0x0  }
0x5e: {  	[sflag:s26] =	ssyncadd.s32 $0xFFFFFF80  }
0x5f: {  	_ =	swait.ge [sflag:s26], $0x80  }
0x60: {  	[sflag:s26] =	ssyncset.done $0x0  }
0x61: {  	[sflag:s26] =	ssyncadd.s32 $0xFFFFFF80  }
0x62: {  	_ =	swait.ge [sflag:s2], $0x4000  }
0x63: {  	[sflag:s2] =	ssyncset.done $0x0  }
0x64: {  	p0 =	seq.s32 s10, $0x2880;
	[sflag:s2] =	ssyncadd.s32 $0xFFFFC000  }
0x65: {  	[tilespmem:s28], [sflag:$0x2] =	stream.indirect.gather [hbm4b:s1+s23], $0x80, s23, s23, $0xb8;
	[tilespmem:$0x1BE00] =	vst v63  }
.Ltmp2:
0x66: {  	_ = 	snop;
	(pc) =	sbr.rel @p0 .LBB2_4-.Ltmp2, $4  }
0x67: {  	_ =	swait.ge [sflag:s29], $0x4000  }
0x68: {  	[sflag:s29] =	ssyncset.done $0x0  }
0x69: {  	[sflag:s29] =	ssyncadd.s32 $0xFFFFC000  }
0x6a: {  	[spmem:s3] =	stream.indirect.scatter.add.f32 [tilespmem:s24], [sflag:$0x5], $0x80, s22, s23, $0xb8;
	[tilespmem:$0x1BE00] =	vst v63  }
0x6b: {  	s11 =	sadd.s32 $0xFFFFFF80, s10  }
0x6c: {  	s12 =	sand.u32 $0x7C00, s11  }
0x6d: {  	s11 =	sand.u32 $0x300, s11;
	s12 =	sadd.s32 s7, s12  }
0x6e: {  	s11 =	sor.u32 s11, s12  }
0x6f: {  	s11 =	sshrl.u32 s11, $0x3  }
0x70: {  	s12 =	sadd.s32 s5, s11  }
0x71: {  	[tilespmem:s4], [sflag:$0x3] =	stream.linear.gather [hbm4b:s12+s4], $0x80, $0x38;
	[tilespmem:$0x1BE00] =	vst v63  }
0x72: {  	s11 =	sadd.s32 s6, s11  }
0x73: {  	[tilespmem:s22], [sflag:$0x3] =	stream.linear.gather [hbm4b:s11+s4], $0x80, $0x38;
	[tilespmem:$0x1BE00] =	vst v63  }
0x74: {  	_ =	swait.ge [sflag:s30], $0x80  }
0x75: {  	[sflag:s30] =	ssyncset.done $0x0  }
0x76: {  	[sflag:s30] =	ssyncadd.s32 $0xFFFFFF80  }
0x77: {  	_ =	swait.ge [sflag:s30], $0x80  }
0x78: {  	[sflag:s30] =	ssyncset.done $0x0  }
0x79: {  	[sflag:s30] =	ssyncadd.s32 $0xFFFFFF80  }
0x7a: {  	_ =	swait.ge [sflag:s31], $0x4000  }
0x7b: {  	[sflag:s31] =	ssyncset.done $0x0  }
0x7c: {  	[sflag:s31] =	ssyncadd.s32 $0xFFFFC000  }
0x7d: {  	[tilespmem:s24], [sflag:$0x1] =	stream.indirect.gather [hbm4b:s1+s23], $0x80, s4, s23, $0xb8;
	[tilespmem:$0x1BE00] =	vst v63  }
0x7e: {  	s12 =	sand.u32 $0x7C00, s10;
	_ =	swait.ge [sflag:s0], $0x4000  }
0x7f: {  	s11 =	sadd.s32 s7, s12;
	s12 =	sand.u32 $0x380, s10;
	[sflag:s0] =	ssyncset.done $0x0  }
0x80: {  	s11 =	sor.u32 s12, s11;
	[sflag:s0] =	ssyncadd.s32 $0xFFFFC000  }
0x81: {  	[spmem:s3] =	stream.indirect.scatter.add.f32 [tilespmem:s28], [sflag:$0x6], $0x80, s25, s23, $0xb8;
	[tilespmem:$0x1BE00] =	vst v63  }
.Ltmp3:
0x82: {  	s11 =	sshrl.u32 s11, $0x3;
	(pc) =	sbr.rel .LBB2_2-.Ltmp3, $4  }
0x83: {  	s12 =	sadd.s32 s5, s11  }
0x84: {  	[tilespmem:s23], [sflag:$0x4] =	stream.linear.gather [hbm4b:s12+s4], $0x80, $0x38;
	[tilespmem:$0x1BE00] =	vst v63  }
0x85: {  	s10 =	sadd.s32 $0x100, s10;
	s11 =	sadd.s32 s6, s11  }
0x86: {  	[tilespmem:s25], [sflag:$0x4] =	stream.linear.gather [hbm4b:s11+s4], $0x80, $0x38;
	[tilespmem:$0x1BE00] =	vst v63  }
.LBB2_5:
0x87: {  	_ =	sfence.sel $0x180000  }
0x88: {  	[bflag:$0x0] =	sbarrier.arrive $0xFFFF  }
0x89: {  	_ =	strace $0x90000050  }
0x8a: {  	s0 =	stileid.u32;
	[bflag:$0x2] =	sbarrier.arrive $0xFFFF  }
0x8b: {  	p0 =	sne.s32 s0, $0x0;
	s0 =	rddreg [dreg:$0x3]  }
0x8c: {  	s0 =	sadd.s32 @!p0 $0x100000, s0  }
0x8d: {  	[sflag:s0] =	ssyncadd.tile.s32 @!p0 $0x1;
	_ =	shalt  }
.Lfunc_end2:
_tile_overlayer_lowered:
.L_overlay_start_2:
0x8e: {  	(tag) =	ssettag $0x2  }
0x8f: {  	s0 =	rddreg [dreg:$0x0];
	s2 =	stileid.u32  }
0x90: {  	s1 =	rddreg [dreg:$0x1];
	p0 =	sne.s32 s2, $0x0  }
0x91: {  	s3 =	rddreg [dreg:$0x2];
	[bflag:$0x3] =	sbarrier.arrive $0xFFFF;
	s2 =	simm.s32 @!p0 $0x1C07  }
0x92: {  	[timem:s3], [sflag:s2] =	dma.local @!p0 [hbm:s0], s1  }
0x93: {  	s0 =	simm.s32 @!p0 $0x7  }
0x94: {  	_ =	swait.ge @!p0 [sflag:s0], s1  }
0x95: {  	s1 =	ssub.s32 @!p0 $0x0, s1;
	[sflag:s0] =	ssyncset.done @!p0 $0x0  }
0x96: {  	[sflag:s0] =	ssyncadd.s32 @!p0 s1  }
0x97: {  	[bflag:$0x3] =	sbarrier.arrive $0xFFFF  }
0x98: {  	_ =	shalt  }

</sc_bundles>
